<compile_context>
chip_gen: v7x
topology: tpu7x:2x2x1
jax: 0.10.2.dev20260603
libtpu: 0.0.44.dev20260713+nightly
codegen_flags: <defaults>
</compile_context>

<pallas_src>
import functools

import jax
import jax.numpy as jnp
from jax import lax
from jax.experimental import pallas as pl
from jax.experimental.pallas import tpu as pltpu
from jax.experimental.pallas import tpu_sc as plsc

B = 1024
L = 50
EMB = 64
PHOTO_DIM = 1024
N = B * L

_NC = 2
_NS = 16
_NW = _NC * _NS
_RPW = N // _NW
_WCH = 800
_SCH = 200

_SEG_REP = 1024


def _sc_mesh():
    return plsc.VectorSubcoreMesh(
        core_axis_name="c", subcore_axis_name="s",
        num_cores=_NC, num_subcores=_NS)


def _sc_gather_seg(seg_flat, segtab128):
    @functools.partial(
        pl.kernel,
        out_type=jax.ShapeDtypeStruct((N, 128), jnp.float32),
        mesh=_sc_mesh(),
        scratch_types=[
            pltpu.VMEM((_RPW,), jnp.int32),
            pltpu.VMEM((_SCH, 128), jnp.float32),
            pltpu.SemaphoreType.DMA,
        ],
        compiler_params=pltpu.CompilerParams(use_tc_tiling_on_sc=True),
    )
    def seg_k(seg_hbm, stab_hbm, sout_hbm, sidx_v, segrows_v, ssem):
        wid = lax.axis_index("s") * _NC + lax.axis_index("c")
        base = wid * _RPW
        pltpu.sync_copy(seg_hbm.at[pl.ds(base, _RPW)], sidx_v)
        for j in range(_RPW // _SCH):
            pltpu.async_copy(
                stab_hbm.at[sidx_v.at[pl.ds(j * _SCH, _SCH)]],
                segrows_v, ssem).wait()
            pltpu.sync_copy(segrows_v,
                            sout_hbm.at[pl.ds(base + j * _SCH, _SCH)])

    return seg_k(seg_flat, segtab128)


def _sc_gather_word(src_flat, word_table):
    @functools.partial(
        pl.kernel,
        out_type=jax.ShapeDtypeStruct((N, EMB), jnp.float32),
        mesh=_sc_mesh(),
        scratch_types=[
            pltpu.VMEM((_RPW,), jnp.int32),
            pltpu.VMEM((_WCH, EMB), jnp.float32),
            pltpu.SemaphoreType.DMA,
        ],
        compiler_params=pltpu.CompilerParams(use_tc_tiling_on_sc=True),
    )
    def word_k(src_hbm, wtab_hbm, wout_hbm, idx_v, wrows_v, wsem):
        wid = lax.axis_index("s") * _NC + lax.axis_index("c")
        base = wid * _RPW
        pltpu.sync_copy(src_hbm.at[pl.ds(base, _RPW)], idx_v)

        def drain16():
            pltpu.make_async_copy(
                wtab_hbm.at[0, pl.ds(0, 16)],
                wrows_v.at[pl.ds(0, 16)], wsem).wait()

        for c in range(_RPW // _WCH):
            def body(g, _, c=c):
                ivec = idx_v[pl.ds(c * _WCH + g * 16, 16)]
                for k in range(16):
                    i = ivec[k]
                    i0 = i // 500000
                    i1 = i - i0 * 500000
                    pltpu.make_async_copy(
                        wtab_hbm.at[i0, pl.ds(i1, 1)],
                        wrows_v.at[pl.ds(g * 16 + k, 1)], wsem).start()
                lax.cond(g > 2, drain16, lambda: None)
                return 0
            lax.fori_loop(0, _WCH // 16, body, 0, unroll=False)
            for _ in range(3):
                drain16()
            pltpu.sync_copy(wrows_v,
                            wout_hbm.at[pl.ds(base + c * _WCH, _WCH)])

    return word_k(src_flat, word_table.reshape(2, 500000, EMB))


def _tc1_body(vis_ref, W_ref, bvec_ref, pos_ref, out_ref):
    x = jnp.dot(vis_ref[0], W_ref[...], preferred_element_type=jnp.float32)
    out_ref[0] = x + bvec_ref[...] + pos_ref[0]


def _tc1(vis_t, W_vis, b_vis, pos_table):
    return pl.pallas_call(
        _tc1_body,
        grid=(L,),
        in_specs=[
            pl.BlockSpec((1, B, PHOTO_DIM), lambda l: (l, 0, 0)),
            pl.BlockSpec((PHOTO_DIM, EMB), lambda l: (0, 0)),
            pl.BlockSpec((1, EMB), lambda l: (0, 0)),
            pl.BlockSpec((1, 1, EMB), lambda l: (l, 0, 0)),
        ],
        out_specs=pl.BlockSpec((1, B, EMB), lambda l: (l, 0, 0)),
        out_shape=jax.ShapeDtypeStruct((L, B, EMB), jnp.float32),
        compiler_params=pltpu.CompilerParams(
            dimension_semantics=("arbitrary",)),
    )(vis_t, W_vis, b_vis, pos_table.reshape(-1, 1, EMB))


def _tc2_body(part_ref, word_ref, seg_ref, gam_ref, bet_ref, out_ref):
    total = part_ref[0] + word_ref[0] + seg_ref[0][:, :EMB]
    mean = jnp.mean(total, axis=-1, keepdims=True)
    cent = total - mean
    var = jnp.mean(cent * cent, axis=-1, keepdims=True)
    out_ref[0] = cent * lax.rsqrt(var + 1e-6) * gam_ref[...] + bet_ref[...]


def _tc2(part, word3, seg3, gamma, beta):
    return pl.pallas_call(
        _tc2_body,
        grid=(L,),
        in_specs=[
            pl.BlockSpec((1, B, EMB), lambda l: (l, 0, 0)),
            pl.BlockSpec((1, B, EMB), lambda l: (l, 0, 0)),
            pl.BlockSpec((1, B, 128), lambda l: (l, 0, 0)),
            pl.BlockSpec((1, EMB), lambda l: (0, 0)),
            pl.BlockSpec((1, EMB), lambda l: (0, 0)),
        ],
        out_specs=pl.BlockSpec((1, B, EMB), lambda l: (l, 0, 0)),
        out_shape=jax.ShapeDtypeStruct((L, B, EMB), jnp.float32),
        compiler_params=pltpu.CompilerParams(
            dimension_semantics=("arbitrary",)),
    )(part, word3, seg3, gamma, beta)


def kernel(visual, src, seg, word_table, pos_table, seg_table,
           W_vis, b_vis, ln_gamma, ln_beta):
    vis_t = jnp.transpose(visual, (1, 0, 2))
    src_flat = jnp.transpose(src).reshape(N)
    seg_flat = (jnp.transpose(seg).reshape(N)
                + 3 * (jnp.arange(N, dtype=jnp.int32) & (_SEG_REP - 1)))
    segtab128 = jnp.zeros((3 * _SEG_REP, 128), jnp.float32).at[:, :EMB].set(
        jnp.tile(seg_table, (_SEG_REP, 1)))

    part = _tc1(vis_t, W_vis, b_vis.reshape(1, EMB), pos_table)
    segemb = _sc_gather_seg(seg_flat, segtab128)
    pin = (part[0, 0, :1] * 0.0).astype(jnp.int32)
    word = _sc_gather_word(src_flat + pin, word_table)
    out_t = _tc2(part, word.reshape(L, B, EMB), segemb.reshape(L, B, 128),
                 ln_gamma.reshape(1, EMB), ln_beta.reshape(1, EMB))
    return jnp.transpose(out_t, (1, 0, 2))

# --- scband reference (transcript-rebuilt; emitter-appended) ---
"""Pipeline reference for scband-bert-visual-embedding-16630113370594 (READ-ONLY COPY).

The authoritative reference and input builder live on the scoring server;
editing this copy changes nothing except your own understanding.
"""

import jax, jax.numpy as jnp
import numpy as np

VOCAB = 1000000
EMB = 64
PHOTO_DIM = 1024
MAX_LEN = 512
B = 1024
L = 50


def layer_norm(x, gamma, beta, eps=1e-6):
    mean = jnp.mean(x, axis=-1, keepdims=True)
    var = jnp.mean((x - mean) ** 2, axis=-1, keepdims=True)
    return (x - mean) / jnp.sqrt(var + eps) * gamma + beta


def setup_inputs(seed: int = 0) -> dict:
    key = jax.random.key(seed)
    ks = jax.random.split(key, 10)
    visual = jax.random.normal(ks[0], (B, L, PHOTO_DIM), dtype=jnp.float32)
    src = jax.random.randint(ks[1], (B, L), 0, VOCAB, dtype=jnp.int64 if jax.config.jax_enable_x64 else jnp.int32).astype(jnp.int32)
    seg = jax.random.randint(ks[2], (B, L), 0, 3).astype(jnp.int32)
    word_table = jax.random.normal(ks[3], (VOCAB, EMB), dtype=jnp.float32) * 0.02
    pos_table = jax.random.normal(ks[4], (MAX_LEN, EMB), dtype=jnp.float32) * 0.02
    seg_table = jax.random.normal(ks[5], (3, EMB), dtype=jnp.float32) * 0.02
    W_vis = jax.random.normal(ks[6], (PHOTO_DIM, EMB), dtype=jnp.float32) * (1.0 / np.sqrt(PHOTO_DIM))
    b_vis = jnp.zeros((EMB,), dtype=jnp.float32)
    ln_gamma = jnp.ones((EMB,), dtype=jnp.float32)
    ln_beta = jnp.zeros((EMB,), dtype=jnp.float32)
    return {
        "visual": visual, "src": src, "seg": seg,
        "word_table": word_table, "pos_table": pos_table, "seg_table": seg_table,
        "W_vis": W_vis, "b_vis": b_vis, "ln_gamma": ln_gamma, "ln_beta": ln_beta,
    }


def reference(visual, src, seg, word_table, pos_table, seg_table, W_vis, b_vis, ln_gamma, ln_beta):
    # word embedding lookup (gather)
    word_emb = jnp.take(word_table, src, axis=0)  # [B, L, EMB]
    # position embedding: arange over seq, broadcast over batch (pos=None branch)
    pos_ids = jnp.arange(word_emb.shape[1], dtype=jnp.int32)
    pos_emb = jnp.take(pos_table, pos_ids, axis=0)[None, :, :]  # [1, L, EMB]
    # segment embedding lookup
    seg_emb = jnp.take(seg_table, seg, axis=0)  # [B, L, EMB]
    # visual linear projection
    visual_emb = jnp.einsum('blp,pe->ble', visual, W_vis) + b_vis  # [B, L, EMB]
    emb = word_emb + pos_emb + seg_emb + visual_emb
    emb = layer_norm(emb, ln_gamma, ln_beta)
    # dropout is identity in eval/reference mode
    return emb

if __name__ == "__main__":
    import jax
    _d = setup_inputs()
    print(jax.jit(kernel)(*tuple(_d.values())))

</pallas_src>

<mosaic_0001>
#map = affine_map<(d0, d1) -> (0)>
#map1 = affine_map<(d0, d1) -> (0, 0, 0)>
#map2 = affine_map<(d0, d1) -> (0, 0)>
module attributes {stable_mosaic.version = 14 : i64} {
  func.func @word_k(%arg0: i32, %arg1: i32, %arg2: memref<51200xi32, #tpu.memory_space<hbm>>, %arg3: memref<2x500000x64xf32, #tpu.memory_space<hbm>>, %arg4: memref<51200x64xf32, #tpu.memory_space<hbm>>, %arg5: memref<1600xi32, #tpu.memory_space<vmem>>, %arg6: memref<800x64xf32, #tpu.memory_space<vmem>>, %arg7: memref<!tpu.dma_semaphore, #tpu.memory_space<semaphore_mem>>) attributes {dimension_semantics = [#tpu.dimension_semantics<core_parallel>, #tpu.dimension_semantics<subcore_parallel>], iteration_bounds = array<i64: 2, 16>, scalar_prefetch = 0 : i64, scratch_operands = 3 : i64, tpu.core_type = #tpu.core_type<sc_vector_subcore>, window_params = [{transform_indices = #map}, {transform_indices = #map1}, {transform_indices = #map2}]} {
    %mul3A = arith.constant 2 : i32
    %mul3A_0 = arith.muli %arg1, %mul3A : i32
    %add3A = arith.addi %mul3A_0, %arg0 : i32
    %mul3A_1 = arith.constant 1600 : i32
    %mul3A_2 = arith.muli %add3A, %mul3A_1 : i32
    "tpu.region"() ({
      %run_scoped3A = tpu.sem_alloc : memref<!tpu.dma_semaphore, #tpu.memory_space<semaphore_mem>>
      %dma_start3A = tpu.memref_slice %arg2[%mul3A_2] : memref<51200xi32, #tpu.memory_space<hbm>> -> memref<1600xi32, #tpu.memory_space<hbm>>
      %dma_start3A_109 = tpu.memref_slice %arg2[%mul3A_2] : memref<51200xi32, #tpu.memory_space<hbm>> -> memref<1600xi32, #tpu.memory_space<hbm>>
      tpu.enqueue_dma source(%dma_start3A_109 : memref<1600xi32, #tpu.memory_space<hbm>>) target(%arg5 : memref<1600xi32, #tpu.memory_space<vmem>>) target_semaphore(%run_scoped3A : memref<!tpu.dma_semaphore, #tpu.memory_space<semaphore_mem>>)
      %dma_wait3A_110 = tpu.memref_slice %arg2[%mul3A_2] : memref<51200xi32, #tpu.memory_space<hbm>> -> memref<1600xi32, #tpu.memory_space<hbm>>
      %dma_wait3A_111 = tpu.memref_slice %arg2[%mul3A_2] : memref<51200xi32, #tpu.memory_space<hbm>> -> memref<1600xi32, #tpu.memory_space<hbm>>
      tpu.wait_dma2 semaphore(%run_scoped3A : memref<!tpu.dma_semaphore, #tpu.memory_space<semaphore_mem>>) src(%dma_wait3A_111 : memref<1600xi32, #tpu.memory_space<hbm>>) dst(%arg5 : memref<1600xi32, #tpu.memory_space<vmem>>)
      tpu.yield
    }) : () -> ()
    %scan3A = arith.constant 0 : i32
    %scan3A_3 = arith.constant 0 : i32
    %scan3A_4 = arith.constant 50 : i32
    %scan3A_5 = arith.addi %scan3A_3, %scan3A_4 : i32
    %scan3A_6 = arith.constant 1 : i32
    %scan3A_7 = scf.for %scan3A_109 = %scan3A_3 to %scan3A_5 step %scan3A_6 iter_args(%scan3A_110 = %scan3A) -> (i32)  : i32 {
      %mul3A_111 = arith.constant 16 : i32
      %mul3A_112 = arith.muli %scan3A_109, %mul3A_111 : i32
      %add3A_113 = arith.constant 0 : i32
      %add3A_114 = arith.addi %add3A_113, %mul3A_112 : i32
      %get3A = arith.index_cast %add3A_114 : i32 to index
      %get3A_115 = tpu.vector_load %arg5[%get3A] {strides = array<i32>} : memref<1600xi32, #tpu.memory_space<vmem>>, vector<16xi32>,
      %get3A_116 = vector.shape_cast %get3A_115 : vector<16xi32> to vector<16xi32>
      %slice3A = vector.extract_strided_slice %get3A_116 {offsets = [0], sizes = [1], strides = [1]} : vector<16xi32> to vector<1xi32>
      %squeeze3A = vector.extract %slice3A[0] : i32 from vector<1xi32>
      %jit3A = arith.constant 500000 : i32
      %div3A = arith.divsi %squeeze3A, %jit3A : i32
      %sign3A = arith.constant 0 : i32
      %sign3A_117 = arith.cmpi sgt, %squeeze3A, %sign3A : i32
      %sign3A_118 = arith.extui %sign3A_117 : i1 to i32
      %sign3A_119 = arith.constant 0 : i32
      %sign3A_120 = arith.cmpi slt, %squeeze3A, %sign3A_119 : i32
      %sign3A_121 = arith.extui %sign3A_120 : i1 to i32
      %sign3A_122 = arith.subi %sign3A_118, %sign3A_121 : i32
      %sign3A_123 = arith.constant 0 : i32
      %sign3A_124 = arith.cmpi sgt, %jit3A, %sign3A_123 : i32
      %sign3A_125 = arith.extui %sign3A_124 : i1 to i32
      %sign3A_126 = arith.constant 0 : i32
      %sign3A_127 = arith.cmpi slt, %jit3A, %sign3A_126 : i32
      %sign3A_128 = arith.extui %sign3A_127 : i1 to i32
      %sign3A_129 = arith.subi %sign3A_125, %sign3A_128 : i32
      %ne3A = arith.cmpi ne, %sign3A_122, %sign3A_129 : i32
      %rem3A = arith.remsi %squeeze3A, %jit3A : i32
      %ne3A_130 = arith.constant 0 : i32
      %ne3A_131 = arith.cmpi ne, %rem3A, %ne3A_130 : i32
      %and3A = arith.andi %ne3A, %ne3A_131 : i1
      %sub3A = arith.constant 1 : i32
      %sub3A_132 = arith.subi %div3A, %sub3A : i32
      %select_n3A = arith.select %and3A, %sub3A_132, %div3A : i32
      %mul3A_133 = arith.constant 500000 : i32
      %mul3A_134 = arith.muli %select_n3A, %mul3A_133 : i32
      %sub3A_135 = arith.subi %squeeze3A, %mul3A_134 : i32
      %mul3A_136 = arith.constant 16 : i32
      %mul3A_137 = arith.muli %scan3A_109, %mul3A_136 : i32
      %add3A_138 = arith.constant 0 : i32
      %add3A_139 = arith.addi %mul3A_137, %add3A_138 : i32
      %dma_start3A = arith.constant 0 : i32
      %dma_start3A_140 = tpu.memref_slice %arg6[%add3A_139, %dma_start3A] : memref<800x64xf32, #tpu.memory_space<vmem>> -> memref<1x64xf32, #tpu.memory_space<vmem>>
      %dma_start3A_141 = arith.constant 0 : i32
      %dma_start3A_142 = tpu.memref_slice %arg3[%select_n3A, %sub3A_135, %dma_start3A_141] : memref<2x500000x64xf32, #tpu.memory_space<hbm>> -> memref<1x1x64xf32, #tpu.memory_space<hbm>>
      %dma_start3A_143 = tpu.memref_squeeze %dma_start3A_142 : memref<1x1x64xf32, #tpu.memory_space<hbm>> -> memref<1x64xf32, #tpu.memory_space<hbm>>
      %dma_start3A_144 = arith.constant 0 : i32
      %dma_start3A_145 = tpu.memref_slice %arg6[%add3A_139, %dma_start3A_144] : memref<800x64xf32, #tpu.memory_space<vmem>> -> memref<1x64xf32, #tpu.memory_space<vmem>>
      %dma_start3A_146 = arith.constant 0 : i32
      %dma_start3A_147 = tpu.memref_slice %arg3[%select_n3A, %sub3A_135, %dma_start3A_146] : memref<2x500000x64xf32, #tpu.memory_space<hbm>> -> memref<1x1x64xf32, #tpu.memory_space<hbm>>
      %dma_start3A_148 = tpu.memref_squeeze %dma_start3A_147 : memref<1x1x64xf32, #tpu.memory_space<hbm>> -> memref<1x64xf32, #tpu.memory_space<hbm>>
      tpu.enqueue_dma source(%dma_start3A_148 : memref<1x64xf32, #tpu.memory_space<hbm>>) target(%dma_start3A_145 : memref<1x64xf32, #tpu.memory_space<vmem>>) target_semaphore(%arg7 : memref<!tpu.dma_semaphore, #tpu.memory_space<semaphore_mem>>)
      %slice3A_149 = vector.extract_strided_slice %get3A_116 {offsets = [1], sizes = [1], strides = [1]} : vector<16xi32> to vector<1xi32>
      %squeeze3A_150 = vector.extract %slice3A_149[0] : i32 from vector<1xi32>
      %jit3A_151 = arith.constant 500000 : i32
      %div3A_152 = arith.divsi %squeeze3A_150, %jit3A_151 : i32
      %sign3A_153 = arith.constant 0 : i32
      %sign3A_154 = arith.cmpi sgt, %squeeze3A_150, %sign3A_153 : i32
      %sign3A_155 = arith.extui %sign3A_154 : i1 to i32
      %sign3A_156 = arith.constant 0 : i32
      %sign3A_157 = arith.cmpi slt, %squeeze3A_150, %sign3A_156 : i32
      %sign3A_158 = arith.extui %sign3A_157 : i1 to i32
      %sign3A_159 = arith.subi %sign3A_155, %sign3A_158 : i32
      %sign3A_160 = arith.constant 0 : i32
      %sign3A_161 = arith.cmpi sgt, %jit3A_151, %sign3A_160 : i32
      %sign3A_162 = arith.extui %sign3A_161 : i1 to i32
      %sign3A_163 = arith.constant 0 : i32
      %sign3A_164 = arith.cmpi slt, %jit3A_151, %sign3A_163 : i32
      %sign3A_165 = arith.extui %sign3A_164 : i1 to i32
      %sign3A_166 = arith.subi %sign3A_162, %sign3A_165 : i32
      %ne3A_167 = arith.cmpi ne, %sign3A_159, %sign3A_166 : i32
      %rem3A_168 = arith.remsi %squeeze3A_150, %jit3A_151 : i32
      %ne3A_169 = arith.constant 0 : i32
      %ne3A_170 = arith.cmpi ne, %rem3A_168, %ne3A_169 : i32
      %and3A_171 = arith.andi %ne3A_167, %ne3A_170 : i1
      %sub3A_172 = arith.constant 1 : i32
      %sub3A_173 = arith.subi %div3A_152, %sub3A_172 : i32
      %select_n3A_174 = arith.select %and3A_171, %sub3A_173, %div3A_152 : i32
      %mul3A_175 = arith.constant 500000 : i32
      %mul3A_176 = arith.muli %select_n3A_174, %mul3A_175 : i32
      %sub3A_177 = arith.subi %squeeze3A_150, %mul3A_176 : i32
      %mul3A_178 = arith.constant 16 : i32
      %mul3A_179 = arith.muli %scan3A_109, %mul3A_178 : i32
      %add3A_180 = arith.constant 1 : i32
      %add3A_181 = arith.addi %mul3A_179, %add3A_180 : i32
      %dma_start3A_182 = arith.constant 0 : i32
      %dma_start3A_183 = tpu.memref_slice %arg6[%add3A_181, %dma_start3A_182] : memref<800x64xf32, #tpu.memory_space<vmem>> -> memref<1x64xf32, #tpu.memory_space<vmem>>
      %dma_start3A_184 = arith.constant 0 : i32
      %dma_start3A_185 = tpu.memref_slice %arg3[%select_n3A_174, %sub3A_177, %dma_start3A_184] : memref<2x500000x64xf32, #tpu.memory_space<hbm>> -> memref<1x1x64xf32, #tpu.memory_space<hbm>>
      %dma_start3A_186 = tpu.memref_squeeze %dma_start3A_185 : memref<1x1x64xf32, #tpu.memory_space<hbm>> -> memref<1x64xf32, #tpu.memory_space<hbm>>
      %dma_start3A_187 = arith.constant 0 : i32
      %dma_start3A_188 = tpu.memref_slice %arg6[%add3A_181, %dma_start3A_187] : memref<800x64xf32, #tpu.memory_space<vmem>> -> memref<1x64xf32, #tpu.memory_space<vmem>>
      %dma_start3A_189 = arith.constant 0 : i32
      %dma_start3A_190 = tpu.memref_slice %arg3[%select_n3A_174, %sub3A_177, %dma_start3A_189] : memref<2x500000x64xf32, #tpu.memory_space<hbm>> -> memref<1x1x64xf32, #tpu.memory_space<hbm>>
      %dma_start3A_191 = tpu.memref_squeeze %dma_start3A_190 : memref<1x1x64xf32, #tpu.memory_space<hbm>> -> memref<1x64xf32, #tpu.memory_space<hbm>>
      tpu.enqueue_dma source(%dma_start3A_191 : memref<1x64xf32, #tpu.memory_space<hbm>>) target(%dma_start3A_188 : memref<1x64xf32, #tpu.memory_space<vmem>>) target_semaphore(%arg7 : memref<!tpu.dma_semaphore, #tpu.memory_space<semaphore_mem>>)
      %slice3A_192 = vector.extract_strided_slice %get3A_116 {offsets = [2], sizes = [1], strides = [1]} : vector<16xi32> to vector<1xi32>
      %squeeze3A_193 = vector.extract %slice3A_192[0] : i32 from vector<1xi32>
      %jit3A_194 = arith.constant 500000 : i32
      %div3A_195 = arith.divsi %squeeze3A_193, %jit3A_194 : i32
      %sign3A_196 = arith.constant 0 : i32
      %sign3A_197 = arith.cmpi sgt, %squeeze3A_193, %sign3A_196 : i32
      %sign3A_198 = arith.extui %sign3A_197 : i1 to i32
      %sign3A_199 = arith.constant 0 : i32
      %sign3A_200 = arith.cmpi slt, %squeeze3A_193, %sign3A_199 : i32
      %sign3A_201 = arith.extui %sign3A_200 : i1 to i32
      %sign3A_202 = arith.subi %sign3A_198, %sign3A_201 : i32
      %sign3A_203 = arith.constant 0 : i32
      %sign3A_204 = arith.cmpi sgt, %jit3A_194, %sign3A_203 : i32
      %sign3A_205 = arith.extui %sign3A_204 : i1 to i32
      %sign3A_206 = arith.constant 0 : i32
      %sign3A_207 = arith.cmpi slt, %jit3A_194, %sign3A_206 : i32
      %sign3A_208 = arith.extui %sign3A_207 : i1 to i32
      %sign3A_209 = arith.subi %sign3A_205, %sign3A_208 : i32
      %ne3A_210 = arith.cmpi ne, %sign3A_202, %sign3A_209 : i32
      %rem3A_211 = arith.remsi %squeeze3A_193, %jit3A_194 : i32
      %ne3A_212 = arith.constant 0 : i32
      %ne3A_213 = arith.cmpi ne, %rem3A_211, %ne3A_212 : i32
      %and3A_214 = arith.andi %ne3A_210, %ne3A_213 : i1
      %sub3A_215 = arith.constant 1 : i32
      %sub3A_216 = arith.subi %div3A_195, %sub3A_215 : i32
      %select_n3A_217 = arith.select %and3A_214, %sub3A_216, %div3A_195 : i32
      %mul3A_218 = arith.constant 500000 : i32
      %mul3A_219 = arith.muli %select_n3A_217, %mul3A_218 : i32
      %sub3A_220 = arith.subi %squeeze3A_193, %mul3A_219 : i32
      %mul3A_221 = arith.constant 16 : i32
      %mul3A_222 = arith.muli %scan3A_109, %mul3A_221 : i32
      %add3A_223 = arith.constant 2 : i32
      %add3A_224 = arith.addi %mul3A_222, %add3A_223 : i32
      %dma_start3A_225 = arith.constant 0 : i32
      %dma_start3A_226 = tpu.memref_slice %arg6[%add3A_224, %dma_start3A_225] : memref<800x64xf32, #tpu.memory_space<vmem>> -> memref<1x64xf32, #tpu.memory_space<vmem>>
      %dma_start3A_227 = arith.constant 0 : i32
      %dma_start3A_228 = tpu.memref_slice %arg3[%select_n3A_217, %sub3A_220, %dma_start3A_227] : memref<2x500000x64xf32, #tpu.memory_space<hbm>> -> memref<1x1x64xf32, #tpu.memory_space<hbm>>
      %dma_start3A_229 = tpu.memref_squeeze %dma_start3A_228 : memref<1x1x64xf32, #tpu.memory_space<hbm>> -> memref<1x64xf32, #tpu.memory_space<hbm>>
      %dma_start3A_230 = arith.constant 0 : i32
      %dma_start3A_231 = tpu.memref_slice %arg6[%add3A_224, %dma_start3A_230] : memref<800x64xf32, #tpu.memory_space<vmem>> -> memref<1x64xf32, #tpu.memory_space<vmem>>
      %dma_start3A_232 = arith.constant 0 : i32
      %dma_start3A_233 = tpu.memref_slice %arg3[%select_n3A_217, %sub3A_220, %dma_start3A_232] : memref<2x500000x64xf32, #tpu.memory_space<hbm>> -> memref<1x1x64xf32, #tpu.memory_space<hbm>>
      %dma_start3A_234 = tpu.memref_squeeze %dma_start3A_233 : memref<1x1x64xf32, #tpu.memory_space<hbm>> -> memref<1x64xf32, #tpu.memory_space<hbm>>
      tpu.enqueue_dma source(%dma_start3A_234 : memref<1x64xf32, #tpu.memory_space<hbm>>) target(%dma_start3A_231 : memref<1x64xf32, #tpu.memory_space<vmem>>) target_semaphore(%arg7 : memref<!tpu.dma_semaphore, #tpu.memory_space<semaphore_mem>>)
      %slice3A_235 = vector.extract_strided_slice %get3A_116 {offsets = [3], sizes = [1], strides = [1]} : vector<16xi32> to vector<1xi32>
      %squeeze3A_236 = vector.extract %slice3A_235[0] : i32 from vector<1xi32>
      %jit3A_237 = arith.constant 500000 : i32
      %div3A_238 = arith.divsi %squeeze3A_236, %jit3A_237 : i32
      %sign3A_239 = arith.constant 0 : i32
      %sign3A_240 = arith.cmpi sgt, %squeeze3A_236, %sign3A_239 : i32
      %sign3A_241 = arith.extui %sign3A_240 : i1 to i32
      %sign3A_242 = arith.constant 0 : i32
      %sign3A_243 = arith.cmpi slt, %squeeze3A_236, %sign3A_242 : i32
      %sign3A_244 = arith.extui %sign3A_243 : i1 to i32
      %sign3A_245 = arith.subi %sign3A_241, %sign3A_244 : i32
      %sign3A_246 = arith.constant 0 : i32
      %sign3A_247 = arith.cmpi sgt, %jit3A_237, %sign3A_246 : i32
      %sign3A_248 = arith.extui %sign3A_247 : i1 to i32
      %sign3A_249 = arith.constant 0 : i32
      %sign3A_250 = arith.cmpi slt, %jit3A_237, %sign3A_249 : i32
      %sign3A_251 = arith.extui %sign3A_250 : i1 to i32
      %sign3A_252 = arith.subi %sign3A_248, %sign3A_251 : i32
      %ne3A_253 = arith.cmpi ne, %sign3A_245, %sign3A_252 : i32
      %rem3A_254 = arith.remsi %squeeze3A_236, %jit3A_237 : i32
      %ne3A_255 = arith.constant 0 : i32
      %ne3A_256 = arith.cmpi ne, %rem3A_254, %ne3A_255 : i32
      %and3A_257 = arith.andi %ne3A_253, %ne3A_256 : i1
      %sub3A_258 = arith.constant 1 : i32
      %sub3A_259 = arith.subi %div3A_238, %sub3A_258 : i32
      %select_n3A_260 = arith.select %and3A_257, %sub3A_259, %div3A_238 : i32
      %mul3A_261 = arith.constant 500000 : i32
      %mul3A_262 = arith.muli %select_n3A_260, %mul3A_261 : i32
      %sub3A_263 = arith.subi %squeeze3A_236, %mul3A_262 : i32
      %mul3A_264 = arith.constant 16 : i32
      %mul3A_265 = arith.muli %scan3A_109, %mul3A_264 : i32
      %add3A_266 = arith.constant 3 : i32
      %add3A_267 = arith.addi %mul3A_265, %add3A_266 : i32
      %dma_start3A_268 = arith.constant 0 : i32
      %dma_start3A_269 = tpu.memref_slice %arg6[%add3A_267, %dma_start3A_268] : memref<800x64xf32, #tpu.memory_space<vmem>> -> memref<1x64xf32, #tpu.memory_space<vmem>>
      %dma_start3A_270 = arith.constant 0 : i32
      %dma_start3A_271 = tpu.memref_slice %arg3[%select_n3A_260, %sub3A_263, %dma_start3A_270] : memref<2x500000x64xf32, #tpu.memory_space<hbm>> -> memref<1x1x64xf32, #tpu.memory_space<hbm>>
      %dma_start3A_272 = tpu.memref_squeeze %dma_start3A_271 : memref<1x1x64xf32, #tpu.memory_space<hbm>> -> memref<1x64xf32, #tpu.memory_space<hbm>>
      %dma_start3A_273 = arith.constant 0 : i32
      %dma_start3A_274 = tpu.memref_slice %arg6[%add3A_267, %dma_start3A_273] : memref<800x64xf32, #tpu.memory_space<vmem>> -> memref<1x64xf32, #tpu.memory_space<vmem>>
      %dma_start3A_275 = arith.constant 0 : i32
      %dma_start3A_276 = tpu.memref_slice %arg3[%select_n3A_260, %sub3A_263, %dma_start3A_275] : memref<2x500000x64xf32, #tpu.memory_space<hbm>> -> memref<1x1x64xf32, #tpu.memory_space<hbm>>
      %dma_start3A_277 = tpu.memref_squeeze %dma_start3A_276 : memref<1x1x64xf32, #tpu.memory_space<hbm>> -> memref<1x64xf32, #tpu.memory_space<hbm>>
      tpu.enqueue_dma source(%dma_start3A_277 : memref<1x64xf32, #tpu.memory_space<hbm>>) target(%dma_start3A_274 : memref<1x64xf32, #tpu.memory_space<vmem>>) target_semaphore(%arg7 : memref<!tpu.dma_semaphore, #tpu.memory_space<semaphore_mem>>)
      %slice3A_278 = vector.extract_strided_slice %get3A_116 {offsets = [4], sizes = [1], strides = [1]} : vector<16xi32> to vector<1xi32>
      %squeeze3A_279 = vector.extract %slice3A_278[0] : i32 from vector<1xi32>
      %jit3A_280 = arith.constant 500000 : i32
      %div3A_281 = arith.divsi %squeeze3A_279, %jit3A_280 : i32
      %sign3A_282 = arith.constant 0 : i32
      %sign3A_283 = arith.cmpi sgt, %squeeze3A_279, %sign3A_282 : i32
      %sign3A_284 = arith.extui %sign3A_283 : i1 to i32
      %sign3A_285 = arith.constant 0 : i32
      %sign3A_286 = arith.cmpi slt, %squeeze3A_279, %sign3A_285 : i32
      %sign3A_287 = arith.extui %sign3A_286 : i1 to i32
      %sign3A_288 = arith.subi %sign3A_284, %sign3A_287 : i32
      %sign3A_289 = arith.constant 0 : i32
      %sign3A_290 = arith.cmpi sgt, %jit3A_280, %sign3A_289 : i32
      %sign3A_291 = arith.extui %sign3A_290 : i1 to i32
      %sign3A_292 = arith.constant 0 : i32
      %sign3A_293 = arith.cmpi slt, %jit3A_280, %sign3A_292 : i32
      %sign3A_294 = arith.extui %sign3A_293 : i1 to i32
      %sign3A_295 = arith.subi %sign3A_291, %sign3A_294 : i32
      %ne3A_296 = arith.cmpi ne, %sign3A_288, %sign3A_295 : i32
      %rem3A_297 = arith.remsi %squeeze3A_279, %jit3A_280 : i32
      %ne3A_298 = arith.constant 0 : i32
      %ne3A_299 = arith.cmpi ne, %rem3A_297, %ne3A_298 : i32
      %and3A_300 = arith.andi %ne3A_296, %ne3A_299 : i1
      %sub3A_301 = arith.constant 1 : i32
      %sub3A_302 = arith.subi %div3A_281, %sub3A_301 : i32
      %select_n3A_303 = arith.select %and3A_300, %sub3A_302, %div3A_281 : i32
      %mul3A_304 = arith.constant 500000 : i32
      %mul3A_305 = arith.muli %select_n3A_303, %mul3A_304 : i32
      %sub3A_306 = arith.subi %squeeze3A_279, %mul3A_305 : i32
      %mul3A_307 = arith.constant 16 : i32
      %mul3A_308 = arith.muli %scan3A_109, %mul3A_307 : i32
      %add3A_309 = arith.constant 4 : i32
      %add3A_310 = arith.addi %mul3A_308, %add3A_309 : i32
      %dma_start3A_311 = arith.constant 0 : i32
      %dma_start3A_312 = tpu.memref_slice %arg6[%add3A_310, %dma_start3A_311] : memref<800x64xf32, #tpu.memory_space<vmem>> -> memref<1x64xf32, #tpu.memory_space<vmem>>
      %dma_start3A_313 = arith.constant 0 : i32
      %dma_start3A_314 = tpu.memref_slice %arg3[%select_n3A_303, %sub3A_306, %dma_start3A_313] : memref<2x500000x64xf32, #tpu.memory_space<hbm>> -> memref<1x1x64xf32, #tpu.memory_space<hbm>>
      %dma_start3A_315 = tpu.memref_squeeze %dma_start3A_314 : memref<1x1x64xf32, #tpu.memory_space<hbm>> -> memref<1x64xf32, #tpu.memory_space<hbm>>
      %dma_start3A_316 = arith.constant 0 : i32
      %dma_start3A_317 = tpu.memref_slice %arg6[%add3A_310, %dma_start3A_316] : memref<800x64xf32, #tpu.memory_space<vmem>> -> memref<1x64xf32, #tpu.memory_space<vmem>>
      %dma_start3A_318 = arith.constant 0 : i32
      %dma_start3A_319 = tpu.memref_slice %arg3[%select_n3A_303, %sub3A_306, %dma_start3A_318] : memref<2x500000x64xf32, #tpu.memory_space<hbm>> -> memref<1x1x64xf32, #tpu.memory_space<hbm>>
      %dma_start3A_320 = tpu.memref_squeeze %dma_start3A_319 : memref<1x1x64xf32, #tpu.memory_space<hbm>> -> memref<1x64xf32, #tpu.memory_space<hbm>>
      tpu.enqueue_dma source(%dma_start3A_320 : memref<1x64xf32, #tpu.memory_space<hbm>>) target(%dma_start3A_317 : memref<1x64xf32, #tpu.memory_space<vmem>>) target_semaphore(%arg7 : memref<!tpu.dma_semaphore, #tpu.memory_space<semaphore_mem>>)
      %slice3A_321 = vector.extract_strided_slice %get3A_116 {offsets = [5], sizes = [1], strides = [1]} : vector<16xi32> to vector<1xi32>
      %squeeze3A_322 = vector.extract %slice3A_321[0] : i32 from vector<1xi32>
      %jit3A_323 = arith.constant 500000 : i32
      %div3A_324 = arith.divsi %squeeze3A_322, %jit3A_323 : i32
      %sign3A_325 = arith.constant 0 : i32
      %sign3A_326 = arith.cmpi sgt, %squeeze3A_322, %sign3A_325 : i32
      %sign3A_327 = arith.extui %sign3A_326 : i1 to i32
      %sign3A_328 = arith.constant 0 : i32
      %sign3A_329 = arith.cmpi slt, %squeeze3A_322, %sign3A_328 : i32
      %sign3A_330 = arith.extui %sign3A_329 : i1 to i32
      %sign3A_331 = arith.subi %sign3A_327, %sign3A_330 : i32
      %sign3A_332 = arith.constant 0 : i32
      %sign3A_333 = arith.cmpi sgt, %jit3A_323, %sign3A_332 : i32
      %sign3A_334 = arith.extui %sign3A_333 : i1 to i32
      %sign3A_335 = arith.constant 0 : i32
      %sign3A_336 = arith.cmpi slt, %jit3A_323, %sign3A_335 : i32
      %sign3A_337 = arith.extui %sign3A_336 : i1 to i32
      %sign3A_338 = arith.subi %sign3A_334, %sign3A_337 : i32
      %ne3A_339 = arith.cmpi ne, %sign3A_331, %sign3A_338 : i32
      %rem3A_340 = arith.remsi %squeeze3A_322, %jit3A_323 : i32
      %ne3A_341 = arith.constant 0 : i32
      %ne3A_342 = arith.cmpi ne, %rem3A_340, %ne3A_341 : i32
      %and3A_343 = arith.andi %ne3A_339, %ne3A_342 : i1
      %sub3A_344 = arith.constant 1 : i32
      %sub3A_345 = arith.subi %div3A_324, %sub3A_344 : i32
      %select_n3A_346 = arith.select %and3A_343, %sub3A_345, %div3A_324 : i32
      %mul3A_347 = arith.constant 500000 : i32
      %mul3A_348 = arith.muli %select_n3A_346, %mul3A_347 : i32
      %sub3A_349 = arith.subi %squeeze3A_322, %mul3A_348 : i32
      %mul3A_350 = arith.constant 16 : i32
      %mul3A_351 = arith.muli %scan3A_109, %mul3A_350 : i32
      %add3A_352 = arith.constant 5 : i32
      %add3A_353 = arith.addi %mul3A_351, %add3A_352 : i32
      %dma_start3A_354 = arith.constant 0 : i32
      %dma_start3A_355 = tpu.memref_slice %arg6[%add3A_353, %dma_start3A_354] : memref<800x64xf32, #tpu.memory_space<vmem>> -> memref<1x64xf32, #tpu.memory_space<vmem>>
      %dma_start3A_356 = arith.constant 0 : i32
      %dma_start3A_357 = tpu.memref_slice %arg3[%select_n3A_346, %sub3A_349, %dma_start3A_356] : memref<2x500000x64xf32, #tpu.memory_space<hbm>> -> memref<1x1x64xf32, #tpu.memory_space<hbm>>
      %dma_start3A_358 = tpu.memref_squeeze %dma_start3A_357 : memref<1x1x64xf32, #tpu.memory_space<hbm>> -> memref<1x64xf32, #tpu.memory_space<hbm>>
      %dma_start3A_359 = arith.constant 0 : i32
      %dma_start3A_360 = tpu.memref_slice %arg6[%add3A_353, %dma_start3A_359] : memref<800x64xf32, #tpu.memory_space<vmem>> -> memref<1x64xf32, #tpu.memory_space<vmem>>
      %dma_start3A_361 = arith.constant 0 : i32
      %dma_start3A_362 = tpu.memref_slice %arg3[%select_n3A_346, %sub3A_349, %dma_start3A_361] : memref<2x500000x64xf32, #tpu.memory_space<hbm>> -> memref<1x1x64xf32, #tpu.memory_space<hbm>>
      %dma_start3A_363 = tpu.memref_squeeze %dma_start3A_362 : memref<1x1x64xf32, #tpu.memory_space<hbm>> -> memref<1x64xf32, #tpu.memory_space<hbm>>
      tpu.enqueue_dma source(%dma_start3A_363 : memref<1x64xf32, #tpu.memory_space<hbm>>) target(%dma_start3A_360 : memref<1x64xf32, #tpu.memory_space<vmem>>) target_semaphore(%arg7 : memref<!tpu.dma_semaphore, #tpu.memory_space<semaphore_mem>>)
      %slice3A_364 = vector.extract_strided_slice %get3A_116 {offsets = [6], sizes = [1], strides = [1]} : vector<16xi32> to vector<1xi32>
      %squeeze3A_365 = vector.extract %slice3A_364[0] : i32 from vector<1xi32>
      %jit3A_366 = arith.constant 500000 : i32
      %div3A_367 = arith.divsi %squeeze3A_365, %jit3A_366 : i32
      %sign3A_368 = arith.constant 0 : i32
      %sign3A_369 = arith.cmpi sgt, %squeeze3A_365, %sign3A_368 : i32
      %sign3A_370 = arith.extui %sign3A_369 : i1 to i32
      %sign3A_371 = arith.constant 0 : i32
      %sign3A_372 = arith.cmpi slt, %squeeze3A_365, %sign3A_371 : i32
      %sign3A_373 = arith.extui %sign3A_372 : i1 to i32
      %sign3A_374 = arith.subi %sign3A_370, %sign3A_373 : i32
      %sign3A_375 = arith.constant 0 : i32
      %sign3A_376 = arith.cmpi sgt, %jit3A_366, %sign3A_375 : i32
      %sign3A_377 = arith.extui %sign3A_376 : i1 to i32
      %sign3A_378 = arith.constant 0 : i32
      %sign3A_379 = arith.cmpi slt, %jit3A_366, %sign3A_378 : i32
      %sign3A_380 = arith.extui %sign3A_379 : i1 to i32
      %sign3A_381 = arith.subi %sign3A_377, %sign3A_380 : i32
      %ne3A_382 = arith.cmpi ne, %sign3A_374, %sign3A_381 : i32
      %rem3A_383 = arith.remsi %squeeze3A_365, %jit3A_366 : i32
      %ne3A_384 = arith.constant 0 : i32
      %ne3A_385 = arith.cmpi ne, %rem3A_383, %ne3A_384 : i32
      %and3A_386 = arith.andi %ne3A_382, %ne3A_385 : i1
      %sub3A_387 = arith.constant 1 : i32
      %sub3A_388 = arith.subi %div3A_367, %sub3A_387 : i32
      %select_n3A_389 = arith.select %and3A_386, %sub3A_388, %div3A_367 : i32
      %mul3A_390 = arith.constant 500000 : i32
      %mul3A_391 = arith.muli %select_n3A_389, %mul3A_390 : i32
      %sub3A_392 = arith.subi %squeeze3A_365, %mul3A_391 : i32
      %mul3A_393 = arith.constant 16 : i32
      %mul3A_394 = arith.muli %scan3A_109, %mul3A_393 : i32
      %add3A_395 = arith.constant 6 : i32
      %add3A_396 = arith.addi %mul3A_394, %add3A_395 : i32
      %dma_start3A_397 = arith.constant 0 : i32
      %dma_start3A_398 = tpu.memref_slice %arg6[%add3A_396, %dma_start3A_397] : memref<800x64xf32, #tpu.memory_space<vmem>> -> memref<1x64xf32, #tpu.memory_space<vmem>>
      %dma_start3A_399 = arith.constant 0 : i32
      %dma_start3A_400 = tpu.memref_slice %arg3[%select_n3A_389, %sub3A_392, %dma_start3A_399] : memref<2x500000x64xf32, #tpu.memory_space<hbm>> -> memref<1x1x64xf32, #tpu.memory_space<hbm>>
      %dma_start3A_401 = tpu.memref_squeeze %dma_start3A_400 : memref<1x1x64xf32, #tpu.memory_space<hbm>> -> memref<1x64xf32, #tpu.memory_space<hbm>>
      %dma_start3A_402 = arith.constant 0 : i32
      %dma_start3A_403 = tpu.memref_slice %arg6[%add3A_396, %dma_start3A_402] : memref<800x64xf32, #tpu.memory_space<vmem>> -> memref<1x64xf32, #tpu.memory_space<vmem>>
      %dma_start3A_404 = arith.constant 0 : i32
      %dma_start3A_405 = tpu.memref_slice %arg3[%select_n3A_389, %sub3A_392, %dma_start3A_404] : memref<2x500000x64xf32, #tpu.memory_space<hbm>> -> memref<1x1x64xf32, #tpu.memory_space<hbm>>
      %dma_start3A_406 = tpu.memref_squeeze %dma_start3A_405 : memref<1x1x64xf32, #tpu.memory_space<hbm>> -> memref<1x64xf32, #tpu.memory_space<hbm>>
      tpu.enqueue_dma source(%dma_start3A_406 : memref<1x64xf32, #tpu.memory_space<hbm>>) target(%dma_start3A_403 : memref<1x64xf32, #tpu.memory_space<vmem>>) target_semaphore(%arg7 : memref<!tpu.dma_semaphore, #tpu.memory_space<semaphore_mem>>)
      %slice3A_407 = vector.extract_strided_slice %get3A_116 {offsets = [7], sizes = [1], strides = [1]} : vector<16xi32> to vector<1xi32>
      %squeeze3A_408 = vector.extract %slice3A_407[0] : i32 from vector<1xi32>
      %jit3A_409 = arith.constant 500000 : i32
      %div3A_410 = arith.divsi %squeeze3A_408, %jit3A_409 : i32
      %sign3A_411 = arith.constant 0 : i32
      %sign3A_412 = arith.cmpi sgt, %squeeze3A_408, %sign3A_411 : i32
      %sign3A_413 = arith.extui %sign3A_412 : i1 to i32
      %sign3A_414 = arith.constant 0 : i32
      %sign3A_415 = arith.cmpi slt, %squeeze3A_408, %sign3A_414 : i32
      %sign3A_416 = arith.extui %sign3A_415 : i1 to i32
      %sign3A_417 = arith.subi %sign3A_413, %sign3A_416 : i32
      %sign3A_418 = arith.constant 0 : i32
      %sign3A_419 = arith.cmpi sgt, %jit3A_409, %sign3A_418 : i32
      %sign3A_420 = arith.extui %sign3A_419 : i1 to i32
      %sign3A_421 = arith.constant 0 : i32
      %sign3A_422 = arith.cmpi slt, %jit3A_409, %sign3A_421 : i32
      %sign3A_423 = arith.extui %sign3A_422 : i1 to i32
      %sign3A_424 = arith.subi %sign3A_420, %sign3A_423 : i32
      %ne3A_425 = arith.cmpi ne, %sign3A_417, %sign3A_424 : i32
      %rem3A_426 = arith.remsi %squeeze3A_408, %jit3A_409 : i32
      %ne3A_427 = arith.constant 0 : i32
      %ne3A_428 = arith.cmpi ne, %rem3A_426, %ne3A_427 : i32
      %and3A_429 = arith.andi %ne3A_425, %ne3A_428 : i1
      %sub3A_430 = arith.constant 1 : i32
      %sub3A_431 = arith.subi %div3A_410, %sub3A_430 : i32
      %select_n3A_432 = arith.select %and3A_429, %sub3A_431, %div3A_410 : i32
      %mul3A_433 = arith.constant 500000 : i32
      %mul3A_434 = arith.muli %select_n3A_432, %mul3A_433 : i32
      %sub3A_435 = arith.subi %squeeze3A_408, %mul3A_434 : i32
      %mul3A_436 = arith.constant 16 : i32
      %mul3A_437 = arith.muli %scan3A_109, %mul3A_436 : i32
      %add3A_438 = arith.constant 7 : i32
      %add3A_439 = arith.addi %mul3A_437, %add3A_438 : i32
      %dma_start3A_440 = arith.constant 0 : i32
      %dma_start3A_441 = tpu.memref_slice %arg6[%add3A_439, %dma_start3A_440] : memref<800x64xf32, #tpu.memory_space<vmem>> -> memref<1x64xf32, #tpu.memory_space<vmem>>
      %dma_start3A_442 = arith.constant 0 : i32
      %dma_start3A_443 = tpu.memref_slice %arg3[%select_n3A_432, %sub3A_435, %dma_start3A_442] : memref<2x500000x64xf32, #tpu.memory_space<hbm>> -> memref<1x1x64xf32, #tpu.memory_space<hbm>>
      %dma_start3A_444 = tpu.memref_squeeze %dma_start3A_443 : memref<1x1x64xf32, #tpu.memory_space<hbm>> -> memref<1x64xf32, #tpu.memory_space<hbm>>
      %dma_start3A_445 = arith.constant 0 : i32
      %dma_start3A_446 = tpu.memref_slice %arg6[%add3A_439, %dma_start3A_445] : memref<800x64xf32, #tpu.memory_space<vmem>> -> memref<1x64xf32, #tpu.memory_space<vmem>>
      %dma_start3A_447 = arith.constant 0 : i32
      %dma_start3A_448 = tpu.memref_slice %arg3[%select_n3A_432, %sub3A_435, %dma_start3A_447] : memref<2x500000x64xf32, #tpu.memory_space<hbm>> -> memref<1x1x64xf32, #tpu.memory_space<hbm>>
      %dma_start3A_449 = tpu.memref_squeeze %dma_start3A_448 : memref<1x1x64xf32, #tpu.memory_space<hbm>> -> memref<1x64xf32, #tpu.memory_space<hbm>>
      tpu.enqueue_dma source(%dma_start3A_449 : memref<1x64xf32, #tpu.memory_space<hbm>>) target(%dma_start3A_446 : memref<1x64xf32, #tpu.memory_space<vmem>>) target_semaphore(%arg7 : memref<!tpu.dma_semaphore, #tpu.memory_space<semaphore_mem>>)
      %slice3A_450 = vector.extract_strided_slice %get3A_116 {offsets = [8], sizes = [1], strides = [1]} : vector<16xi32> to vector<1xi32>
      %squeeze3A_451 = vector.extract %slice3A_450[0] : i32 from vector<1xi32>
      %jit3A_452 = arith.constant 500000 : i32
      %div3A_453 = arith.divsi %squeeze3A_451, %jit3A_452 : i32
      %sign3A_454 = arith.constant 0 : i32
      %sign3A_455 = arith.cmpi sgt, %squeeze3A_451, %sign3A_454 : i32
      %sign3A_456 = arith.extui %sign3A_455 : i1 to i32
      %sign3A_457 = arith.constant 0 : i32
      %sign3A_458 = arith.cmpi slt, %squeeze3A_451, %sign3A_457 : i32
      %sign3A_459 = arith.extui %sign3A_458 : i1 to i32
      %sign3A_460 = arith.subi %sign3A_456, %sign3A_459 : i32
      %sign3A_461 = arith.constant 0 : i32
      %sign3A_462 = arith.cmpi sgt, %jit3A_452, %sign3A_461 : i32
      %sign3A_463 = arith.extui %sign3A_462 : i1 to i32
      %sign3A_464 = arith.constant 0 : i32
      %sign3A_465 = arith.cmpi slt, %jit3A_452, %sign3A_464 : i32
      %sign3A_466 = arith.extui %sign3A_465 : i1 to i32
      %sign3A_467 = arith.subi %sign3A_463, %sign3A_466 : i32
      %ne3A_468 = arith.cmpi ne, %sign3A_460, %sign3A_467 : i32
      %rem3A_469 = arith.remsi %squeeze3A_451, %jit3A_452 : i32
      %ne3A_470 = arith.constant 0 : i32
      %ne3A_471 = arith.cmpi ne, %rem3A_469, %ne3A_470 : i32
      %and3A_472 = arith.andi %ne3A_468, %ne3A_471 : i1
      %sub3A_473 = arith.constant 1 : i32
      %sub3A_474 = arith.subi %div3A_453, %sub3A_473 : i32
      %select_n3A_475 = arith.select %and3A_472, %sub3A_474, %div3A_453 : i32
      %mul3A_476 = arith.constant 500000 : i32
      %mul3A_477 = arith.muli %select_n3A_475, %mul3A_476 : i32
      %sub3A_478 = arith.subi %squeeze3A_451, %mul3A_477 : i32
      %mul3A_479 = arith.constant 16 : i32
      %mul3A_480 = arith.muli %scan3A_109, %mul3A_479 : i32
      %add3A_481 = arith.constant 8 : i32
      %add3A_482 = arith.addi %mul3A_480, %add3A_481 : i32
      %dma_start3A_483 = arith.constant 0 : i32
      %dma_start3A_484 = tpu.memref_slice %arg6[%add3A_482, %dma_start3A_483] : memref<800x64xf32, #tpu.memory_space<vmem>> -> memref<1x64xf32, #tpu.memory_space<vmem>>
      %dma_start3A_485 = arith.constant 0 : i32
      %dma_start3A_486 = tpu.memref_slice %arg3[%select_n3A_475, %sub3A_478, %dma_start3A_485] : memref<2x500000x64xf32, #tpu.memory_space<hbm>> -> memref<1x1x64xf32, #tpu.memory_space<hbm>>
      %dma_start3A_487 = tpu.memref_squeeze %dma_start3A_486 : memref<1x1x64xf32, #tpu.memory_space<hbm>> -> memref<1x64xf32, #tpu.memory_space<hbm>>
      %dma_start3A_488 = arith.constant 0 : i32
      %dma_start3A_489 = tpu.memref_slice %arg6[%add3A_482, %dma_start3A_488] : memref<800x64xf32, #tpu.memory_space<vmem>> -> memref<1x64xf32, #tpu.memory_space<vmem>>
      %dma_start3A_490 = arith.constant 0 : i32
      %dma_start3A_491 = tpu.memref_slice %arg3[%select_n3A_475, %sub3A_478, %dma_start3A_490] : memref<2x500000x64xf32, #tpu.memory_space<hbm>> -> memref<1x1x64xf32, #tpu.memory_space<hbm>>
      %dma_start3A_492 = tpu.memref_squeeze %dma_start3A_491 : memref<1x1x64xf32, #tpu.memory_space<hbm>> -> memref<1x64xf32, #tpu.memory_space<hbm>>
      tpu.enqueue_dma source(%dma_start3A_492 : memref<1x64xf32, #tpu.memory_space<hbm>>) target(%dma_start3A_489 : memref<1x64xf32, #tpu.memory_space<vmem>>) target_semaphore(%arg7 : memref<!tpu.dma_semaphore, #tpu.memory_space<semaphore_mem>>)
      %slice3A_493 = vector.extract_strided_slice %get3A_116 {offsets = [9], sizes = [1], strides = [1]} : vector<16xi32> to vector<1xi32>
      %squeeze3A_494 = vector.extract %slice3A_493[0] : i32 from vector<1xi32>
      %jit3A_495 = arith.constant 500000 : i32
      %div3A_496 = arith.divsi %squeeze3A_494, %jit3A_495 : i32
      %sign3A_497 = arith.constant 0 : i32
      %sign3A_498 = arith.cmpi sgt, %squeeze3A_494, %sign3A_497 : i32
      %sign3A_499 = arith.extui %sign3A_498 : i1 to i32
      %sign3A_500 = arith.constant 0 : i32
      %sign3A_501 = arith.cmpi slt, %squeeze3A_494, %sign3A_500 : i32
      %sign3A_502 = arith.extui %sign3A_501 : i1 to i32
      %sign3A_503 = arith.subi %sign3A_499, %sign3A_502 : i32
      %sign3A_504 = arith.constant 0 : i32
      %sign3A_505 = arith.cmpi sgt, %jit3A_495, %sign3A_504 : i32
      %sign3A_506 = arith.extui %sign3A_505 : i1 to i32
      %sign3A_507 = arith.constant 0 : i32
      %sign3A_508 = arith.cmpi slt, %jit3A_495, %sign3A_507 : i32
      %sign3A_509 = arith.extui %sign3A_508 : i1 to i32
      %sign3A_510 = arith.subi %sign3A_506, %sign3A_509 : i32
      %ne3A_511 = arith.cmpi ne, %sign3A_503, %sign3A_510 : i32
      %rem3A_512 = arith.remsi %squeeze3A_494, %jit3A_495 : i32
      %ne3A_513 = arith.constant 0 : i32
      %ne3A_514 = arith.cmpi ne, %rem3A_512, %ne3A_513 : i32
      %and3A_515 = arith.andi %ne3A_511, %ne3A_514 : i1
      %sub3A_516 = arith.constant 1 : i32
      %sub3A_517 = arith.subi %div3A_496, %sub3A_516 : i32
      %select_n3A_518 = arith.select %and3A_515, %sub3A_517, %div3A_496 : i32
      %mul3A_519 = arith.constant 500000 : i32
      %mul3A_520 = arith.muli %select_n3A_518, %mul3A_519 : i32
      %sub3A_521 = arith.subi %squeeze3A_494, %mul3A_520 : i32
      %mul3A_522 = arith.constant 16 : i32
      %mul3A_523 = arith.muli %scan3A_109, %mul3A_522 : i32
      %add3A_524 = arith.constant 9 : i32
      %add3A_525 = arith.addi %mul3A_523, %add3A_524 : i32
      %dma_start3A_526 = arith.constant 0 : i32
      %dma_start3A_527 = tpu.memref_slice %arg6[%add3A_525, %dma_start3A_526] : memref<800x64xf32, #tpu.memory_space<vmem>> -> memref<1x64xf32, #tpu.memory_space<vmem>>
      %dma_start3A_528 = arith.constant 0 : i32
      %dma_start3A_529 = tpu.memref_slice %arg3[%select_n3A_518, %sub3A_521, %dma_start3A_528] : memref<2x500000x64xf32, #tpu.memory_space<hbm>> -> memref<1x1x64xf32, #tpu.memory_space<hbm>>
      %dma_start3A_530 = tpu.memref_squeeze %dma_start3A_529 : memref<1x1x64xf32, #tpu.memory_space<hbm>> -> memref<1x64xf32, #tpu.memory_space<hbm>>
      %dma_start3A_531 = arith.constant 0 : i32
      %dma_start3A_532 = tpu.memref_slice %arg6[%add3A_525, %dma_start3A_531] : memref<800x64xf32, #tpu.memory_space<vmem>> -> memref<1x64xf32, #tpu.memory_space<vmem>>
      %dma_start3A_533 = arith.constant 0 : i32
      %dma_start3A_534 = tpu.memref_slice %arg3[%select_n3A_518, %sub3A_521, %dma_start3A_533] : memref<2x500000x64xf32, #tpu.memory_space<hbm>> -> memref<1x1x64xf32, #tpu.memory_space<hbm>>
      %dma_start3A_535 = tpu.memref_squeeze %dma_start3A_534 : memref<1x1x64xf32, #tpu.memory_space<hbm>> -> memref<1x64xf32, #tpu.memory_space<hbm>>
      tpu.enqueue_dma source(%dma_start3A_535 : memref<1x64xf32, #tpu.memory_space<hbm>>) target(%dma_start3A_532 : memref<1x64xf32, #tpu.memory_space<vmem>>) target_semaphore(%arg7 : memref<!tpu.dma_semaphore, #tpu.memory_space<semaphore_mem>>)
      %slice3A_536 = vector.extract_strided_slice %get3A_116 {offsets = [10], sizes = [1], strides = [1]} : vector<16xi32> to vector<1xi32>
      %squeeze3A_537 = vector.extract %slice3A_536[0] : i32 from vector<1xi32>
      %jit3A_538 = arith.constant 500000 : i32
      %div3A_539 = arith.divsi %squeeze3A_537, %jit3A_538 : i32
      %sign3A_540 = arith.constant 0 : i32
      %sign3A_541 = arith.cmpi sgt, %squeeze3A_537, %sign3A_540 : i32
      %sign3A_542 = arith.extui %sign3A_541 : i1 to i32
      %sign3A_543 = arith.constant 0 : i32
      %sign3A_544 = arith.cmpi slt, %squeeze3A_537, %sign3A_543 : i32
      %sign3A_545 = arith.extui %sign3A_544 : i1 to i32
      %sign3A_546 = arith.subi %sign3A_542, %sign3A_545 : i32
      %sign3A_547 = arith.constant 0 : i32
      %sign3A_548 = arith.cmpi sgt, %jit3A_538, %sign3A_547 : i32
      %sign3A_549 = arith.extui %sign3A_548 : i1 to i32
      %sign3A_550 = arith.constant 0 : i32
      %sign3A_551 = arith.cmpi slt, %jit3A_538, %sign3A_550 : i32
      %sign3A_552 = arith.extui %sign3A_551 : i1 to i32
      %sign3A_553 = arith.subi %sign3A_549, %sign3A_552 : i32
      %ne3A_554 = arith.cmpi ne, %sign3A_546, %sign3A_553 : i32
      %rem3A_555 = arith.remsi %squeeze3A_537, %jit3A_538 : i32
      %ne3A_556 = arith.constant 0 : i32
      %ne3A_557 = arith.cmpi ne, %rem3A_555, %ne3A_556 : i32
      %and3A_558 = arith.andi %ne3A_554, %ne3A_557 : i1
      %sub3A_559 = arith.constant 1 : i32
      %sub3A_560 = arith.subi %div3A_539, %sub3A_559 : i32
      %select_n3A_561 = arith.select %and3A_558, %sub3A_560, %div3A_539 : i32
      %mul3A_562 = arith.constant 500000 : i32
      %mul3A_563 = arith.muli %select_n3A_561, %mul3A_562 : i32
      %sub3A_564 = arith.subi %squeeze3A_537, %mul3A_563 : i32
      %mul3A_565 = arith.constant 16 : i32
      %mul3A_566 = arith.muli %scan3A_109, %mul3A_565 : i32
      %add3A_567 = arith.constant 10 : i32
      %add3A_568 = arith.addi %mul3A_566, %add3A_567 : i32
      %dma_start3A_569 = arith.constant 0 : i32
      %dma_start3A_570 = tpu.memref_slice %arg6[%add3A_568, %dma_start3A_569] : memref<800x64xf32, #tpu.memory_space<vmem>> -> memref<1x64xf32, #tpu.memory_space<vmem>>
      %dma_start3A_571 = arith.constant 0 : i32
      %dma_start3A_572 = tpu.memref_slice %arg3[%select_n3A_561, %sub3A_564, %dma_start3A_571] : memref<2x500000x64xf32, #tpu.memory_space<hbm>> -> memref<1x1x64xf32, #tpu.memory_space<hbm>>
      %dma_start3A_573 = tpu.memref_squeeze %dma_start3A_572 : memref<1x1x64xf32, #tpu.memory_space<hbm>> -> memref<1x64xf32, #tpu.memory_space<hbm>>
      %dma_start3A_574 = arith.constant 0 : i32
      %dma_start3A_575 = tpu.memref_slice %arg6[%add3A_568, %dma_start3A_574] : memref<800x64xf32, #tpu.memory_space<vmem>> -> memref<1x64xf32, #tpu.memory_space<vmem>>
      %dma_start3A_576 = arith.constant 0 : i32
      %dma_start3A_577 = tpu.memref_slice %arg3[%select_n3A_561, %sub3A_564, %dma_start3A_576] : memref<2x500000x64xf32, #tpu.memory_space<hbm>> -> memref<1x1x64xf32, #tpu.memory_space<hbm>>
      %dma_start3A_578 = tpu.memref_squeeze %dma_start3A_577 : memref<1x1x64xf32, #tpu.memory_space<hbm>> -> memref<1x64xf32, #tpu.memory_space<hbm>>
      tpu.enqueue_dma source(%dma_start3A_578 : memref<1x64xf32, #tpu.memory_space<hbm>>) target(%dma_start3A_575 : memref<1x64xf32, #tpu.memory_space<vmem>>) target_semaphore(%arg7 : memref<!tpu.dma_semaphore, #tpu.memory_space<semaphore_mem>>)
      %slice3A_579 = vector.extract_strided_slice %get3A_116 {offsets = [11], sizes = [1], strides = [1]} : vector<16xi32> to vector<1xi32>
      %squeeze3A_580 = vector.extract %slice3A_579[0] : i32 from vector<1xi32>
      %jit3A_581 = arith.constant 500000 : i32
      %div3A_582 = arith.divsi %squeeze3A_580, %jit3A_581 : i32
      %sign3A_583 = arith.constant 0 : i32
      %sign3A_584 = arith.cmpi sgt, %squeeze3A_580, %sign3A_583 : i32
      %sign3A_585 = arith.extui %sign3A_584 : i1 to i32
      %sign3A_586 = arith.constant 0 : i32
      %sign3A_587 = arith.cmpi slt, %squeeze3A_580, %sign3A_586 : i32
      %sign3A_588 = arith.extui %sign3A_587 : i1 to i32
      %sign3A_589 = arith.subi %sign3A_585, %sign3A_588 : i32
      %sign3A_590 = arith.constant 0 : i32
      %sign3A_591 = arith.cmpi sgt, %jit3A_581, %sign3A_590 : i32
      %sign3A_592 = arith.extui %sign3A_591 : i1 to i32
      %sign3A_593 = arith.constant 0 : i32
      %sign3A_594 = arith.cmpi slt, %jit3A_581, %sign3A_593 : i32
      %sign3A_595 = arith.extui %sign3A_594 : i1 to i32
      %sign3A_596 = arith.subi %sign3A_592, %sign3A_595 : i32
      %ne3A_597 = arith.cmpi ne, %sign3A_589, %sign3A_596 : i32
      %rem3A_598 = arith.remsi %squeeze3A_580, %jit3A_581 : i32
      %ne3A_599 = arith.constant 0 : i32
      %ne3A_600 = arith.cmpi ne, %rem3A_598, %ne3A_599 : i32
      %and3A_601 = arith.andi %ne3A_597, %ne3A_600 : i1
      %sub3A_602 = arith.constant 1 : i32
      %sub3A_603 = arith.subi %div3A_582, %sub3A_602 : i32
      %select_n3A_604 = arith.select %and3A_601, %sub3A_603, %div3A_582 : i32
      %mul3A_605 = arith.constant 500000 : i32
      %mul3A_606 = arith.muli %select_n3A_604, %mul3A_605 : i32
      %sub3A_607 = arith.subi %squeeze3A_580, %mul3A_606 : i32
      %mul3A_608 = arith.constant 16 : i32
      %mul3A_609 = arith.muli %scan3A_109, %mul3A_608 : i32
      %add3A_610 = arith.constant 11 : i32
      %add3A_611 = arith.addi %mul3A_609, %add3A_610 : i32
      %dma_start3A_612 = arith.constant 0 : i32
      %dma_start3A_613 = tpu.memref_slice %arg6[%add3A_611, %dma_start3A_612] : memref<800x64xf32, #tpu.memory_space<vmem>> -> memref<1x64xf32, #tpu.memory_space<vmem>>
      %dma_start3A_614 = arith.constant 0 : i32
      %dma_start3A_615 = tpu.memref_slice %arg3[%select_n3A_604, %sub3A_607, %dma_start3A_614] : memref<2x500000x64xf32, #tpu.memory_space<hbm>> -> memref<1x1x64xf32, #tpu.memory_space<hbm>>
      %dma_start3A_616 = tpu.memref_squeeze %dma_start3A_615 : memref<1x1x64xf32, #tpu.memory_space<hbm>> -> memref<1x64xf32, #tpu.memory_space<hbm>>
      %dma_start3A_617 = arith.constant 0 : i32
      %dma_start3A_618 = tpu.memref_slice %arg6[%add3A_611, %dma_start3A_617] : memref<800x64xf32, #tpu.memory_space<vmem>> -> memref<1x64xf32, #tpu.memory_space<vmem>>
      %dma_start3A_619 = arith.constant 0 : i32
      %dma_start3A_620 = tpu.memref_slice %arg3[%select_n3A_604, %sub3A_607, %dma_start3A_619] : memref<2x500000x64xf32, #tpu.memory_space<hbm>> -> memref<1x1x64xf32, #tpu.memory_space<hbm>>
      %dma_start3A_621 = tpu.memref_squeeze %dma_start3A_620 : memref<1x1x64xf32, #tpu.memory_space<hbm>> -> memref<1x64xf32, #tpu.memory_space<hbm>>
      tpu.enqueue_dma source(%dma_start3A_621 : memref<1x64xf32, #tpu.memory_space<hbm>>) target(%dma_start3A_618 : memref<1x64xf32, #tpu.memory_space<vmem>>) target_semaphore(%arg7 : memref<!tpu.dma_semaphore, #tpu.memory_space<semaphore_mem>>)
      %slice3A_622 = vector.extract_strided_slice %get3A_116 {offsets = [12], sizes = [1], strides = [1]} : vector<16xi32> to vector<1xi32>
      %squeeze3A_623 = vector.extract %slice3A_622[0] : i32 from vector<1xi32>
      %jit3A_624 = arith.constant 500000 : i32
      %div3A_625 = arith.divsi %squeeze3A_623, %jit3A_624 : i32
      %sign3A_626 = arith.constant 0 : i32
      %sign3A_627 = arith.cmpi sgt, %squeeze3A_623, %sign3A_626 : i32
      %sign3A_628 = arith.extui %sign3A_627 : i1 to i32
      %sign3A_629 = arith.constant 0 : i32
      %sign3A_630 = arith.cmpi slt, %squeeze3A_623, %sign3A_629 : i32
      %sign3A_631 = arith.extui %sign3A_630 : i1 to i32
      %sign3A_632 = arith.subi %sign3A_628, %sign3A_631 : i32
      %sign3A_633 = arith.constant 0 : i32
      %sign3A_634 = arith.cmpi sgt, %jit3A_624, %sign3A_633 : i32
      %sign3A_635 = arith.extui %sign3A_634 : i1 to i32
      %sign3A_636 = arith.constant 0 : i32
      %sign3A_637 = arith.cmpi slt, %jit3A_624, %sign3A_636 : i32
      %sign3A_638 = arith.extui %sign3A_637 : i1 to i32
      %sign3A_639 = arith.subi %sign3A_635, %sign3A_638 : i32
      %ne3A_640 = arith.cmpi ne, %sign3A_632, %sign3A_639 : i32
      %rem3A_641 = arith.remsi %squeeze3A_623, %jit3A_624 : i32
      %ne3A_642 = arith.constant 0 : i32
      %ne3A_643 = arith.cmpi ne, %rem3A_641, %ne3A_642 : i32
      %and3A_644 = arith.andi %ne3A_640, %ne3A_643 : i1
      %sub3A_645 = arith.constant 1 : i32
      %sub3A_646 = arith.subi %div3A_625, %sub3A_645 : i32
      %select_n3A_647 = arith.select %and3A_644, %sub3A_646, %div3A_625 : i32
      %mul3A_648 = arith.constant 500000 : i32
      %mul3A_649 = arith.muli %select_n3A_647, %mul3A_648 : i32
      %sub3A_650 = arith.subi %squeeze3A_623, %mul3A_649 : i32
      %mul3A_651 = arith.constant 16 : i32
      %mul3A_652 = arith.muli %scan3A_109, %mul3A_651 : i32
      %add3A_653 = arith.constant 12 : i32
      %add3A_654 = arith.addi %mul3A_652, %add3A_653 : i32
      %dma_start3A_655 = arith.constant 0 : i32
      %dma_start3A_656 = tpu.memref_slice %arg6[%add3A_654, %dma_start3A_655] : memref<800x64xf32, #tpu.memory_space<vmem>> -> memref<1x64xf32, #tpu.memory_space<vmem>>
      %dma_start3A_657 = arith.constant 0 : i32
      %dma_start3A_658 = tpu.memref_slice %arg3[%select_n3A_647, %sub3A_650, %dma_start3A_657] : memref<2x500000x64xf32, #tpu.memory_space<hbm>> -> memref<1x1x64xf32, #tpu.memory_space<hbm>>
      %dma_start3A_659 = tpu.memref_squeeze %dma_start3A_658 : memref<1x1x64xf32, #tpu.memory_space<hbm>> -> memref<1x64xf32, #tpu.memory_space<hbm>>
      %dma_start3A_660 = arith.constant 0 : i32
      %dma_start3A_661 = tpu.memref_slice %arg6[%add3A_654, %dma_start3A_660] : memref<800x64xf32, #tpu.memory_space<vmem>> -> memref<1x64xf32, #tpu.memory_space<vmem>>
      %dma_start3A_662 = arith.constant 0 : i32
      %dma_start3A_663 = tpu.memref_slice %arg3[%select_n3A_647, %sub3A_650, %dma_start3A_662] : memref<2x500000x64xf32, #tpu.memory_space<hbm>> -> memref<1x1x64xf32, #tpu.memory_space<hbm>>
      %dma_start3A_664 = tpu.memref_squeeze %dma_start3A_663 : memref<1x1x64xf32, #tpu.memory_space<hbm>> -> memref<1x64xf32, #tpu.memory_space<hbm>>
      tpu.enqueue_dma source(%dma_start3A_664 : memref<1x64xf32, #tpu.memory_space<hbm>>) target(%dma_start3A_661 : memref<1x64xf32, #tpu.memory_space<vmem>>) target_semaphore(%arg7 : memref<!tpu.dma_semaphore, #tpu.memory_space<semaphore_mem>>)
      %slice3A_665 = vector.extract_strided_slice %get3A_116 {offsets = [13], sizes = [1], strides = [1]} : vector<16xi32> to vector<1xi32>
      %squeeze3A_666 = vector.extract %slice3A_665[0] : i32 from vector<1xi32>
      %jit3A_667 = arith.constant 500000 : i32
      %div3A_668 = arith.divsi %squeeze3A_666, %jit3A_667 : i32
      %sign3A_669 = arith.constant 0 : i32
      %sign3A_670 = arith.cmpi sgt, %squeeze3A_666, %sign3A_669 : i32
      %sign3A_671 = arith.extui %sign3A_670 : i1 to i32
      %sign3A_672 = arith.constant 0 : i32
      %sign3A_673 = arith.cmpi slt, %squeeze3A_666, %sign3A_672 : i32
      %sign3A_674 = arith.extui %sign3A_673 : i1 to i32
      %sign3A_675 = arith.subi %sign3A_671, %sign3A_674 : i32
      %sign3A_676 = arith.constant 0 : i32
      %sign3A_677 = arith.cmpi sgt, %jit3A_667, %sign3A_676 : i32
      %sign3A_678 = arith.extui %sign3A_677 : i1 to i32
      %sign3A_679 = arith.constant 0 : i32
      %sign3A_680 = arith.cmpi slt, %jit3A_667, %sign3A_679 : i32
      %sign3A_681 = arith.extui %sign3A_680 : i1 to i32
      %sign3A_682 = arith.subi %sign3A_678, %sign3A_681 : i32
      %ne3A_683 = arith.cmpi ne, %sign3A_675, %sign3A_682 : i32
      %rem3A_684 = arith.remsi %squeeze3A_666, %jit3A_667 : i32
      %ne3A_685 = arith.constant 0 : i32
      %ne3A_686 = arith.cmpi ne, %rem3A_684, %ne3A_685 : i32
      %and3A_687 = arith.andi %ne3A_683, %ne3A_686 : i1
      %sub3A_688 = arith.constant 1 : i32
      %sub3A_689 = arith.subi %div3A_668, %sub3A_688 : i32
      %select_n3A_690 = arith.select %and3A_687, %sub3A_689, %div3A_668 : i32
      %mul3A_691 = arith.constant 500000 : i32
      %mul3A_692 = arith.muli %select_n3A_690, %mul3A_691 : i32
      %sub3A_693 = arith.subi %squeeze3A_666, %mul3A_692 : i32
      %mul3A_694 = arith.constant 16 : i32
      %mul3A_695 = arith.muli %scan3A_109, %mul3A_694 : i32
      %add3A_696 = arith.constant 13 : i32
      %add3A_697 = arith.addi %mul3A_695, %add3A_696 : i32
      %dma_start3A_698 = arith.constant 0 : i32
      %dma_start3A_699 = tpu.memref_slice %arg6[%add3A_697, %dma_start3A_698] : memref<800x64xf32, #tpu.memory_space<vmem>> -> memref<1x64xf32, #tpu.memory_space<vmem>>
      %dma_start3A_700 = arith.constant 0 : i32
      %dma_start3A_701 = tpu.memref_slice %arg3[%select_n3A_690, %sub3A_693, %dma_start3A_700] : memref<2x500000x64xf32, #tpu.memory_space<hbm>> -> memref<1x1x64xf32, #tpu.memory_space<hbm>>
      %dma_start3A_702 = tpu.memref_squeeze %dma_start3A_701 : memref<1x1x64xf32, #tpu.memory_space<hbm>> -> memref<1x64xf32, #tpu.memory_space<hbm>>
      %dma_start3A_703 = arith.constant 0 : i32
      %dma_start3A_704 = tpu.memref_slice %arg6[%add3A_697, %dma_start3A_703] : memref<800x64xf32, #tpu.memory_space<vmem>> -> memref<1x64xf32, #tpu.memory_space<vmem>>
      %dma_start3A_705 = arith.constant 0 : i32
      %dma_start3A_706 = tpu.memref_slice %arg3[%select_n3A_690, %sub3A_693, %dma_start3A_705] : memref<2x500000x64xf32, #tpu.memory_space<hbm>> -> memref<1x1x64xf32, #tpu.memory_space<hbm>>
      %dma_start3A_707 = tpu.memref_squeeze %dma_start3A_706 : memref<1x1x64xf32, #tpu.memory_space<hbm>> -> memref<1x64xf32, #tpu.memory_space<hbm>>
      tpu.enqueue_dma source(%dma_start3A_707 : memref<1x64xf32, #tpu.memory_space<hbm>>) target(%dma_start3A_704 : memref<1x64xf32, #tpu.memory_space<vmem>>) target_semaphore(%arg7 : memref<!tpu.dma_semaphore, #tpu.memory_space<semaphore_mem>>)
      %slice3A_708 = vector.extract_strided_slice %get3A_116 {offsets = [14], sizes = [1], strides = [1]} : vector<16xi32> to vector<1xi32>
      %squeeze3A_709 = vector.extract %slice3A_708[0] : i32 from vector<1xi32>
      %jit3A_710 = arith.constant 500000 : i32
      %div3A_711 = arith.divsi %squeeze3A_709, %jit3A_710 : i32
      %sign3A_712 = arith.constant 0 : i32
      %sign3A_713 = arith.cmpi sgt, %squeeze3A_709, %sign3A_712 : i32
      %sign3A_714 = arith.extui %sign3A_713 : i1 to i32
      %sign3A_715 = arith.constant 0 : i32
      %sign3A_716 = arith.cmpi slt, %squeeze3A_709, %sign3A_715 : i32
      %sign3A_717 = arith.extui %sign3A_716 : i1 to i32
      %sign3A_718 = arith.subi %sign3A_714, %sign3A_717 : i32
      %sign3A_719 = arith.constant 0 : i32
      %sign3A_720 = arith.cmpi sgt, %jit3A_710, %sign3A_719 : i32
      %sign3A_721 = arith.extui %sign3A_720 : i1 to i32
      %sign3A_722 = arith.constant 0 : i32
      %sign3A_723 = arith.cmpi slt, %jit3A_710, %sign3A_722 : i32
      %sign3A_724 = arith.extui %sign3A_723 : i1 to i32
      %sign3A_725 = arith.subi %sign3A_721, %sign3A_724 : i32
      %ne3A_726 = arith.cmpi ne, %sign3A_718, %sign3A_725 : i32
      %rem3A_727 = arith.remsi %squeeze3A_709, %jit3A_710 : i32
      %ne3A_728 = arith.constant 0 : i32
      %ne3A_729 = arith.cmpi ne, %rem3A_727, %ne3A_728 : i32
      %and3A_730 = arith.andi %ne3A_726, %ne3A_729 : i1
      %sub3A_731 = arith.constant 1 : i32
      %sub3A_732 = arith.subi %div3A_711, %sub3A_731 : i32
      %select_n3A_733 = arith.select %and3A_730, %sub3A_732, %div3A_711 : i32
      %mul3A_734 = arith.constant 500000 : i32
      %mul3A_735 = arith.muli %select_n3A_733, %mul3A_734 : i32
      %sub3A_736 = arith.subi %squeeze3A_709, %mul3A_735 : i32
      %mul3A_737 = arith.constant 16 : i32
      %mul3A_738 = arith.muli %scan3A_109, %mul3A_737 : i32
      %add3A_739 = arith.constant 14 : i32
      %add3A_740 = arith.addi %mul3A_738, %add3A_739 : i32
      %dma_start3A_741 = arith.constant 0 : i32
      %dma_start3A_742 = tpu.memref_slice %arg6[%add3A_740, %dma_start3A_741] : memref<800x64xf32, #tpu.memory_space<vmem>> -> memref<1x64xf32, #tpu.memory_space<vmem>>
      %dma_start3A_743 = arith.constant 0 : i32
      %dma_start3A_744 = tpu.memref_slice %arg3[%select_n3A_733, %sub3A_736, %dma_start3A_743] : memref<2x500000x64xf32, #tpu.memory_space<hbm>> -> memref<1x1x64xf32, #tpu.memory_space<hbm>>
      %dma_start3A_745 = tpu.memref_squeeze %dma_start3A_744 : memref<1x1x64xf32, #tpu.memory_space<hbm>> -> memref<1x64xf32, #tpu.memory_space<hbm>>
      %dma_start3A_746 = arith.constant 0 : i32
      %dma_start3A_747 = tpu.memref_slice %arg6[%add3A_740, %dma_start3A_746] : memref<800x64xf32, #tpu.memory_space<vmem>> -> memref<1x64xf32, #tpu.memory_space<vmem>>
      %dma_start3A_748 = arith.constant 0 : i32
      %dma_start3A_749 = tpu.memref_slice %arg3[%select_n3A_733, %sub3A_736, %dma_start3A_748] : memref<2x500000x64xf32, #tpu.memory_space<hbm>> -> memref<1x1x64xf32, #tpu.memory_space<hbm>>
      %dma_start3A_750 = tpu.memref_squeeze %dma_start3A_749 : memref<1x1x64xf32, #tpu.memory_space<hbm>> -> memref<1x64xf32, #tpu.memory_space<hbm>>
      tpu.enqueue_dma source(%dma_start3A_750 : memref<1x64xf32, #tpu.memory_space<hbm>>) target(%dma_start3A_747 : memref<1x64xf32, #tpu.memory_space<vmem>>) target_semaphore(%arg7 : memref<!tpu.dma_semaphore, #tpu.memory_space<semaphore_mem>>)
      %slice3A_751 = vector.extract_strided_slice %get3A_116 {offsets = [15], sizes = [1], strides = [1]} : vector<16xi32> to vector<1xi32>
      %squeeze3A_752 = vector.extract %slice3A_751[0] : i32 from vector<1xi32>
      %jit3A_753 = arith.constant 500000 : i32
      %div3A_754 = arith.divsi %squeeze3A_752, %jit3A_753 : i32
      %sign3A_755 = arith.constant 0 : i32
      %sign3A_756 = arith.cmpi sgt, %squeeze3A_752, %sign3A_755 : i32
      %sign3A_757 = arith.extui %sign3A_756 : i1 to i32
      %sign3A_758 = arith.constant 0 : i32
      %sign3A_759 = arith.cmpi slt, %squeeze3A_752, %sign3A_758 : i32
      %sign3A_760 = arith.extui %sign3A_759 : i1 to i32
      %sign3A_761 = arith.subi %sign3A_757, %sign3A_760 : i32
      %sign3A_762 = arith.constant 0 : i32
      %sign3A_763 = arith.cmpi sgt, %jit3A_753, %sign3A_762 : i32
      %sign3A_764 = arith.extui %sign3A_763 : i1 to i32
      %sign3A_765 = arith.constant 0 : i32
      %sign3A_766 = arith.cmpi slt, %jit3A_753, %sign3A_765 : i32
      %sign3A_767 = arith.extui %sign3A_766 : i1 to i32
      %sign3A_768 = arith.subi %sign3A_764, %sign3A_767 : i32
      %ne3A_769 = arith.cmpi ne, %sign3A_761, %sign3A_768 : i32
      %rem3A_770 = arith.remsi %squeeze3A_752, %jit3A_753 : i32
      %ne3A_771 = arith.constant 0 : i32
      %ne3A_772 = arith.cmpi ne, %rem3A_770, %ne3A_771 : i32
      %and3A_773 = arith.andi %ne3A_769, %ne3A_772 : i1
      %sub3A_774 = arith.constant 1 : i32
      %sub3A_775 = arith.subi %div3A_754, %sub3A_774 : i32
      %select_n3A_776 = arith.select %and3A_773, %sub3A_775, %div3A_754 : i32
      %mul3A_777 = arith.constant 500000 : i32
      %mul3A_778 = arith.muli %select_n3A_776, %mul3A_777 : i32
      %sub3A_779 = arith.subi %squeeze3A_752, %mul3A_778 : i32
      %mul3A_780 = arith.constant 16 : i32
      %mul3A_781 = arith.muli %scan3A_109, %mul3A_780 : i32
      %add3A_782 = arith.constant 15 : i32
      %add3A_783 = arith.addi %mul3A_781, %add3A_782 : i32
      %dma_start3A_784 = arith.constant 0 : i32
      %dma_start3A_785 = tpu.memref_slice %arg6[%add3A_783, %dma_start3A_784] : memref<800x64xf32, #tpu.memory_space<vmem>> -> memref<1x64xf32, #tpu.memory_space<vmem>>
      %dma_start3A_786 = arith.constant 0 : i32
      %dma_start3A_787 = tpu.memref_slice %arg3[%select_n3A_776, %sub3A_779, %dma_start3A_786] : memref<2x500000x64xf32, #tpu.memory_space<hbm>> -> memref<1x1x64xf32, #tpu.memory_space<hbm>>
      %dma_start3A_788 = tpu.memref_squeeze %dma_start3A_787 : memref<1x1x64xf32, #tpu.memory_space<hbm>> -> memref<1x64xf32, #tpu.memory_space<hbm>>
      %dma_start3A_789 = arith.constant 0 : i32
      %dma_start3A_790 = tpu.memref_slice %arg6[%add3A_783, %dma_start3A_789] : memref<800x64xf32, #tpu.memory_space<vmem>> -> memref<1x64xf32, #tpu.memory_space<vmem>>
      %dma_start3A_791 = arith.constant 0 : i32
      %dma_start3A_792 = tpu.memref_slice %arg3[%select_n3A_776, %sub3A_779, %dma_start3A_791] : memref<2x500000x64xf32, #tpu.memory_space<hbm>> -> memref<1x1x64xf32, #tpu.memory_space<hbm>>
      %dma_start3A_793 = tpu.memref_squeeze %dma_start3A_792 : memref<1x1x64xf32, #tpu.memory_space<hbm>> -> memref<1x64xf32, #tpu.memory_space<hbm>>
      tpu.enqueue_dma source(%dma_start3A_793 : memref<1x64xf32, #tpu.memory_space<hbm>>) target(%dma_start3A_790 : memref<1x64xf32, #tpu.memory_space<vmem>>) target_semaphore(%arg7 : memref<!tpu.dma_semaphore, #tpu.memory_space<semaphore_mem>>)
      %gt3A = arith.constant 2 : i32
      %gt3A_794 = arith.cmpi sgt, %scan3A_109, %gt3A : i32
      %convert_element_type3A = arith.extui %gt3A_794 : i1 to i32
      %cond3A = arith.constant 0 : i32
      %cond3A_795 = arith.cmpi ne, %convert_element_type3A, %cond3A : i32
      scf.if %cond3A_795 {
        %dma_wait3A_797 = arith.constant 0 : i32
        %dma_wait3A_798 = arith.constant 0 : i32
        %dma_wait3A_799 = arith.constant 0 : i32
        %dma_wait3A_800 = tpu.memref_slice %arg6[%dma_wait3A_798, %dma_wait3A_799] : memref<800x64xf32, #tpu.memory_space<vmem>> -> memref<16x64xf32, #tpu.memory_space<vmem>>
        %dma_wait3A_801 = arith.constant 0 : i32
        %dma_wait3A_802 = arith.constant 0 : i32
        %dma_wait3A_803 = tpu.memref_slice %arg3[%dma_wait3A_797, %dma_wait3A_801, %dma_wait3A_802] : memref<2x500000x64xf32, #tpu.memory_space<hbm>> -> memref<1x16x64xf32, #tpu.memory_space<hbm>>
        %dma_wait3A_804 = tpu.memref_squeeze %dma_wait3A_803 : memref<1x16x64xf32, #tpu.memory_space<hbm>> -> memref<16x64xf32, #tpu.memory_space<hbm>>
        %dma_wait3A_805 = arith.constant 0 : i32
        %dma_wait3A_806 = arith.constant 0 : i32
        %dma_wait3A_807 = tpu.memref_slice %arg6[%dma_wait3A_805, %dma_wait3A_806] : memref<800x64xf32, #tpu.memory_space<vmem>> -> memref<16x64xf32, #tpu.memory_space<vmem>>
        %dma_wait3A_808 = arith.constant 0 : i32
        %dma_wait3A_809 = arith.constant 0 : i32
        %dma_wait3A_810 = tpu.memref_slice %arg3[%dma_wait3A_797, %dma_wait3A_808, %dma_wait3A_809] : memref<2x500000x64xf32, #tpu.memory_space<hbm>> -> memref<1x16x64xf32, #tpu.memory_space<hbm>>
        %dma_wait3A_811 = tpu.memref_squeeze %dma_wait3A_810 : memref<1x16x64xf32, #tpu.memory_space<hbm>> -> memref<16x64xf32, #tpu.memory_space<hbm>>
        tpu.wait_dma2 semaphore(%arg7 : memref<!tpu.dma_semaphore, #tpu.memory_space<semaphore_mem>>) src(%dma_wait3A_811 : memref<16x64xf32, #tpu.memory_space<hbm>>) dst(%dma_wait3A_807 : memref<16x64xf32, #tpu.memory_space<vmem>>)
      } else {
      }
      %scan3A_796 = arith.constant 0 : i32
      scf.yield %scan3A_796 : i32
    }
    %scan3A_8 = arith.constant 50 : i32
    %dma_wait3A = arith.constant 0 : i32
    %dma_wait3A_9 = arith.constant 0 : i32
    %dma_wait3A_10 = arith.constant 0 : i32
    %dma_wait3A_11 = tpu.memref_slice %arg6[%dma_wait3A_9, %dma_wait3A_10] : memref<800x64xf32, #tpu.memory_space<vmem>> -> memref<16x64xf32, #tpu.memory_space<vmem>>
    %dma_wait3A_12 = arith.constant 0 : i32
    %dma_wait3A_13 = arith.constant 0 : i32
    %dma_wait3A_14 = tpu.memref_slice %arg3[%dma_wait3A, %dma_wait3A_12, %dma_wait3A_13] : memref<2x500000x64xf32, #tpu.memory_space<hbm>> -> memref<1x16x64xf32, #tpu.memory_space<hbm>>
    %dma_wait3A_15 = tpu.memref_squeeze %dma_wait3A_14 : memref<1x16x64xf32, #tpu.memory_space<hbm>> -> memref<16x64xf32, #tpu.memory_space<hbm>>
    %dma_wait3A_16 = arith.constant 0 : i32
    %dma_wait3A_17 = arith.constant 0 : i32
    %dma_wait3A_18 = tpu.memref_slice %arg6[%dma_wait3A_16, %dma_wait3A_17] : memref<800x64xf32, #tpu.memory_space<vmem>> -> memref<16x64xf32, #tpu.memory_space<vmem>>
    %dma_wait3A_19 = arith.constant 0 : i32
    %dma_wait3A_20 = arith.constant 0 : i32
    %dma_wait3A_21 = tpu.memref_slice %arg3[%dma_wait3A, %dma_wait3A_19, %dma_wait3A_20] : memref<2x500000x64xf32, #tpu.memory_space<hbm>> -> memref<1x16x64xf32, #tpu.memory_space<hbm>>
    %dma_wait3A_22 = tpu.memref_squeeze %dma_wait3A_21 : memref<1x16x64xf32, #tpu.memory_space<hbm>> -> memref<16x64xf32, #tpu.memory_space<hbm>>
    tpu.wait_dma2 semaphore(%arg7 : memref<!tpu.dma_semaphore, #tpu.memory_space<semaphore_mem>>) src(%dma_wait3A_22 : memref<16x64xf32, #tpu.memory_space<hbm>>) dst(%dma_wait3A_18 : memref<16x64xf32, #tpu.memory_space<vmem>>)
    %dma_wait3A_23 = arith.constant 0 : i32
    %dma_wait3A_24 = arith.constant 0 : i32
    %dma_wait3A_25 = arith.constant 0 : i32
    %dma_wait3A_26 = tpu.memref_slice %arg6[%dma_wait3A_24, %dma_wait3A_25] : memref<800x64xf32, #tpu.memory_space<vmem>> -> memref<16x64xf32, #tpu.memory_space<vmem>>
    %dma_wait3A_27 = arith.constant 0 : i32
    %dma_wait3A_28 = arith.constant 0 : i32
    %dma_wait3A_29 = tpu.memref_slice %arg3[%dma_wait3A_23, %dma_wait3A_27, %dma_wait3A_28] : memref<2x500000x64xf32, #tpu.memory_space<hbm>> -> memref<1x16x64xf32, #tpu.memory_space<hbm>>
    %dma_wait3A_30 = tpu.memref_squeeze %dma_wait3A_29 : memref<1x16x64xf32, #tpu.memory_space<hbm>> -> memref<16x64xf32, #tpu.memory_space<hbm>>
    %dma_wait3A_31 = arith.constant 0 : i32
    %dma_wait3A_32 = arith.constant 0 : i32
    %dma_wait3A_33 = tpu.memref_slice %arg6[%dma_wait3A_31, %dma_wait3A_32] : memref<800x64xf32, #tpu.memory_space<vmem>> -> memref<16x64xf32, #tpu.memory_space<vmem>>
    %dma_wait3A_34 = arith.constant 0 : i32
    %dma_wait3A_35 = arith.constant 0 : i32
    %dma_wait3A_36 = tpu.memref_slice %arg3[%dma_wait3A_23, %dma_wait3A_34, %dma_wait3A_35] : memref<2x500000x64xf32, #tpu.memory_space<hbm>> -> memref<1x16x64xf32, #tpu.memory_space<hbm>>
    %dma_wait3A_37 = tpu.memref_squeeze %dma_wait3A_36 : memref<1x16x64xf32, #tpu.memory_space<hbm>> -> memref<16x64xf32, #tpu.memory_space<hbm>>
    tpu.wait_dma2 semaphore(%arg7 : memref<!tpu.dma_semaphore, #tpu.memory_space<semaphore_mem>>) src(%dma_wait3A_37 : memref<16x64xf32, #tpu.memory_space<hbm>>) dst(%dma_wait3A_33 : memref<16x64xf32, #tpu.memory_space<vmem>>)
    %dma_wait3A_38 = arith.constant 0 : i32
    %dma_wait3A_39 = arith.constant 0 : i32
    %dma_wait3A_40 = arith.constant 0 : i32
    %dma_wait3A_41 = tpu.memref_slice %arg6[%dma_wait3A_39, %dma_wait3A_40] : memref<800x64xf32, #tpu.memory_space<vmem>> -> memref<16x64xf32, #tpu.memory_space<vmem>>
    %dma_wait3A_42 = arith.constant 0 : i32
    %dma_wait3A_43 = arith.constant 0 : i32
    %dma_wait3A_44 = tpu.memref_slice %arg3[%dma_wait3A_38, %dma_wait3A_42, %dma_wait3A_43] : memref<2x500000x64xf32, #tpu.memory_space<hbm>> -> memref<1x16x64xf32, #tpu.memory_space<hbm>>
    %dma_wait3A_45 = tpu.memref_squeeze %dma_wait3A_44 : memref<1x16x64xf32, #tpu.memory_space<hbm>> -> memref<16x64xf32, #tpu.memory_space<hbm>>
    %dma_wait3A_46 = arith.constant 0 : i32
    %dma_wait3A_47 = arith.constant 0 : i32
    %dma_wait3A_48 = tpu.memref_slice %arg6[%dma_wait3A_46, %dma_wait3A_47] : memref<800x64xf32, #tpu.memory_space<vmem>> -> memref<16x64xf32, #tpu.memory_space<vmem>>
    %dma_wait3A_49 = arith.constant 0 : i32
    %dma_wait3A_50 = arith.constant 0 : i32
    %dma_wait3A_51 = tpu.memref_slice %arg3[%dma_wait3A_38, %dma_wait3A_49, %dma_wait3A_50] : memref<2x500000x64xf32, #tpu.memory_space<hbm>> -> memref<1x16x64xf32, #tpu.memory_space<hbm>>
    %dma_wait3A_52 = tpu.memref_squeeze %dma_wait3A_51 : memref<1x16x64xf32, #tpu.memory_space<hbm>> -> memref<16x64xf32, #tpu.memory_space<hbm>>
    tpu.wait_dma2 semaphore(%arg7 : memref<!tpu.dma_semaphore, #tpu.memory_space<semaphore_mem>>) src(%dma_wait3A_52 : memref<16x64xf32, #tpu.memory_space<hbm>>) dst(%dma_wait3A_48 : memref<16x64xf32, #tpu.memory_space<vmem>>)
    %add3A_53 = arith.constant 0 : i32
    %add3A_54 = arith.addi %mul3A_2, %add3A_53 : i32
    "tpu.region"() ({
      %run_scoped3A = tpu.sem_alloc : memref<!tpu.dma_semaphore, #tpu.memory_space<semaphore_mem>>
      %dma_start3A = arith.constant 0 : i32
      %dma_start3A_109 = tpu.memref_slice %arg4[%add3A_54, %dma_start3A] : memref<51200x64xf32, #tpu.memory_space<hbm>> -> memref<800x64xf32, #tpu.memory_space<hbm>>
      %dma_start3A_110 = arith.constant 0 : i32
      %dma_start3A_111 = tpu.memref_slice %arg4[%add3A_54, %dma_start3A_110] : memref<51200x64xf32, #tpu.memory_space<hbm>> -> memref<800x64xf32, #tpu.memory_space<hbm>>
      tpu.enqueue_dma source(%arg6 : memref<800x64xf32, #tpu.memory_space<vmem>>) target(%dma_start3A_111 : memref<800x64xf32, #tpu.memory_space<hbm>>) target_semaphore(%run_scoped3A : memref<!tpu.dma_semaphore, #tpu.memory_space<semaphore_mem>>)
      %dma_wait3A_112 = arith.constant 0 : i32
      %dma_wait3A_113 = tpu.memref_slice %arg4[%add3A_54, %dma_wait3A_112] : memref<51200x64xf32, #tpu.memory_space<hbm>> -> memref<800x64xf32, #tpu.memory_space<hbm>>
      %dma_wait3A_114 = arith.constant 0 : i32
      %dma_wait3A_115 = tpu.memref_slice %arg4[%add3A_54, %dma_wait3A_114] : memref<51200x64xf32, #tpu.memory_space<hbm>> -> memref<800x64xf32, #tpu.memory_space<hbm>>
      tpu.wait_dma2 semaphore(%run_scoped3A : memref<!tpu.dma_semaphore, #tpu.memory_space<semaphore_mem>>) src(%arg6 : memref<800x64xf32, #tpu.memory_space<vmem>>) dst(%dma_wait3A_115 : memref<800x64xf32, #tpu.memory_space<hbm>>)
      tpu.yield
    }) : () -> ()
    %scan3A_55 = arith.constant 0 : i32
    %scan3A_56 = arith.constant 0 : i32
    %scan3A_57 = arith.constant 50 : i32
    %scan3A_58 = arith.addi %scan3A_56, %scan3A_57 : i32
    %scan3A_59 = arith.constant 1 : i32
    %scan3A_60 = scf.for %scan3A_109 = %scan3A_56 to %scan3A_58 step %scan3A_59 iter_args(%scan3A_110 = %scan3A_55) -> (i32)  : i32 {
      %mul3A_111 = arith.constant 16 : i32
      %mul3A_112 = arith.muli %scan3A_109, %mul3A_111 : i32
      %add3A_113 = arith.constant 800 : i32
      %add3A_114 = arith.addi %add3A_113, %mul3A_112 : i32
      %get3A = arith.index_cast %add3A_114 : i32 to index
      %get3A_115 = tpu.vector_load %arg5[%get3A] {strides = array<i32>} : memref<1600xi32, #tpu.memory_space<vmem>>, vector<16xi32>,
      %get3A_116 = vector.shape_cast %get3A_115 : vector<16xi32> to vector<16xi32>
      %slice3A = vector.extract_strided_slice %get3A_116 {offsets = [0], sizes = [1], strides = [1]} : vector<16xi32> to vector<1xi32>
      %squeeze3A = vector.extract %slice3A[0] : i32 from vector<1xi32>
      %jit3A = arith.constant 500000 : i32
      %div3A = arith.divsi %squeeze3A, %jit3A : i32
      %sign3A = arith.constant 0 : i32
      %sign3A_117 = arith.cmpi sgt, %squeeze3A, %sign3A : i32
      %sign3A_118 = arith.extui %sign3A_117 : i1 to i32
      %sign3A_119 = arith.constant 0 : i32
      %sign3A_120 = arith.cmpi slt, %squeeze3A, %sign3A_119 : i32
      %sign3A_121 = arith.extui %sign3A_120 : i1 to i32
      %sign3A_122 = arith.subi %sign3A_118, %sign3A_121 : i32
      %sign3A_123 = arith.constant 0 : i32
      %sign3A_124 = arith.cmpi sgt, %jit3A, %sign3A_123 : i32
      %sign3A_125 = arith.extui %sign3A_124 : i1 to i32
      %sign3A_126 = arith.constant 0 : i32
      %sign3A_127 = arith.cmpi slt, %jit3A, %sign3A_126 : i32
      %sign3A_128 = arith.extui %sign3A_127 : i1 to i32
      %sign3A_129 = arith.subi %sign3A_125, %sign3A_128 : i32
      %ne3A = arith.cmpi ne, %sign3A_122, %sign3A_129 : i32
      %rem3A = arith.remsi %squeeze3A, %jit3A : i32
      %ne3A_130 = arith.constant 0 : i32
      %ne3A_131 = arith.cmpi ne, %rem3A, %ne3A_130 : i32
      %and3A = arith.andi %ne3A, %ne3A_131 : i1
      %sub3A = arith.constant 1 : i32
      %sub3A_132 = arith.subi %div3A, %sub3A : i32
      %select_n3A = arith.select %and3A, %sub3A_132, %div3A : i32
      %mul3A_133 = arith.constant 500000 : i32
      %mul3A_134 = arith.muli %select_n3A, %mul3A_133 : i32
      %sub3A_135 = arith.subi %squeeze3A, %mul3A_134 : i32
      %mul3A_136 = arith.constant 16 : i32
      %mul3A_137 = arith.muli %scan3A_109, %mul3A_136 : i32
      %add3A_138 = arith.constant 0 : i32
      %add3A_139 = arith.addi %mul3A_137, %add3A_138 : i32
      %dma_start3A = arith.constant 0 : i32
      %dma_start3A_140 = tpu.memref_slice %arg6[%add3A_139, %dma_start3A] : memref<800x64xf32, #tpu.memory_space<vmem>> -> memref<1x64xf32, #tpu.memory_space<vmem>>
      %dma_start3A_141 = arith.constant 0 : i32
      %dma_start3A_142 = tpu.memref_slice %arg3[%select_n3A, %sub3A_135, %dma_start3A_141] : memref<2x500000x64xf32, #tpu.memory_space<hbm>> -> memref<1x1x64xf32, #tpu.memory_space<hbm>>
      %dma_start3A_143 = tpu.memref_squeeze %dma_start3A_142 : memref<1x1x64xf32, #tpu.memory_space<hbm>> -> memref<1x64xf32, #tpu.memory_space<hbm>>
      %dma_start3A_144 = arith.constant 0 : i32
      %dma_start3A_145 = tpu.memref_slice %arg6[%add3A_139, %dma_start3A_144] : memref<800x64xf32, #tpu.memory_space<vmem>> -> memref<1x64xf32, #tpu.memory_space<vmem>>
      %dma_start3A_146 = arith.constant 0 : i32
      %dma_start3A_147 = tpu.memref_slice %arg3[%select_n3A, %sub3A_135, %dma_start3A_146] : memref<2x500000x64xf32, #tpu.memory_space<hbm>> -> memref<1x1x64xf32, #tpu.memory_space<hbm>>
      %dma_start3A_148 = tpu.memref_squeeze %dma_start3A_147 : memref<1x1x64xf32, #tpu.memory_space<hbm>> -> memref<1x64xf32, #tpu.memory_space<hbm>>
      tpu.enqueue_dma source(%dma_start3A_148 : memref<1x64xf32, #tpu.memory_space<hbm>>) target(%dma_start3A_145 : memref<1x64xf32, #tpu.memory_space<vmem>>) target_semaphore(%arg7 : memref<!tpu.dma_semaphore, #tpu.memory_space<semaphore_mem>>)
      %slice3A_149 = vector.extract_strided_slice %get3A_116 {offsets = [1], sizes = [1], strides = [1]} : vector<16xi32> to vector<1xi32>
      %squeeze3A_150 = vector.extract %slice3A_149[0] : i32 from vector<1xi32>
      %jit3A_151 = arith.constant 500000 : i32
      %div3A_152 = arith.divsi %squeeze3A_150, %jit3A_151 : i32
      %sign3A_153 = arith.constant 0 : i32
      %sign3A_154 = arith.cmpi sgt, %squeeze3A_150, %sign3A_153 : i32
      %sign3A_155 = arith.extui %sign3A_154 : i1 to i32
      %sign3A_156 = arith.constant 0 : i32
      %sign3A_157 = arith.cmpi slt, %squeeze3A_150, %sign3A_156 : i32
      %sign3A_158 = arith.extui %sign3A_157 : i1 to i32
      %sign3A_159 = arith.subi %sign3A_155, %sign3A_158 : i32
      %sign3A_160 = arith.constant 0 : i32
      %sign3A_161 = arith.cmpi sgt, %jit3A_151, %sign3A_160 : i32
      %sign3A_162 = arith.extui %sign3A_161 : i1 to i32
      %sign3A_163 = arith.constant 0 : i32
      %sign3A_164 = arith.cmpi slt, %jit3A_151, %sign3A_163 : i32
      %sign3A_165 = arith.extui %sign3A_164 : i1 to i32
      %sign3A_166 = arith.subi %sign3A_162, %sign3A_165 : i32
      %ne3A_167 = arith.cmpi ne, %sign3A_159, %sign3A_166 : i32
      %rem3A_168 = arith.remsi %squeeze3A_150, %jit3A_151 : i32
      %ne3A_169 = arith.constant 0 : i32
      %ne3A_170 = arith.cmpi ne, %rem3A_168, %ne3A_169 : i32
      %and3A_171 = arith.andi %ne3A_167, %ne3A_170 : i1
      %sub3A_172 = arith.constant 1 : i32
      %sub3A_173 = arith.subi %div3A_152, %sub3A_172 : i32
      %select_n3A_174 = arith.select %and3A_171, %sub3A_173, %div3A_152 : i32
      %mul3A_175 = arith.constant 500000 : i32
      %mul3A_176 = arith.muli %select_n3A_174, %mul3A_175 : i32
      %sub3A_177 = arith.subi %squeeze3A_150, %mul3A_176 : i32
      %mul3A_178 = arith.constant 16 : i32
      %mul3A_179 = arith.muli %scan3A_109, %mul3A_178 : i32
      %add3A_180 = arith.constant 1 : i32
      %add3A_181 = arith.addi %mul3A_179, %add3A_180 : i32
      %dma_start3A_182 = arith.constant 0 : i32
      %dma_start3A_183 = tpu.memref_slice %arg6[%add3A_181, %dma_start3A_182] : memref<800x64xf32, #tpu.memory_space<vmem>> -> memref<1x64xf32, #tpu.memory_space<vmem>>
      %dma_start3A_184 = arith.constant 0 : i32
      %dma_start3A_185 = tpu.memref_slice %arg3[%select_n3A_174, %sub3A_177, %dma_start3A_184] : memref<2x500000x64xf32, #tpu.memory_space<hbm>> -> memref<1x1x64xf32, #tpu.memory_space<hbm>>
      %dma_start3A_186 = tpu.memref_squeeze %dma_start3A_185 : memref<1x1x64xf32, #tpu.memory_space<hbm>> -> memref<1x64xf32, #tpu.memory_space<hbm>>
      %dma_start3A_187 = arith.constant 0 : i32
      %dma_start3A_188 = tpu.memref_slice %arg6[%add3A_181, %dma_start3A_187] : memref<800x64xf32, #tpu.memory_space<vmem>> -> memref<1x64xf32, #tpu.memory_space<vmem>>
      %dma_start3A_189 = arith.constant 0 : i32
      %dma_start3A_190 = tpu.memref_slice %arg3[%select_n3A_174, %sub3A_177, %dma_start3A_189] : memref<2x500000x64xf32, #tpu.memory_space<hbm>> -> memref<1x1x64xf32, #tpu.memory_space<hbm>>
      %dma_start3A_191 = tpu.memref_squeeze %dma_start3A_190 : memref<1x1x64xf32, #tpu.memory_space<hbm>> -> memref<1x64xf32, #tpu.memory_space<hbm>>
      tpu.enqueue_dma source(%dma_start3A_191 : memref<1x64xf32, #tpu.memory_space<hbm>>) target(%dma_start3A_188 : memref<1x64xf32, #tpu.memory_space<vmem>>) target_semaphore(%arg7 : memref<!tpu.dma_semaphore, #tpu.memory_space<semaphore_mem>>)
      %slice3A_192 = vector.extract_strided_slice %get3A_116 {offsets = [2], sizes = [1], strides = [1]} : vector<16xi32> to vector<1xi32>
      %squeeze3A_193 = vector.extract %slice3A_192[0] : i32 from vector<1xi32>
      %jit3A_194 = arith.constant 500000 : i32
      %div3A_195 = arith.divsi %squeeze3A_193, %jit3A_194 : i32
      %sign3A_196 = arith.constant 0 : i32
      %sign3A_197 = arith.cmpi sgt, %squeeze3A_193, %sign3A_196 : i32
      %sign3A_198 = arith.extui %sign3A_197 : i1 to i32
      %sign3A_199 = arith.constant 0 : i32
      %sign3A_200 = arith.cmpi slt, %squeeze3A_193, %sign3A_199 : i32
      %sign3A_201 = arith.extui %sign3A_200 : i1 to i32
      %sign3A_202 = arith.subi %sign3A_198, %sign3A_201 : i32
      %sign3A_203 = arith.constant 0 : i32
      %sign3A_204 = arith.cmpi sgt, %jit3A_194, %sign3A_203 : i32
      %sign3A_205 = arith.extui %sign3A_204 : i1 to i32
      %sign3A_206 = arith.constant 0 : i32
      %sign3A_207 = arith.cmpi slt, %jit3A_194, %sign3A_206 : i32
      %sign3A_208 = arith.extui %sign3A_207 : i1 to i32
      %sign3A_209 = arith.subi %sign3A_205, %sign3A_208 : i32
      %ne3A_210 = arith.cmpi ne, %sign3A_202, %sign3A_209 : i32
      %rem3A_211 = arith.remsi %squeeze3A_193, %jit3A_194 : i32
      %ne3A_212 = arith.constant 0 : i32
      %ne3A_213 = arith.cmpi ne, %rem3A_211, %ne3A_212 : i32
      %and3A_214 = arith.andi %ne3A_210, %ne3A_213 : i1
      %sub3A_215 = arith.constant 1 : i32
      %sub3A_216 = arith.subi %div3A_195, %sub3A_215 : i32
      %select_n3A_217 = arith.select %and3A_214, %sub3A_216, %div3A_195 : i32
      %mul3A_218 = arith.constant 500000 : i32
      %mul3A_219 = arith.muli %select_n3A_217, %mul3A_218 : i32
      %sub3A_220 = arith.subi %squeeze3A_193, %mul3A_219 : i32
      %mul3A_221 = arith.constant 16 : i32
      %mul3A_222 = arith.muli %scan3A_109, %mul3A_221 : i32
      %add3A_223 = arith.constant 2 : i32
      %add3A_224 = arith.addi %mul3A_222, %add3A_223 : i32
      %dma_start3A_225 = arith.constant 0 : i32
      %dma_start3A_226 = tpu.memref_slice %arg6[%add3A_224, %dma_start3A_225] : memref<800x64xf32, #tpu.memory_space<vmem>> -> memref<1x64xf32, #tpu.memory_space<vmem>>
      %dma_start3A_227 = arith.constant 0 : i32
      %dma_start3A_228 = tpu.memref_slice %arg3[%select_n3A_217, %sub3A_220, %dma_start3A_227] : memref<2x500000x64xf32, #tpu.memory_space<hbm>> -> memref<1x1x64xf32, #tpu.memory_space<hbm>>
      %dma_start3A_229 = tpu.memref_squeeze %dma_start3A_228 : memref<1x1x64xf32, #tpu.memory_space<hbm>> -> memref<1x64xf32, #tpu.memory_space<hbm>>
      %dma_start3A_230 = arith.constant 0 : i32
      %dma_start3A_231 = tpu.memref_slice %arg6[%add3A_224, %dma_start3A_230] : memref<800x64xf32, #tpu.memory_space<vmem>> -> memref<1x64xf32, #tpu.memory_space<vmem>>
      %dma_start3A_232 = arith.constant 0 : i32
      %dma_start3A_233 = tpu.memref_slice %arg3[%select_n3A_217, %sub3A_220, %dma_start3A_232] : memref<2x500000x64xf32, #tpu.memory_space<hbm>> -> memref<1x1x64xf32, #tpu.memory_space<hbm>>
      %dma_start3A_234 = tpu.memref_squeeze %dma_start3A_233 : memref<1x1x64xf32, #tpu.memory_space<hbm>> -> memref<1x64xf32, #tpu.memory_space<hbm>>
      tpu.enqueue_dma source(%dma_start3A_234 : memref<1x64xf32, #tpu.memory_space<hbm>>) target(%dma_start3A_231 : memref<1x64xf32, #tpu.memory_space<vmem>>) target_semaphore(%arg7 : memref<!tpu.dma_semaphore, #tpu.memory_space<semaphore_mem>>)
      %slice3A_235 = vector.extract_strided_slice %get3A_116 {offsets = [3], sizes = [1], strides = [1]} : vector<16xi32> to vector<1xi32>
      %squeeze3A_236 = vector.extract %slice3A_235[0] : i32 from vector<1xi32>
      %jit3A_237 = arith.constant 500000 : i32
      %div3A_238 = arith.divsi %squeeze3A_236, %jit3A_237 : i32
      %sign3A_239 = arith.constant 0 : i32
      %sign3A_240 = arith.cmpi sgt, %squeeze3A_236, %sign3A_239 : i32
      %sign3A_241 = arith.extui %sign3A_240 : i1 to i32
      %sign3A_242 = arith.constant 0 : i32
      %sign3A_243 = arith.cmpi slt, %squeeze3A_236, %sign3A_242 : i32
      %sign3A_244 = arith.extui %sign3A_243 : i1 to i32
      %sign3A_245 = arith.subi %sign3A_241, %sign3A_244 : i32
      %sign3A_246 = arith.constant 0 : i32
      %sign3A_247 = arith.cmpi sgt, %jit3A_237, %sign3A_246 : i32
      %sign3A_248 = arith.extui %sign3A_247 : i1 to i32
      %sign3A_249 = arith.constant 0 : i32
      %sign3A_250 = arith.cmpi slt, %jit3A_237, %sign3A_249 : i32
      %sign3A_251 = arith.extui %sign3A_250 : i1 to i32
      %sign3A_252 = arith.subi %sign3A_248, %sign3A_251 : i32
      %ne3A_253 = arith.cmpi ne, %sign3A_245, %sign3A_252 : i32
      %rem3A_254 = arith.remsi %squeeze3A_236, %jit3A_237 : i32
      %ne3A_255 = arith.constant 0 : i32
      %ne3A_256 = arith.cmpi ne, %rem3A_254, %ne3A_255 : i32
      %and3A_257 = arith.andi %ne3A_253, %ne3A_256 : i1
      %sub3A_258 = arith.constant 1 : i32
      %sub3A_259 = arith.subi %div3A_238, %sub3A_258 : i32
      %select_n3A_260 = arith.select %and3A_257, %sub3A_259, %div3A_238 : i32
      %mul3A_261 = arith.constant 500000 : i32
      %mul3A_262 = arith.muli %select_n3A_260, %mul3A_261 : i32
      %sub3A_263 = arith.subi %squeeze3A_236, %mul3A_262 : i32
      %mul3A_264 = arith.constant 16 : i32
      %mul3A_265 = arith.muli %scan3A_109, %mul3A_264 : i32
      %add3A_266 = arith.constant 3 : i32
      %add3A_267 = arith.addi %mul3A_265, %add3A_266 : i32
      %dma_start3A_268 = arith.constant 0 : i32
      %dma_start3A_269 = tpu.memref_slice %arg6[%add3A_267, %dma_start3A_268] : memref<800x64xf32, #tpu.memory_space<vmem>> -> memref<1x64xf32, #tpu.memory_space<vmem>>
      %dma_start3A_270 = arith.constant 0 : i32
      %dma_start3A_271 = tpu.memref_slice %arg3[%select_n3A_260, %sub3A_263, %dma_start3A_270] : memref<2x500000x64xf32, #tpu.memory_space<hbm>> -> memref<1x1x64xf32, #tpu.memory_space<hbm>>
      %dma_start3A_272 = tpu.memref_squeeze %dma_start3A_271 : memref<1x1x64xf32, #tpu.memory_space<hbm>> -> memref<1x64xf32, #tpu.memory_space<hbm>>
      %dma_start3A_273 = arith.constant 0 : i32
      %dma_start3A_274 = tpu.memref_slice %arg6[%add3A_267, %dma_start3A_273] : memref<800x64xf32, #tpu.memory_space<vmem>> -> memref<1x64xf32, #tpu.memory_space<vmem>>
      %dma_start3A_275 = arith.constant 0 : i32
      %dma_start3A_276 = tpu.memref_slice %arg3[%select_n3A_260, %sub3A_263, %dma_start3A_275] : memref<2x500000x64xf32, #tpu.memory_space<hbm>> -> memref<1x1x64xf32, #tpu.memory_space<hbm>>
      %dma_start3A_277 = tpu.memref_squeeze %dma_start3A_276 : memref<1x1x64xf32, #tpu.memory_space<hbm>> -> memref<1x64xf32, #tpu.memory_space<hbm>>
      tpu.enqueue_dma source(%dma_start3A_277 : memref<1x64xf32, #tpu.memory_space<hbm>>) target(%dma_start3A_274 : memref<1x64xf32, #tpu.memory_space<vmem>>) target_semaphore(%arg7 : memref<!tpu.dma_semaphore, #tpu.memory_space<semaphore_mem>>)
      %slice3A_278 = vector.extract_strided_slice %get3A_116 {offsets = [4], sizes = [1], strides = [1]} : vector<16xi32> to vector<1xi32>
      %squeeze3A_279 = vector.extract %slice3A_278[0] : i32 from vector<1xi32>
      %jit3A_280 = arith.constant 500000 : i32
      %div3A_281 = arith.divsi %squeeze3A_279, %jit3A_280 : i32
      %sign3A_282 = arith.constant 0 : i32
      %sign3A_283 = arith.cmpi sgt, %squeeze3A_279, %sign3A_282 : i32
      %sign3A_284 = arith.extui %sign3A_283 : i1 to i32
      %sign3A_285 = arith.constant 0 : i32
      %sign3A_286 = arith.cmpi slt, %squeeze3A_279, %sign3A_285 : i32
      %sign3A_287 = arith.extui %sign3A_286 : i1 to i32
      %sign3A_288 = arith.subi %sign3A_284, %sign3A_287 : i32
      %sign3A_289 = arith.constant 0 : i32
      %sign3A_290 = arith.cmpi sgt, %jit3A_280, %sign3A_289 : i32
      %sign3A_291 = arith.extui %sign3A_290 : i1 to i32
      %sign3A_292 = arith.constant 0 : i32
      %sign3A_293 = arith.cmpi slt, %jit3A_280, %sign3A_292 : i32
      %sign3A_294 = arith.extui %sign3A_293 : i1 to i32
      %sign3A_295 = arith.subi %sign3A_291, %sign3A_294 : i32
      %ne3A_296 = arith.cmpi ne, %sign3A_288, %sign3A_295 : i32
      %rem3A_297 = arith.remsi %squeeze3A_279, %jit3A_280 : i32
      %ne3A_298 = arith.constant 0 : i32
      %ne3A_299 = arith.cmpi ne, %rem3A_297, %ne3A_298 : i32
      %and3A_300 = arith.andi %ne3A_296, %ne3A_299 : i1
      %sub3A_301 = arith.constant 1 : i32
      %sub3A_302 = arith.subi %div3A_281, %sub3A_301 : i32
      %select_n3A_303 = arith.select %and3A_300, %sub3A_302, %div3A_281 : i32
      %mul3A_304 = arith.constant 500000 : i32
      %mul3A_305 = arith.muli %select_n3A_303, %mul3A_304 : i32
      %sub3A_306 = arith.subi %squeeze3A_279, %mul3A_305 : i32
      %mul3A_307 = arith.constant 16 : i32
      %mul3A_308 = arith.muli %scan3A_109, %mul3A_307 : i32
      %add3A_309 = arith.constant 4 : i32
      %add3A_310 = arith.addi %mul3A_308, %add3A_309 : i32
      %dma_start3A_311 = arith.constant 0 : i32
      %dma_start3A_312 = tpu.memref_slice %arg6[%add3A_310, %dma_start3A_311] : memref<800x64xf32, #tpu.memory_space<vmem>> -> memref<1x64xf32, #tpu.memory_space<vmem>>
      %dma_start3A_313 = arith.constant 0 : i32
      %dma_start3A_314 = tpu.memref_slice %arg3[%select_n3A_303, %sub3A_306, %dma_start3A_313] : memref<2x500000x64xf32, #tpu.memory_space<hbm>> -> memref<1x1x64xf32, #tpu.memory_space<hbm>>
      %dma_start3A_315 = tpu.memref_squeeze %dma_start3A_314 : memref<1x1x64xf32, #tpu.memory_space<hbm>> -> memref<1x64xf32, #tpu.memory_space<hbm>>
      %dma_start3A_316 = arith.constant 0 : i32
      %dma_start3A_317 = tpu.memref_slice %arg6[%add3A_310, %dma_start3A_316] : memref<800x64xf32, #tpu.memory_space<vmem>> -> memref<1x64xf32, #tpu.memory_space<vmem>>
      %dma_start3A_318 = arith.constant 0 : i32
      %dma_start3A_319 = tpu.memref_slice %arg3[%select_n3A_303, %sub3A_306, %dma_start3A_318] : memref<2x500000x64xf32, #tpu.memory_space<hbm>> -> memref<1x1x64xf32, #tpu.memory_space<hbm>>
      %dma_start3A_320 = tpu.memref_squeeze %dma_start3A_319 : memref<1x1x64xf32, #tpu.memory_space<hbm>> -> memref<1x64xf32, #tpu.memory_space<hbm>>
      tpu.enqueue_dma source(%dma_start3A_320 : memref<1x64xf32, #tpu.memory_space<hbm>>) target(%dma_start3A_317 : memref<1x64xf32, #tpu.memory_space<vmem>>) target_semaphore(%arg7 : memref<!tpu.dma_semaphore, #tpu.memory_space<semaphore_mem>>)
      %slice3A_321 = vector.extract_strided_slice %get3A_116 {offsets = [5], sizes = [1], strides = [1]} : vector<16xi32> to vector<1xi32>
      %squeeze3A_322 = vector.extract %slice3A_321[0] : i32 from vector<1xi32>
      %jit3A_323 = arith.constant 500000 : i32
      %div3A_324 = arith.divsi %squeeze3A_322, %jit3A_323 : i32
      %sign3A_325 = arith.constant 0 : i32
      %sign3A_326 = arith.cmpi sgt, %squeeze3A_322, %sign3A_325 : i32
      %sign3A_327 = arith.extui %sign3A_326 : i1 to i32
      %sign3A_328 = arith.constant 0 : i32
      %sign3A_329 = arith.cmpi slt, %squeeze3A_322, %sign3A_328 : i32
      %sign3A_330 = arith.extui %sign3A_329 : i1 to i32
      %sign3A_331 = arith.subi %sign3A_327, %sign3A_330 : i32
      %sign3A_332 = arith.constant 0 : i32
      %sign3A_333 = arith.cmpi sgt, %jit3A_323, %sign3A_332 : i32
      %sign3A_334 = arith.extui %sign3A_333 : i1 to i32
      %sign3A_335 = arith.constant 0 : i32
      %sign3A_336 = arith.cmpi slt, %jit3A_323, %sign3A_335 : i32
      %sign3A_337 = arith.extui %sign3A_336 : i1 to i32
      %sign3A_338 = arith.subi %sign3A_334, %sign3A_337 : i32
      %ne3A_339 = arith.cmpi ne, %sign3A_331, %sign3A_338 : i32
      %rem3A_340 = arith.remsi %squeeze3A_322, %jit3A_323 : i32
      %ne3A_341 = arith.constant 0 : i32
      %ne3A_342 = arith.cmpi ne, %rem3A_340, %ne3A_341 : i32
      %and3A_343 = arith.andi %ne3A_339, %ne3A_342 : i1
      %sub3A_344 = arith.constant 1 : i32
      %sub3A_345 = arith.subi %div3A_324, %sub3A_344 : i32
      %select_n3A_346 = arith.select %and3A_343, %sub3A_345, %div3A_324 : i32
      %mul3A_347 = arith.constant 500000 : i32
      %mul3A_348 = arith.muli %select_n3A_346, %mul3A_347 : i32
      %sub3A_349 = arith.subi %squeeze3A_322, %mul3A_348 : i32
      %mul3A_350 = arith.constant 16 : i32
      %mul3A_351 = arith.muli %scan3A_109, %mul3A_350 : i32
      %add3A_352 = arith.constant 5 : i32
      %add3A_353 = arith.addi %mul3A_351, %add3A_352 : i32
      %dma_start3A_354 = arith.constant 0 : i32
      %dma_start3A_355 = tpu.memref_slice %arg6[%add3A_353, %dma_start3A_354] : memref<800x64xf32, #tpu.memory_space<vmem>> -> memref<1x64xf32, #tpu.memory_space<vmem>>
      %dma_start3A_356 = arith.constant 0 : i32
      %dma_start3A_357 = tpu.memref_slice %arg3[%select_n3A_346, %sub3A_349, %dma_start3A_356] : memref<2x500000x64xf32, #tpu.memory_space<hbm>> -> memref<1x1x64xf32, #tpu.memory_space<hbm>>
      %dma_start3A_358 = tpu.memref_squeeze %dma_start3A_357 : memref<1x1x64xf32, #tpu.memory_space<hbm>> -> memref<1x64xf32, #tpu.memory_space<hbm>>
      %dma_start3A_359 = arith.constant 0 : i32
      %dma_start3A_360 = tpu.memref_slice %arg6[%add3A_353, %dma_start3A_359] : memref<800x64xf32, #tpu.memory_space<vmem>> -> memref<1x64xf32, #tpu.memory_space<vmem>>
      %dma_start3A_361 = arith.constant 0 : i32
      %dma_start3A_362 = tpu.memref_slice %arg3[%select_n3A_346, %sub3A_349, %dma_start3A_361] : memref<2x500000x64xf32, #tpu.memory_space<hbm>> -> memref<1x1x64xf32, #tpu.memory_space<hbm>>
      %dma_start3A_363 = tpu.memref_squeeze %dma_start3A_362 : memref<1x1x64xf32, #tpu.memory_space<hbm>> -> memref<1x64xf32, #tpu.memory_space<hbm>>
      tpu.enqueue_dma source(%dma_start3A_363 : memref<1x64xf32, #tpu.memory_space<hbm>>) target(%dma_start3A_360 : memref<1x64xf32, #tpu.memory_space<vmem>>) target_semaphore(%arg7 : memref<!tpu.dma_semaphore, #tpu.memory_space<semaphore_mem>>)
      %slice3A_364 = vector.extract_strided_slice %get3A_116 {offsets = [6], sizes = [1], strides = [1]} : vector<16xi32> to vector<1xi32>
      %squeeze3A_365 = vector.extract %slice3A_364[0] : i32 from vector<1xi32>
      %jit3A_366 = arith.constant 500000 : i32
      %div3A_367 = arith.divsi %squeeze3A_365, %jit3A_366 : i32
      %sign3A_368 = arith.constant 0 : i32
      %sign3A_369 = arith.cmpi sgt, %squeeze3A_365, %sign3A_368 : i32
      %sign3A_370 = arith.extui %sign3A_369 : i1 to i32
      %sign3A_371 = arith.constant 0 : i32
      %sign3A_372 = arith.cmpi slt, %squeeze3A_365, %sign3A_371 : i32
      %sign3A_373 = arith.extui %sign3A_372 : i1 to i32
      %sign3A_374 = arith.subi %sign3A_370, %sign3A_373 : i32
      %sign3A_375 = arith.constant 0 : i32
      %sign3A_376 = arith.cmpi sgt, %jit3A_366, %sign3A_375 : i32
      %sign3A_377 = arith.extui %sign3A_376 : i1 to i32
      %sign3A_378 = arith.constant 0 : i32
      %sign3A_379 = arith.cmpi slt, %jit3A_366, %sign3A_378 : i32
      %sign3A_380 = arith.extui %sign3A_379 : i1 to i32
      %sign3A_381 = arith.subi %sign3A_377, %sign3A_380 : i32
      %ne3A_382 = arith.cmpi ne, %sign3A_374, %sign3A_381 : i32
      %rem3A_383 = arith.remsi %squeeze3A_365, %jit3A_366 : i32
      %ne3A_384 = arith.constant 0 : i32
      %ne3A_385 = arith.cmpi ne, %rem3A_383, %ne3A_384 : i32
      %and3A_386 = arith.andi %ne3A_382, %ne3A_385 : i1
      %sub3A_387 = arith.constant 1 : i32
      %sub3A_388 = arith.subi %div3A_367, %sub3A_387 : i32
      %select_n3A_389 = arith.select %and3A_386, %sub3A_388, %div3A_367 : i32
      %mul3A_390 = arith.constant 500000 : i32
      %mul3A_391 = arith.muli %select_n3A_389, %mul3A_390 : i32
      %sub3A_392 = arith.subi %squeeze3A_365, %mul3A_391 : i32
      %mul3A_393 = arith.constant 16 : i32
      %mul3A_394 = arith.muli %scan3A_109, %mul3A_393 : i32
      %add3A_395 = arith.constant 6 : i32
      %add3A_396 = arith.addi %mul3A_394, %add3A_395 : i32
      %dma_start3A_397 = arith.constant 0 : i32
      %dma_start3A_398 = tpu.memref_slice %arg6[%add3A_396, %dma_start3A_397] : memref<800x64xf32, #tpu.memory_space<vmem>> -> memref<1x64xf32, #tpu.memory_space<vmem>>
      %dma_start3A_399 = arith.constant 0 : i32
      %dma_start3A_400 = tpu.memref_slice %arg3[%select_n3A_389, %sub3A_392, %dma_start3A_399] : memref<2x500000x64xf32, #tpu.memory_space<hbm>> -> memref<1x1x64xf32, #tpu.memory_space<hbm>>
      %dma_start3A_401 = tpu.memref_squeeze %dma_start3A_400 : memref<1x1x64xf32, #tpu.memory_space<hbm>> -> memref<1x64xf32, #tpu.memory_space<hbm>>
      %dma_start3A_402 = arith.constant 0 : i32
      %dma_start3A_403 = tpu.memref_slice %arg6[%add3A_396, %dma_start3A_402] : memref<800x64xf32, #tpu.memory_space<vmem>> -> memref<1x64xf32, #tpu.memory_space<vmem>>
      %dma_start3A_404 = arith.constant 0 : i32
      %dma_start3A_405 = tpu.memref_slice %arg3[%select_n3A_389, %sub3A_392, %dma_start3A_404] : memref<2x500000x64xf32, #tpu.memory_space<hbm>> -> memref<1x1x64xf32, #tpu.memory_space<hbm>>
      %dma_start3A_406 = tpu.memref_squeeze %dma_start3A_405 : memref<1x1x64xf32, #tpu.memory_space<hbm>> -> memref<1x64xf32, #tpu.memory_space<hbm>>
      tpu.enqueue_dma source(%dma_start3A_406 : memref<1x64xf32, #tpu.memory_space<hbm>>) target(%dma_start3A_403 : memref<1x64xf32, #tpu.memory_space<vmem>>) target_semaphore(%arg7 : memref<!tpu.dma_semaphore, #tpu.memory_space<semaphore_mem>>)
      %slice3A_407 = vector.extract_strided_slice %get3A_116 {offsets = [7], sizes = [1], strides = [1]} : vector<16xi32> to vector<1xi32>
      %squeeze3A_408 = vector.extract %slice3A_407[0] : i32 from vector<1xi32>
      %jit3A_409 = arith.constant 500000 : i32
      %div3A_410 = arith.divsi %squeeze3A_408, %jit3A_409 : i32
      %sign3A_411 = arith.constant 0 : i32
      %sign3A_412 = arith.cmpi sgt, %squeeze3A_408, %sign3A_411 : i32
      %sign3A_413 = arith.extui %sign3A_412 : i1 to i32
      %sign3A_414 = arith.constant 0 : i32
      %sign3A_415 = arith.cmpi slt, %squeeze3A_408, %sign3A_414 : i32
      %sign3A_416 = arith.extui %sign3A_415 : i1 to i32
      %sign3A_417 = arith.subi %sign3A_413, %sign3A_416 : i32
      %sign3A_418 = arith.constant 0 : i32
      %sign3A_419 = arith.cmpi sgt, %jit3A_409, %sign3A_418 : i32
      %sign3A_420 = arith.extui %sign3A_419 : i1 to i32
      %sign3A_421 = arith.constant 0 : i32
      %sign3A_422 = arith.cmpi slt, %jit3A_409, %sign3A_421 : i32
      %sign3A_423 = arith.extui %sign3A_422 : i1 to i32
      %sign3A_424 = arith.subi %sign3A_420, %sign3A_423 : i32
      %ne3A_425 = arith.cmpi ne, %sign3A_417, %sign3A_424 : i32
      %rem3A_426 = arith.remsi %squeeze3A_408, %jit3A_409 : i32
      %ne3A_427 = arith.constant 0 : i32
      %ne3A_428 = arith.cmpi ne, %rem3A_426, %ne3A_427 : i32
      %and3A_429 = arith.andi %ne3A_425, %ne3A_428 : i1
      %sub3A_430 = arith.constant 1 : i32
      %sub3A_431 = arith.subi %div3A_410, %sub3A_430 : i32
      %select_n3A_432 = arith.select %and3A_429, %sub3A_431, %div3A_410 : i32
      %mul3A_433 = arith.constant 500000 : i32
      %mul3A_434 = arith.muli %select_n3A_432, %mul3A_433 : i32
      %sub3A_435 = arith.subi %squeeze3A_408, %mul3A_434 : i32
      %mul3A_436 = arith.constant 16 : i32
      %mul3A_437 = arith.muli %scan3A_109, %mul3A_436 : i32
      %add3A_438 = arith.constant 7 : i32
      %add3A_439 = arith.addi %mul3A_437, %add3A_438 : i32
      %dma_start3A_440 = arith.constant 0 : i32
      %dma_start3A_441 = tpu.memref_slice %arg6[%add3A_439, %dma_start3A_440] : memref<800x64xf32, #tpu.memory_space<vmem>> -> memref<1x64xf32, #tpu.memory_space<vmem>>
      %dma_start3A_442 = arith.constant 0 : i32
      %dma_start3A_443 = tpu.memref_slice %arg3[%select_n3A_432, %sub3A_435, %dma_start3A_442] : memref<2x500000x64xf32, #tpu.memory_space<hbm>> -> memref<1x1x64xf32, #tpu.memory_space<hbm>>
      %dma_start3A_444 = tpu.memref_squeeze %dma_start3A_443 : memref<1x1x64xf32, #tpu.memory_space<hbm>> -> memref<1x64xf32, #tpu.memory_space<hbm>>
      %dma_start3A_445 = arith.constant 0 : i32
      %dma_start3A_446 = tpu.memref_slice %arg6[%add3A_439, %dma_start3A_445] : memref<800x64xf32, #tpu.memory_space<vmem>> -> memref<1x64xf32, #tpu.memory_space<vmem>>
      %dma_start3A_447 = arith.constant 0 : i32
      %dma_start3A_448 = tpu.memref_slice %arg3[%select_n3A_432, %sub3A_435, %dma_start3A_447] : memref<2x500000x64xf32, #tpu.memory_space<hbm>> -> memref<1x1x64xf32, #tpu.memory_space<hbm>>
      %dma_start3A_449 = tpu.memref_squeeze %dma_start3A_448 : memref<1x1x64xf32, #tpu.memory_space<hbm>> -> memref<1x64xf32, #tpu.memory_space<hbm>>
      tpu.enqueue_dma source(%dma_start3A_449 : memref<1x64xf32, #tpu.memory_space<hbm>>) target(%dma_start3A_446 : memref<1x64xf32, #tpu.memory_space<vmem>>) target_semaphore(%arg7 : memref<!tpu.dma_semaphore, #tpu.memory_space<semaphore_mem>>)
      %slice3A_450 = vector.extract_strided_slice %get3A_116 {offsets = [8], sizes = [1], strides = [1]} : vector<16xi32> to vector<1xi32>
      %squeeze3A_451 = vector.extract %slice3A_450[0] : i32 from vector<1xi32>
      %jit3A_452 = arith.constant 500000 : i32
      %div3A_453 = arith.divsi %squeeze3A_451, %jit3A_452 : i32
      %sign3A_454 = arith.constant 0 : i32
      %sign3A_455 = arith.cmpi sgt, %squeeze3A_451, %sign3A_454 : i32
      %sign3A_456 = arith.extui %sign3A_455 : i1 to i32
      %sign3A_457 = arith.constant 0 : i32
      %sign3A_458 = arith.cmpi slt, %squeeze3A_451, %sign3A_457 : i32
      %sign3A_459 = arith.extui %sign3A_458 : i1 to i32
      %sign3A_460 = arith.subi %sign3A_456, %sign3A_459 : i32
      %sign3A_461 = arith.constant 0 : i32
      %sign3A_462 = arith.cmpi sgt, %jit3A_452, %sign3A_461 : i32
      %sign3A_463 = arith.extui %sign3A_462 : i1 to i32
      %sign3A_464 = arith.constant 0 : i32
      %sign3A_465 = arith.cmpi slt, %jit3A_452, %sign3A_464 : i32
      %sign3A_466 = arith.extui %sign3A_465 : i1 to i32
      %sign3A_467 = arith.subi %sign3A_463, %sign3A_466 : i32
      %ne3A_468 = arith.cmpi ne, %sign3A_460, %sign3A_467 : i32
      %rem3A_469 = arith.remsi %squeeze3A_451, %jit3A_452 : i32
      %ne3A_470 = arith.constant 0 : i32
      %ne3A_471 = arith.cmpi ne, %rem3A_469, %ne3A_470 : i32
      %and3A_472 = arith.andi %ne3A_468, %ne3A_471 : i1
      %sub3A_473 = arith.constant 1 : i32
      %sub3A_474 = arith.subi %div3A_453, %sub3A_473 : i32
      %select_n3A_475 = arith.select %and3A_472, %sub3A_474, %div3A_453 : i32
      %mul3A_476 = arith.constant 500000 : i32
      %mul3A_477 = arith.muli %select_n3A_475, %mul3A_476 : i32
      %sub3A_478 = arith.subi %squeeze3A_451, %mul3A_477 : i32
      %mul3A_479 = arith.constant 16 : i32
      %mul3A_480 = arith.muli %scan3A_109, %mul3A_479 : i32
      %add3A_481 = arith.constant 8 : i32
      %add3A_482 = arith.addi %mul3A_480, %add3A_481 : i32
      %dma_start3A_483 = arith.constant 0 : i32
      %dma_start3A_484 = tpu.memref_slice %arg6[%add3A_482, %dma_start3A_483] : memref<800x64xf32, #tpu.memory_space<vmem>> -> memref<1x64xf32, #tpu.memory_space<vmem>>
      %dma_start3A_485 = arith.constant 0 : i32
      %dma_start3A_486 = tpu.memref_slice %arg3[%select_n3A_475, %sub3A_478, %dma_start3A_485] : memref<2x500000x64xf32, #tpu.memory_space<hbm>> -> memref<1x1x64xf32, #tpu.memory_space<hbm>>
      %dma_start3A_487 = tpu.memref_squeeze %dma_start3A_486 : memref<1x1x64xf32, #tpu.memory_space<hbm>> -> memref<1x64xf32, #tpu.memory_space<hbm>>
      %dma_start3A_488 = arith.constant 0 : i32
      %dma_start3A_489 = tpu.memref_slice %arg6[%add3A_482, %dma_start3A_488] : memref<800x64xf32, #tpu.memory_space<vmem>> -> memref<1x64xf32, #tpu.memory_space<vmem>>
      %dma_start3A_490 = arith.constant 0 : i32
      %dma_start3A_491 = tpu.memref_slice %arg3[%select_n3A_475, %sub3A_478, %dma_start3A_490] : memref<2x500000x64xf32, #tpu.memory_space<hbm>> -> memref<1x1x64xf32, #tpu.memory_space<hbm>>
      %dma_start3A_492 = tpu.memref_squeeze %dma_start3A_491 : memref<1x1x64xf32, #tpu.memory_space<hbm>> -> memref<1x64xf32, #tpu.memory_space<hbm>>
      tpu.enqueue_dma source(%dma_start3A_492 : memref<1x64xf32, #tpu.memory_space<hbm>>) target(%dma_start3A_489 : memref<1x64xf32, #tpu.memory_space<vmem>>) target_semaphore(%arg7 : memref<!tpu.dma_semaphore, #tpu.memory_space<semaphore_mem>>)
      %slice3A_493 = vector.extract_strided_slice %get3A_116 {offsets = [9], sizes = [1], strides = [1]} : vector<16xi32> to vector<1xi32>
      %squeeze3A_494 = vector.extract %slice3A_493[0] : i32 from vector<1xi32>
      %jit3A_495 = arith.constant 500000 : i32
      %div3A_496 = arith.divsi %squeeze3A_494, %jit3A_495 : i32
      %sign3A_497 = arith.constant 0 : i32
      %sign3A_498 = arith.cmpi sgt, %squeeze3A_494, %sign3A_497 : i32
      %sign3A_499 = arith.extui %sign3A_498 : i1 to i32
      %sign3A_500 = arith.constant 0 : i32
      %sign3A_501 = arith.cmpi slt, %squeeze3A_494, %sign3A_500 : i32
      %sign3A_502 = arith.extui %sign3A_501 : i1 to i32
      %sign3A_503 = arith.subi %sign3A_499, %sign3A_502 : i32
      %sign3A_504 = arith.constant 0 : i32
      %sign3A_505 = arith.cmpi sgt, %jit3A_495, %sign3A_504 : i32
      %sign3A_506 = arith.extui %sign3A_505 : i1 to i32
      %sign3A_507 = arith.constant 0 : i32
      %sign3A_508 = arith.cmpi slt, %jit3A_495, %sign3A_507 : i32
      %sign3A_509 = arith.extui %sign3A_508 : i1 to i32
      %sign3A_510 = arith.subi %sign3A_506, %sign3A_509 : i32
      %ne3A_511 = arith.cmpi ne, %sign3A_503, %sign3A_510 : i32
      %rem3A_512 = arith.remsi %squeeze3A_494, %jit3A_495 : i32
      %ne3A_513 = arith.constant 0 : i32
      %ne3A_514 = arith.cmpi ne, %rem3A_512, %ne3A_513 : i32
      %and3A_515 = arith.andi %ne3A_511, %ne3A_514 : i1
      %sub3A_516 = arith.constant 1 : i32
      %sub3A_517 = arith.subi %div3A_496, %sub3A_516 : i32
      %select_n3A_518 = arith.select %and3A_515, %sub3A_517, %div3A_496 : i32
      %mul3A_519 = arith.constant 500000 : i32
      %mul3A_520 = arith.muli %select_n3A_518, %mul3A_519 : i32
      %sub3A_521 = arith.subi %squeeze3A_494, %mul3A_520 : i32
      %mul3A_522 = arith.constant 16 : i32
      %mul3A_523 = arith.muli %scan3A_109, %mul3A_522 : i32
      %add3A_524 = arith.constant 9 : i32
      %add3A_525 = arith.addi %mul3A_523, %add3A_524 : i32
      %dma_start3A_526 = arith.constant 0 : i32
      %dma_start3A_527 = tpu.memref_slice %arg6[%add3A_525, %dma_start3A_526] : memref<800x64xf32, #tpu.memory_space<vmem>> -> memref<1x64xf32, #tpu.memory_space<vmem>>
      %dma_start3A_528 = arith.constant 0 : i32
      %dma_start3A_529 = tpu.memref_slice %arg3[%select_n3A_518, %sub3A_521, %dma_start3A_528] : memref<2x500000x64xf32, #tpu.memory_space<hbm>> -> memref<1x1x64xf32, #tpu.memory_space<hbm>>
      %dma_start3A_530 = tpu.memref_squeeze %dma_start3A_529 : memref<1x1x64xf32, #tpu.memory_space<hbm>> -> memref<1x64xf32, #tpu.memory_space<hbm>>
      %dma_start3A_531 = arith.constant 0 : i32
      %dma_start3A_532 = tpu.memref_slice %arg6[%add3A_525, %dma_start3A_531] : memref<800x64xf32, #tpu.memory_space<vmem>> -> memref<1x64xf32, #tpu.memory_space<vmem>>
      %dma_start3A_533 = arith.constant 0 : i32
      %dma_start3A_534 = tpu.memref_slice %arg3[%select_n3A_518, %sub3A_521, %dma_start3A_533] : memref<2x500000x64xf32, #tpu.memory_space<hbm>> -> memref<1x1x64xf32, #tpu.memory_space<hbm>>
      %dma_start3A_535 = tpu.memref_squeeze %dma_start3A_534 : memref<1x1x64xf32, #tpu.memory_space<hbm>> -> memref<1x64xf32, #tpu.memory_space<hbm>>
      tpu.enqueue_dma source(%dma_start3A_535 : memref<1x64xf32, #tpu.memory_space<hbm>>) target(%dma_start3A_532 : memref<1x64xf32, #tpu.memory_space<vmem>>) target_semaphore(%arg7 : memref<!tpu.dma_semaphore, #tpu.memory_space<semaphore_mem>>)
      %slice3A_536 = vector.extract_strided_slice %get3A_116 {offsets = [10], sizes = [1], strides = [1]} : vector<16xi32> to vector<1xi32>
      %squeeze3A_537 = vector.extract %slice3A_536[0] : i32 from vector<1xi32>
      %jit3A_538 = arith.constant 500000 : i32
      %div3A_539 = arith.divsi %squeeze3A_537, %jit3A_538 : i32
      %sign3A_540 = arith.constant 0 : i32
      %sign3A_541 = arith.cmpi sgt, %squeeze3A_537, %sign3A_540 : i32
      %sign3A_542 = arith.extui %sign3A_541 : i1 to i32
      %sign3A_543 = arith.constant 0 : i32
      %sign3A_544 = arith.cmpi slt, %squeeze3A_537, %sign3A_543 : i32
      %sign3A_545 = arith.extui %sign3A_544 : i1 to i32
      %sign3A_546 = arith.subi %sign3A_542, %sign3A_545 : i32
      %sign3A_547 = arith.constant 0 : i32
      %sign3A_548 = arith.cmpi sgt, %jit3A_538, %sign3A_547 : i32
      %sign3A_549 = arith.extui %sign3A_548 : i1 to i32
      %sign3A_550 = arith.constant 0 : i32
      %sign3A_551 = arith.cmpi slt, %jit3A_538, %sign3A_550 : i32
      %sign3A_552 = arith.extui %sign3A_551 : i1 to i32
      %sign3A_553 = arith.subi %sign3A_549, %sign3A_552 : i32
      %ne3A_554 = arith.cmpi ne, %sign3A_546, %sign3A_553 : i32
      %rem3A_555 = arith.remsi %squeeze3A_537, %jit3A_538 : i32
      %ne3A_556 = arith.constant 0 : i32
      %ne3A_557 = arith.cmpi ne, %rem3A_555, %ne3A_556 : i32
      %and3A_558 = arith.andi %ne3A_554, %ne3A_557 : i1
      %sub3A_559 = arith.constant 1 : i32
      %sub3A_560 = arith.subi %div3A_539, %sub3A_559 : i32
      %select_n3A_561 = arith.select %and3A_558, %sub3A_560, %div3A_539 : i32
      %mul3A_562 = arith.constant 500000 : i32
      %mul3A_563 = arith.muli %select_n3A_561, %mul3A_562 : i32
      %sub3A_564 = arith.subi %squeeze3A_537, %mul3A_563 : i32
      %mul3A_565 = arith.constant 16 : i32
      %mul3A_566 = arith.muli %scan3A_109, %mul3A_565 : i32
      %add3A_567 = arith.constant 10 : i32
      %add3A_568 = arith.addi %mul3A_566, %add3A_567 : i32
      %dma_start3A_569 = arith.constant 0 : i32
      %dma_start3A_570 = tpu.memref_slice %arg6[%add3A_568, %dma_start3A_569] : memref<800x64xf32, #tpu.memory_space<vmem>> -> memref<1x64xf32, #tpu.memory_space<vmem>>
      %dma_start3A_571 = arith.constant 0 : i32
      %dma_start3A_572 = tpu.memref_slice %arg3[%select_n3A_561, %sub3A_564, %dma_start3A_571] : memref<2x500000x64xf32, #tpu.memory_space<hbm>> -> memref<1x1x64xf32, #tpu.memory_space<hbm>>
      %dma_start3A_573 = tpu.memref_squeeze %dma_start3A_572 : memref<1x1x64xf32, #tpu.memory_space<hbm>> -> memref<1x64xf32, #tpu.memory_space<hbm>>
      %dma_start3A_574 = arith.constant 0 : i32
      %dma_start3A_575 = tpu.memref_slice %arg6[%add3A_568, %dma_start3A_574] : memref<800x64xf32, #tpu.memory_space<vmem>> -> memref<1x64xf32, #tpu.memory_space<vmem>>
      %dma_start3A_576 = arith.constant 0 : i32
      %dma_start3A_577 = tpu.memref_slice %arg3[%select_n3A_561, %sub3A_564, %dma_start3A_576] : memref<2x500000x64xf32, #tpu.memory_space<hbm>> -> memref<1x1x64xf32, #tpu.memory_space<hbm>>
      %dma_start3A_578 = tpu.memref_squeeze %dma_start3A_577 : memref<1x1x64xf32, #tpu.memory_space<hbm>> -> memref<1x64xf32, #tpu.memory_space<hbm>>
      tpu.enqueue_dma source(%dma_start3A_578 : memref<1x64xf32, #tpu.memory_space<hbm>>) target(%dma_start3A_575 : memref<1x64xf32, #tpu.memory_space<vmem>>) target_semaphore(%arg7 : memref<!tpu.dma_semaphore, #tpu.memory_space<semaphore_mem>>)
      %slice3A_579 = vector.extract_strided_slice %get3A_116 {offsets = [11], sizes = [1], strides = [1]} : vector<16xi32> to vector<1xi32>
      %squeeze3A_580 = vector.extract %slice3A_579[0] : i32 from vector<1xi32>
      %jit3A_581 = arith.constant 500000 : i32
      %div3A_582 = arith.divsi %squeeze3A_580, %jit3A_581 : i32
      %sign3A_583 = arith.constant 0 : i32
      %sign3A_584 = arith.cmpi sgt, %squeeze3A_580, %sign3A_583 : i32
      %sign3A_585 = arith.extui %sign3A_584 : i1 to i32
      %sign3A_586 = arith.constant 0 : i32
      %sign3A_587 = arith.cmpi slt, %squeeze3A_580, %sign3A_586 : i32
      %sign3A_588 = arith.extui %sign3A_587 : i1 to i32
      %sign3A_589 = arith.subi %sign3A_585, %sign3A_588 : i32
      %sign3A_590 = arith.constant 0 : i32
      %sign3A_591 = arith.cmpi sgt, %jit3A_581, %sign3A_590 : i32
      %sign3A_592 = arith.extui %sign3A_591 : i1 to i32
      %sign3A_593 = arith.constant 0 : i32
      %sign3A_594 = arith.cmpi slt, %jit3A_581, %sign3A_593 : i32
      %sign3A_595 = arith.extui %sign3A_594 : i1 to i32
      %sign3A_596 = arith.subi %sign3A_592, %sign3A_595 : i32
      %ne3A_597 = arith.cmpi ne, %sign3A_589, %sign3A_596 : i32
      %rem3A_598 = arith.remsi %squeeze3A_580, %jit3A_581 : i32
      %ne3A_599 = arith.constant 0 : i32
      %ne3A_600 = arith.cmpi ne, %rem3A_598, %ne3A_599 : i32
      %and3A_601 = arith.andi %ne3A_597, %ne3A_600 : i1
      %sub3A_602 = arith.constant 1 : i32
      %sub3A_603 = arith.subi %div3A_582, %sub3A_602 : i32
      %select_n3A_604 = arith.select %and3A_601, %sub3A_603, %div3A_582 : i32
      %mul3A_605 = arith.constant 500000 : i32
      %mul3A_606 = arith.muli %select_n3A_604, %mul3A_605 : i32
      %sub3A_607 = arith.subi %squeeze3A_580, %mul3A_606 : i32
      %mul3A_608 = arith.constant 16 : i32
      %mul3A_609 = arith.muli %scan3A_109, %mul3A_608 : i32
      %add3A_610 = arith.constant 11 : i32
      %add3A_611 = arith.addi %mul3A_609, %add3A_610 : i32
      %dma_start3A_612 = arith.constant 0 : i32
      %dma_start3A_613 = tpu.memref_slice %arg6[%add3A_611, %dma_start3A_612] : memref<800x64xf32, #tpu.memory_space<vmem>> -> memref<1x64xf32, #tpu.memory_space<vmem>>
      %dma_start3A_614 = arith.constant 0 : i32
      %dma_start3A_615 = tpu.memref_slice %arg3[%select_n3A_604, %sub3A_607, %dma_start3A_614] : memref<2x500000x64xf32, #tpu.memory_space<hbm>> -> memref<1x1x64xf32, #tpu.memory_space<hbm>>
      %dma_start3A_616 = tpu.memref_squeeze %dma_start3A_615 : memref<1x1x64xf32, #tpu.memory_space<hbm>> -> memref<1x64xf32, #tpu.memory_space<hbm>>
      %dma_start3A_617 = arith.constant 0 : i32
      %dma_start3A_618 = tpu.memref_slice %arg6[%add3A_611, %dma_start3A_617] : memref<800x64xf32, #tpu.memory_space<vmem>> -> memref<1x64xf32, #tpu.memory_space<vmem>>
      %dma_start3A_619 = arith.constant 0 : i32
      %dma_start3A_620 = tpu.memref_slice %arg3[%select_n3A_604, %sub3A_607, %dma_start3A_619] : memref<2x500000x64xf32, #tpu.memory_space<hbm>> -> memref<1x1x64xf32, #tpu.memory_space<hbm>>
      %dma_start3A_621 = tpu.memref_squeeze %dma_start3A_620 : memref<1x1x64xf32, #tpu.memory_space<hbm>> -> memref<1x64xf32, #tpu.memory_space<hbm>>
      tpu.enqueue_dma source(%dma_start3A_621 : memref<1x64xf32, #tpu.memory_space<hbm>>) target(%dma_start3A_618 : memref<1x64xf32, #tpu.memory_space<vmem>>) target_semaphore(%arg7 : memref<!tpu.dma_semaphore, #tpu.memory_space<semaphore_mem>>)
      %slice3A_622 = vector.extract_strided_slice %get3A_116 {offsets = [12], sizes = [1], strides = [1]} : vector<16xi32> to vector<1xi32>
      %squeeze3A_623 = vector.extract %slice3A_622[0] : i32 from vector<1xi32>
      %jit3A_624 = arith.constant 500000 : i32
      %div3A_625 = arith.divsi %squeeze3A_623, %jit3A_624 : i32
      %sign3A_626 = arith.constant 0 : i32
      %sign3A_627 = arith.cmpi sgt, %squeeze3A_623, %sign3A_626 : i32
      %sign3A_628 = arith.extui %sign3A_627 : i1 to i32
      %sign3A_629 = arith.constant 0 : i32
      %sign3A_630 = arith.cmpi slt, %squeeze3A_623, %sign3A_629 : i32
      %sign3A_631 = arith.extui %sign3A_630 : i1 to i32
      %sign3A_632 = arith.subi %sign3A_628, %sign3A_631 : i32
      %sign3A_633 = arith.constant 0 : i32
      %sign3A_634 = arith.cmpi sgt, %jit3A_624, %sign3A_633 : i32
      %sign3A_635 = arith.extui %sign3A_634 : i1 to i32
      %sign3A_636 = arith.constant 0 : i32
      %sign3A_637 = arith.cmpi slt, %jit3A_624, %sign3A_636 : i32
      %sign3A_638 = arith.extui %sign3A_637 : i1 to i32
      %sign3A_639 = arith.subi %sign3A_635, %sign3A_638 : i32
      %ne3A_640 = arith.cmpi ne, %sign3A_632, %sign3A_639 : i32
      %rem3A_641 = arith.remsi %squeeze3A_623, %jit3A_624 : i32
      %ne3A_642 = arith.constant 0 : i32
      %ne3A_643 = arith.cmpi ne, %rem3A_641, %ne3A_642 : i32
      %and3A_644 = arith.andi %ne3A_640, %ne3A_643 : i1
      %sub3A_645 = arith.constant 1 : i32
      %sub3A_646 = arith.subi %div3A_625, %sub3A_645 : i32
      %select_n3A_647 = arith.select %and3A_644, %sub3A_646, %div3A_625 : i32
      %mul3A_648 = arith.constant 500000 : i32
      %mul3A_649 = arith.muli %select_n3A_647, %mul3A_648 : i32
      %sub3A_650 = arith.subi %squeeze3A_623, %mul3A_649 : i32
      %mul3A_651 = arith.constant 16 : i32
      %mul3A_652 = arith.muli %scan3A_109, %mul3A_651 : i32
      %add3A_653 = arith.constant 12 : i32
      %add3A_654 = arith.addi %mul3A_652, %add3A_653 : i32
      %dma_start3A_655 = arith.constant 0 : i32
      %dma_start3A_656 = tpu.memref_slice %arg6[%add3A_654, %dma_start3A_655] : memref<800x64xf32, #tpu.memory_space<vmem>> -> memref<1x64xf32, #tpu.memory_space<vmem>>
      %dma_start3A_657 = arith.constant 0 : i32
      %dma_start3A_658 = tpu.memref_slice %arg3[%select_n3A_647, %sub3A_650, %dma_start3A_657] : memref<2x500000x64xf32, #tpu.memory_space<hbm>> -> memref<1x1x64xf32, #tpu.memory_space<hbm>>
      %dma_start3A_659 = tpu.memref_squeeze %dma_start3A_658 : memref<1x1x64xf32, #tpu.memory_space<hbm>> -> memref<1x64xf32, #tpu.memory_space<hbm>>
      %dma_start3A_660 = arith.constant 0 : i32
      %dma_start3A_661 = tpu.memref_slice %arg6[%add3A_654, %dma_start3A_660] : memref<800x64xf32, #tpu.memory_space<vmem>> -> memref<1x64xf32, #tpu.memory_space<vmem>>
      %dma_start3A_662 = arith.constant 0 : i32
      %dma_start3A_663 = tpu.memref_slice %arg3[%select_n3A_647, %sub3A_650, %dma_start3A_662] : memref<2x500000x64xf32, #tpu.memory_space<hbm>> -> memref<1x1x64xf32, #tpu.memory_space<hbm>>
      %dma_start3A_664 = tpu.memref_squeeze %dma_start3A_663 : memref<1x1x64xf32, #tpu.memory_space<hbm>> -> memref<1x64xf32, #tpu.memory_space<hbm>>
      tpu.enqueue_dma source(%dma_start3A_664 : memref<1x64xf32, #tpu.memory_space<hbm>>) target(%dma_start3A_661 : memref<1x64xf32, #tpu.memory_space<vmem>>) target_semaphore(%arg7 : memref<!tpu.dma_semaphore, #tpu.memory_space<semaphore_mem>>)
      %slice3A_665 = vector.extract_strided_slice %get3A_116 {offsets = [13], sizes = [1], strides = [1]} : vector<16xi32> to vector<1xi32>
      %squeeze3A_666 = vector.extract %slice3A_665[0] : i32 from vector<1xi32>
      %jit3A_667 = arith.constant 500000 : i32
      %div3A_668 = arith.divsi %squeeze3A_666, %jit3A_667 : i32
      %sign3A_669 = arith.constant 0 : i32
      %sign3A_670 = arith.cmpi sgt, %squeeze3A_666, %sign3A_669 : i32
      %sign3A_671 = arith.extui %sign3A_670 : i1 to i32
      %sign3A_672 = arith.constant 0 : i32
      %sign3A_673 = arith.cmpi slt, %squeeze3A_666, %sign3A_672 : i32
      %sign3A_674 = arith.extui %sign3A_673 : i1 to i32
      %sign3A_675 = arith.subi %sign3A_671, %sign3A_674 : i32
      %sign3A_676 = arith.constant 0 : i32
      %sign3A_677 = arith.cmpi sgt, %jit3A_667, %sign3A_676 : i32
      %sign3A_678 = arith.extui %sign3A_677 : i1 to i32
      %sign3A_679 = arith.constant 0 : i32
      %sign3A_680 = arith.cmpi slt, %jit3A_667, %sign3A_679 : i32
      %sign3A_681 = arith.extui %sign3A_680 : i1 to i32
      %sign3A_682 = arith.subi %sign3A_678, %sign3A_681 : i32
      %ne3A_683 = arith.cmpi ne, %sign3A_675, %sign3A_682 : i32
      %rem3A_684 = arith.remsi %squeeze3A_666, %jit3A_667 : i32
      %ne3A_685 = arith.constant 0 : i32
      %ne3A_686 = arith.cmpi ne, %rem3A_684, %ne3A_685 : i32
      %and3A_687 = arith.andi %ne3A_683, %ne3A_686 : i1
      %sub3A_688 = arith.constant 1 : i32
      %sub3A_689 = arith.subi %div3A_668, %sub3A_688 : i32
      %select_n3A_690 = arith.select %and3A_687, %sub3A_689, %div3A_668 : i32
      %mul3A_691 = arith.constant 500000 : i32
      %mul3A_692 = arith.muli %select_n3A_690, %mul3A_691 : i32
      %sub3A_693 = arith.subi %squeeze3A_666, %mul3A_692 : i32
      %mul3A_694 = arith.constant 16 : i32
      %mul3A_695 = arith.muli %scan3A_109, %mul3A_694 : i32
      %add3A_696 = arith.constant 13 : i32
      %add3A_697 = arith.addi %mul3A_695, %add3A_696 : i32
      %dma_start3A_698 = arith.constant 0 : i32
      %dma_start3A_699 = tpu.memref_slice %arg6[%add3A_697, %dma_start3A_698] : memref<800x64xf32, #tpu.memory_space<vmem>> -> memref<1x64xf32, #tpu.memory_space<vmem>>
      %dma_start3A_700 = arith.constant 0 : i32
      %dma_start3A_701 = tpu.memref_slice %arg3[%select_n3A_690, %sub3A_693, %dma_start3A_700] : memref<2x500000x64xf32, #tpu.memory_space<hbm>> -> memref<1x1x64xf32, #tpu.memory_space<hbm>>
      %dma_start3A_702 = tpu.memref_squeeze %dma_start3A_701 : memref<1x1x64xf32, #tpu.memory_space<hbm>> -> memref<1x64xf32, #tpu.memory_space<hbm>>
      %dma_start3A_703 = arith.constant 0 : i32
      %dma_start3A_704 = tpu.memref_slice %arg6[%add3A_697, %dma_start3A_703] : memref<800x64xf32, #tpu.memory_space<vmem>> -> memref<1x64xf32, #tpu.memory_space<vmem>>
      %dma_start3A_705 = arith.constant 0 : i32
      %dma_start3A_706 = tpu.memref_slice %arg3[%select_n3A_690, %sub3A_693, %dma_start3A_705] : memref<2x500000x64xf32, #tpu.memory_space<hbm>> -> memref<1x1x64xf32, #tpu.memory_space<hbm>>
      %dma_start3A_707 = tpu.memref_squeeze %dma_start3A_706 : memref<1x1x64xf32, #tpu.memory_space<hbm>> -> memref<1x64xf32, #tpu.memory_space<hbm>>
      tpu.enqueue_dma source(%dma_start3A_707 : memref<1x64xf32, #tpu.memory_space<hbm>>) target(%dma_start3A_704 : memref<1x64xf32, #tpu.memory_space<vmem>>) target_semaphore(%arg7 : memref<!tpu.dma_semaphore, #tpu.memory_space<semaphore_mem>>)
      %slice3A_708 = vector.extract_strided_slice %get3A_116 {offsets = [14], sizes = [1], strides = [1]} : vector<16xi32> to vector<1xi32>
      %squeeze3A_709 = vector.extract %slice3A_708[0] : i32 from vector<1xi32>
      %jit3A_710 = arith.constant 500000 : i32
      %div3A_711 = arith.divsi %squeeze3A_709, %jit3A_710 : i32
      %sign3A_712 = arith.constant 0 : i32
      %sign3A_713 = arith.cmpi sgt, %squeeze3A_709, %sign3A_712 : i32
      %sign3A_714 = arith.extui %sign3A_713 : i1 to i32
      %sign3A_715 = arith.constant 0 : i32
      %sign3A_716 = arith.cmpi slt, %squeeze3A_709, %sign3A_715 : i32
      %sign3A_717 = arith.extui %sign3A_716 : i1 to i32
      %sign3A_718 = arith.subi %sign3A_714, %sign3A_717 : i32
      %sign3A_719 = arith.constant 0 : i32
      %sign3A_720 = arith.cmpi sgt, %jit3A_710, %sign3A_719 : i32
      %sign3A_721 = arith.extui %sign3A_720 : i1 to i32
      %sign3A_722 = arith.constant 0 : i32
      %sign3A_723 = arith.cmpi slt, %jit3A_710, %sign3A_722 : i32
      %sign3A_724 = arith.extui %sign3A_723 : i1 to i32
      %sign3A_725 = arith.subi %sign3A_721, %sign3A_724 : i32
      %ne3A_726 = arith.cmpi ne, %sign3A_718, %sign3A_725 : i32
      %rem3A_727 = arith.remsi %squeeze3A_709, %jit3A_710 : i32
      %ne3A_728 = arith.constant 0 : i32
      %ne3A_729 = arith.cmpi ne, %rem3A_727, %ne3A_728 : i32
      %and3A_730 = arith.andi %ne3A_726, %ne3A_729 : i1
      %sub3A_731 = arith.constant 1 : i32
      %sub3A_732 = arith.subi %div3A_711, %sub3A_731 : i32
      %select_n3A_733 = arith.select %and3A_730, %sub3A_732, %div3A_711 : i32
      %mul3A_734 = arith.constant 500000 : i32
      %mul3A_735 = arith.muli %select_n3A_733, %mul3A_734 : i32
      %sub3A_736 = arith.subi %squeeze3A_709, %mul3A_735 : i32
      %mul3A_737 = arith.constant 16 : i32
      %mul3A_738 = arith.muli %scan3A_109, %mul3A_737 : i32
      %add3A_739 = arith.constant 14 : i32
      %add3A_740 = arith.addi %mul3A_738, %add3A_739 : i32
      %dma_start3A_741 = arith.constant 0 : i32
      %dma_start3A_742 = tpu.memref_slice %arg6[%add3A_740, %dma_start3A_741] : memref<800x64xf32, #tpu.memory_space<vmem>> -> memref<1x64xf32, #tpu.memory_space<vmem>>
      %dma_start3A_743 = arith.constant 0 : i32
      %dma_start3A_744 = tpu.memref_slice %arg3[%select_n3A_733, %sub3A_736, %dma_start3A_743] : memref<2x500000x64xf32, #tpu.memory_space<hbm>> -> memref<1x1x64xf32, #tpu.memory_space<hbm>>
      %dma_start3A_745 = tpu.memref_squeeze %dma_start3A_744 : memref<1x1x64xf32, #tpu.memory_space<hbm>> -> memref<1x64xf32, #tpu.memory_space<hbm>>
      %dma_start3A_746 = arith.constant 0 : i32
      %dma_start3A_747 = tpu.memref_slice %arg6[%add3A_740, %dma_start3A_746] : memref<800x64xf32, #tpu.memory_space<vmem>> -> memref<1x64xf32, #tpu.memory_space<vmem>>
      %dma_start3A_748 = arith.constant 0 : i32
      %dma_start3A_749 = tpu.memref_slice %arg3[%select_n3A_733, %sub3A_736, %dma_start3A_748] : memref<2x500000x64xf32, #tpu.memory_space<hbm>> -> memref<1x1x64xf32, #tpu.memory_space<hbm>>
      %dma_start3A_750 = tpu.memref_squeeze %dma_start3A_749 : memref<1x1x64xf32, #tpu.memory_space<hbm>> -> memref<1x64xf32, #tpu.memory_space<hbm>>
      tpu.enqueue_dma source(%dma_start3A_750 : memref<1x64xf32, #tpu.memory_space<hbm>>) target(%dma_start3A_747 : memref<1x64xf32, #tpu.memory_space<vmem>>) target_semaphore(%arg7 : memref<!tpu.dma_semaphore, #tpu.memory_space<semaphore_mem>>)
      %slice3A_751 = vector.extract_strided_slice %get3A_116 {offsets = [15], sizes = [1], strides = [1]} : vector<16xi32> to vector<1xi32>
      %squeeze3A_752 = vector.extract %slice3A_751[0] : i32 from vector<1xi32>
      %jit3A_753 = arith.constant 500000 : i32
      %div3A_754 = arith.divsi %squeeze3A_752, %jit3A_753 : i32
      %sign3A_755 = arith.constant 0 : i32
      %sign3A_756 = arith.cmpi sgt, %squeeze3A_752, %sign3A_755 : i32
      %sign3A_757 = arith.extui %sign3A_756 : i1 to i32
      %sign3A_758 = arith.constant 0 : i32
      %sign3A_759 = arith.cmpi slt, %squeeze3A_752, %sign3A_758 : i32
      %sign3A_760 = arith.extui %sign3A_759 : i1 to i32
      %sign3A_761 = arith.subi %sign3A_757, %sign3A_760 : i32
      %sign3A_762 = arith.constant 0 : i32
      %sign3A_763 = arith.cmpi sgt, %jit3A_753, %sign3A_762 : i32
      %sign3A_764 = arith.extui %sign3A_763 : i1 to i32
      %sign3A_765 = arith.constant 0 : i32
      %sign3A_766 = arith.cmpi slt, %jit3A_753, %sign3A_765 : i32
      %sign3A_767 = arith.extui %sign3A_766 : i1 to i32
      %sign3A_768 = arith.subi %sign3A_764, %sign3A_767 : i32
      %ne3A_769 = arith.cmpi ne, %sign3A_761, %sign3A_768 : i32
      %rem3A_770 = arith.remsi %squeeze3A_752, %jit3A_753 : i32
      %ne3A_771 = arith.constant 0 : i32
      %ne3A_772 = arith.cmpi ne, %rem3A_770, %ne3A_771 : i32
      %and3A_773 = arith.andi %ne3A_769, %ne3A_772 : i1
      %sub3A_774 = arith.constant 1 : i32
      %sub3A_775 = arith.subi %div3A_754, %sub3A_774 : i32
      %select_n3A_776 = arith.select %and3A_773, %sub3A_775, %div3A_754 : i32
      %mul3A_777 = arith.constant 500000 : i32
      %mul3A_778 = arith.muli %select_n3A_776, %mul3A_777 : i32
      %sub3A_779 = arith.subi %squeeze3A_752, %mul3A_778 : i32
      %mul3A_780 = arith.constant 16 : i32
      %mul3A_781 = arith.muli %scan3A_109, %mul3A_780 : i32
      %add3A_782 = arith.constant 15 : i32
      %add3A_783 = arith.addi %mul3A_781, %add3A_782 : i32
      %dma_start3A_784 = arith.constant 0 : i32
      %dma_start3A_785 = tpu.memref_slice %arg6[%add3A_783, %dma_start3A_784] : memref<800x64xf32, #tpu.memory_space<vmem>> -> memref<1x64xf32, #tpu.memory_space<vmem>>
      %dma_start3A_786 = arith.constant 0 : i32
      %dma_start3A_787 = tpu.memref_slice %arg3[%select_n3A_776, %sub3A_779, %dma_start3A_786] : memref<2x500000x64xf32, #tpu.memory_space<hbm>> -> memref<1x1x64xf32, #tpu.memory_space<hbm>>
      %dma_start3A_788 = tpu.memref_squeeze %dma_start3A_787 : memref<1x1x64xf32, #tpu.memory_space<hbm>> -> memref<1x64xf32, #tpu.memory_space<hbm>>
      %dma_start3A_789 = arith.constant 0 : i32
      %dma_start3A_790 = tpu.memref_slice %arg6[%add3A_783, %dma_start3A_789] : memref<800x64xf32, #tpu.memory_space<vmem>> -> memref<1x64xf32, #tpu.memory_space<vmem>>
      %dma_start3A_791 = arith.constant 0 : i32
      %dma_start3A_792 = tpu.memref_slice %arg3[%select_n3A_776, %sub3A_779, %dma_start3A_791] : memref<2x500000x64xf32, #tpu.memory_space<hbm>> -> memref<1x1x64xf32, #tpu.memory_space<hbm>>
      %dma_start3A_793 = tpu.memref_squeeze %dma_start3A_792 : memref<1x1x64xf32, #tpu.memory_space<hbm>> -> memref<1x64xf32, #tpu.memory_space<hbm>>
      tpu.enqueue_dma source(%dma_start3A_793 : memref<1x64xf32, #tpu.memory_space<hbm>>) target(%dma_start3A_790 : memref<1x64xf32, #tpu.memory_space<vmem>>) target_semaphore(%arg7 : memref<!tpu.dma_semaphore, #tpu.memory_space<semaphore_mem>>)
      %gt3A = arith.constant 2 : i32
      %gt3A_794 = arith.cmpi sgt, %scan3A_109, %gt3A : i32
      %convert_element_type3A = arith.extui %gt3A_794 : i1 to i32
      %cond3A = arith.constant 0 : i32
      %cond3A_795 = arith.cmpi ne, %convert_element_type3A, %cond3A : i32
      scf.if %cond3A_795 {
        %dma_wait3A_797 = arith.constant 0 : i32
        %dma_wait3A_798 = arith.constant 0 : i32
        %dma_wait3A_799 = arith.constant 0 : i32
        %dma_wait3A_800 = tpu.memref_slice %arg6[%dma_wait3A_798, %dma_wait3A_799] : memref<800x64xf32, #tpu.memory_space<vmem>> -> memref<16x64xf32, #tpu.memory_space<vmem>>
        %dma_wait3A_801 = arith.constant 0 : i32
        %dma_wait3A_802 = arith.constant 0 : i32
        %dma_wait3A_803 = tpu.memref_slice %arg3[%dma_wait3A_797, %dma_wait3A_801, %dma_wait3A_802] : memref<2x500000x64xf32, #tpu.memory_space<hbm>> -> memref<1x16x64xf32, #tpu.memory_space<hbm>>
        %dma_wait3A_804 = tpu.memref_squeeze %dma_wait3A_803 : memref<1x16x64xf32, #tpu.memory_space<hbm>> -> memref<16x64xf32, #tpu.memory_space<hbm>>
        %dma_wait3A_805 = arith.constant 0 : i32
        %dma_wait3A_806 = arith.constant 0 : i32
        %dma_wait3A_807 = tpu.memref_slice %arg6[%dma_wait3A_805, %dma_wait3A_806] : memref<800x64xf32, #tpu.memory_space<vmem>> -> memref<16x64xf32, #tpu.memory_space<vmem>>
        %dma_wait3A_808 = arith.constant 0 : i32
        %dma_wait3A_809 = arith.constant 0 : i32
        %dma_wait3A_810 = tpu.memref_slice %arg3[%dma_wait3A_797, %dma_wait3A_808, %dma_wait3A_809] : memref<2x500000x64xf32, #tpu.memory_space<hbm>> -> memref<1x16x64xf32, #tpu.memory_space<hbm>>
        %dma_wait3A_811 = tpu.memref_squeeze %dma_wait3A_810 : memref<1x16x64xf32, #tpu.memory_space<hbm>> -> memref<16x64xf32, #tpu.memory_space<hbm>>
        tpu.wait_dma2 semaphore(%arg7 : memref<!tpu.dma_semaphore, #tpu.memory_space<semaphore_mem>>) src(%dma_wait3A_811 : memref<16x64xf32, #tpu.memory_space<hbm>>) dst(%dma_wait3A_807 : memref<16x64xf32, #tpu.memory_space<vmem>>)
      } else {
      }
      %scan3A_796 = arith.constant 0 : i32
      scf.yield %scan3A_796 : i32
    }
    %scan3A_61 = arith.constant 50 : i32
    %dma_wait3A_62 = arith.constant 0 : i32
    %dma_wait3A_63 = arith.constant 0 : i32
    %dma_wait3A_64 = arith.constant 0 : i32
    %dma_wait3A_65 = tpu.memref_slice %arg6[%dma_wait3A_63, %dma_wait3A_64] : memref<800x64xf32, #tpu.memory_space<vmem>> -> memref<16x64xf32, #tpu.memory_space<vmem>>
    %dma_wait3A_66 = arith.constant 0 : i32
    %dma_wait3A_67 = arith.constant 0 : i32
    %dma_wait3A_68 = tpu.memref_slice %arg3[%dma_wait3A_62, %dma_wait3A_66, %dma_wait3A_67] : memref<2x500000x64xf32, #tpu.memory_space<hbm>> -> memref<1x16x64xf32, #tpu.memory_space<hbm>>
    %dma_wait3A_69 = tpu.memref_squeeze %dma_wait3A_68 : memref<1x16x64xf32, #tpu.memory_space<hbm>> -> memref<16x64xf32, #tpu.memory_space<hbm>>
    %dma_wait3A_70 = arith.constant 0 : i32
    %dma_wait3A_71 = arith.constant 0 : i32
    %dma_wait3A_72 = tpu.memref_slice %arg6[%dma_wait3A_70, %dma_wait3A_71] : memref<800x64xf32, #tpu.memory_space<vmem>> -> memref<16x64xf32, #tpu.memory_space<vmem>>
    %dma_wait3A_73 = arith.constant 0 : i32
    %dma_wait3A_74 = arith.constant 0 : i32
    %dma_wait3A_75 = tpu.memref_slice %arg3[%dma_wait3A_62, %dma_wait3A_73, %dma_wait3A_74] : memref<2x500000x64xf32, #tpu.memory_space<hbm>> -> memref<1x16x64xf32, #tpu.memory_space<hbm>>
    %dma_wait3A_76 = tpu.memref_squeeze %dma_wait3A_75 : memref<1x16x64xf32, #tpu.memory_space<hbm>> -> memref<16x64xf32, #tpu.memory_space<hbm>>
    tpu.wait_dma2 semaphore(%arg7 : memref<!tpu.dma_semaphore, #tpu.memory_space<semaphore_mem>>) src(%dma_wait3A_76 : memref<16x64xf32, #tpu.memory_space<hbm>>) dst(%dma_wait3A_72 : memref<16x64xf32, #tpu.memory_space<vmem>>)
    %dma_wait3A_77 = arith.constant 0 : i32
    %dma_wait3A_78 = arith.constant 0 : i32
    %dma_wait3A_79 = arith.constant 0 : i32
    %dma_wait3A_80 = tpu.memref_slice %arg6[%dma_wait3A_78, %dma_wait3A_79] : memref<800x64xf32, #tpu.memory_space<vmem>> -> memref<16x64xf32, #tpu.memory_space<vmem>>
    %dma_wait3A_81 = arith.constant 0 : i32
    %dma_wait3A_82 = arith.constant 0 : i32
    %dma_wait3A_83 = tpu.memref_slice %arg3[%dma_wait3A_77, %dma_wait3A_81, %dma_wait3A_82] : memref<2x500000x64xf32, #tpu.memory_space<hbm>> -> memref<1x16x64xf32, #tpu.memory_space<hbm>>
    %dma_wait3A_84 = tpu.memref_squeeze %dma_wait3A_83 : memref<1x16x64xf32, #tpu.memory_space<hbm>> -> memref<16x64xf32, #tpu.memory_space<hbm>>
    %dma_wait3A_85 = arith.constant 0 : i32
    %dma_wait3A_86 = arith.constant 0 : i32
    %dma_wait3A_87 = tpu.memref_slice %arg6[%dma_wait3A_85, %dma_wait3A_86] : memref<800x64xf32, #tpu.memory_space<vmem>> -> memref<16x64xf32, #tpu.memory_space<vmem>>
    %dma_wait3A_88 = arith.constant 0 : i32
    %dma_wait3A_89 = arith.constant 0 : i32
    %dma_wait3A_90 = tpu.memref_slice %arg3[%dma_wait3A_77, %dma_wait3A_88, %dma_wait3A_89] : memref<2x500000x64xf32, #tpu.memory_space<hbm>> -> memref<1x16x64xf32, #tpu.memory_space<hbm>>
    %dma_wait3A_91 = tpu.memref_squeeze %dma_wait3A_90 : memref<1x16x64xf32, #tpu.memory_space<hbm>> -> memref<16x64xf32, #tpu.memory_space<hbm>>
    tpu.wait_dma2 semaphore(%arg7 : memref<!tpu.dma_semaphore, #tpu.memory_space<semaphore_mem>>) src(%dma_wait3A_91 : memref<16x64xf32, #tpu.memory_space<hbm>>) dst(%dma_wait3A_87 : memref<16x64xf32, #tpu.memory_space<vmem>>)
    %dma_wait3A_92 = arith.constant 0 : i32
    %dma_wait3A_93 = arith.constant 0 : i32
    %dma_wait3A_94 = arith.constant 0 : i32
    %dma_wait3A_95 = tpu.memref_slice %arg6[%dma_wait3A_93, %dma_wait3A_94] : memref<800x64xf32, #tpu.memory_space<vmem>> -> memref<16x64xf32, #tpu.memory_space<vmem>>
    %dma_wait3A_96 = arith.constant 0 : i32
    %dma_wait3A_97 = arith.constant 0 : i32
    %dma_wait3A_98 = tpu.memref_slice %arg3[%dma_wait3A_92, %dma_wait3A_96, %dma_wait3A_97] : memref<2x500000x64xf32, #tpu.memory_space<hbm>> -> memref<1x16x64xf32, #tpu.memory_space<hbm>>
    %dma_wait3A_99 = tpu.memref_squeeze %dma_wait3A_98 : memref<1x16x64xf32, #tpu.memory_space<hbm>> -> memref<16x64xf32, #tpu.memory_space<hbm>>
    %dma_wait3A_100 = arith.constant 0 : i32
    %dma_wait3A_101 = arith.constant 0 : i32
    %dma_wait3A_102 = tpu.memref_slice %arg6[%dma_wait3A_100, %dma_wait3A_101] : memref<800x64xf32, #tpu.memory_space<vmem>> -> memref<16x64xf32, #tpu.memory_space<vmem>>
    %dma_wait3A_103 = arith.constant 0 : i32
    %dma_wait3A_104 = arith.constant 0 : i32
    %dma_wait3A_105 = tpu.memref_slice %arg3[%dma_wait3A_92, %dma_wait3A_103, %dma_wait3A_104] : memref<2x500000x64xf32, #tpu.memory_space<hbm>> -> memref<1x16x64xf32, #tpu.memory_space<hbm>>
    %dma_wait3A_106 = tpu.memref_squeeze %dma_wait3A_105 : memref<1x16x64xf32, #tpu.memory_space<hbm>> -> memref<16x64xf32, #tpu.memory_space<hbm>>
    tpu.wait_dma2 semaphore(%arg7 : memref<!tpu.dma_semaphore, #tpu.memory_space<semaphore_mem>>) src(%dma_wait3A_106 : memref<16x64xf32, #tpu.memory_space<hbm>>) dst(%dma_wait3A_102 : memref<16x64xf32, #tpu.memory_space<vmem>>)
    %add3A_107 = arith.constant 800 : i32
    %add3A_108 = arith.addi %mul3A_2, %add3A_107 : i32
    "tpu.region"() ({
      %run_scoped3A = tpu.sem_alloc : memref<!tpu.dma_semaphore, #tpu.memory_space<semaphore_mem>>
      %dma_start3A = arith.constant 0 : i32
      %dma_start3A_109 = tpu.memref_slice %arg4[%add3A_108, %dma_start3A] : memref<51200x64xf32, #tpu.memory_space<hbm>> -> memref<800x64xf32, #tpu.memory_space<hbm>>
      %dma_start3A_110 = arith.constant 0 : i32
      %dma_start3A_111 = tpu.memref_slice %arg4[%add3A_108, %dma_start3A_110] : memref<51200x64xf32, #tpu.memory_space<hbm>> -> memref<800x64xf32, #tpu.memory_space<hbm>>
      tpu.enqueue_dma source(%arg6 : memref<800x64xf32, #tpu.memory_space<vmem>>) target(%dma_start3A_111 : memref<800x64xf32, #tpu.memory_space<hbm>>) target_semaphore(%run_scoped3A : memref<!tpu.dma_semaphore, #tpu.memory_space<semaphore_mem>>)
      %dma_wait3A_112 = arith.constant 0 : i32
      %dma_wait3A_113 = tpu.memref_slice %arg4[%add3A_108, %dma_wait3A_112] : memref<51200x64xf32, #tpu.memory_space<hbm>> -> memref<800x64xf32, #tpu.memory_space<hbm>>
      %dma_wait3A_114 = arith.constant 0 : i32
      %dma_wait3A_115 = tpu.memref_slice %arg4[%add3A_108, %dma_wait3A_114] : memref<51200x64xf32, #tpu.memory_space<hbm>> -> memref<800x64xf32, #tpu.memory_space<hbm>>
      tpu.wait_dma2 semaphore(%run_scoped3A : memref<!tpu.dma_semaphore, #tpu.memory_space<semaphore_mem>>) src(%arg6 : memref<800x64xf32, #tpu.memory_space<vmem>>) dst(%dma_wait3A_115 : memref<800x64xf32, #tpu.memory_space<hbm>>)
      tpu.yield
    }) : () -> ()
    return
  }
}

#map = affine_map<(d0, d1) -> (0)>
#map1 = affine_map<(d0, d1) -> (0, 0)>
module attributes {stable_mosaic.version = 14 : i64} {
  func.func @seg_k(%arg0: i32, %arg1: i32, %arg2: memref<51200xi32, #tpu.memory_space<hbm>>, %arg3: memref<3072x128xf32, #tpu.memory_space<hbm>>, %arg4: memref<51200x128xf32, #tpu.memory_space<hbm>>, %arg5: memref<1600xi32, #tpu.memory_space<vmem>>, %arg6: memref<200x128xf32, #tpu.memory_space<vmem>>, %arg7: memref<!tpu.dma_semaphore, #tpu.memory_space<semaphore_mem>>) attributes {dimension_semantics = [#tpu.dimension_semantics<core_parallel>, #tpu.dimension_semantics<subcore_parallel>], iteration_bounds = array<i64: 2, 16>, scalar_prefetch = 0 : i64, scratch_operands = 3 : i64, tpu.core_type = #tpu.core_type<sc_vector_subcore>, window_params = [{transform_indices = #map}, {transform_indices = #map1}, {transform_indices = #map1}]} {
    %mul3A = arith.constant 2 : i32
    %mul3A_0 = arith.muli %arg1, %mul3A : i32
    %add3A = arith.addi %mul3A_0, %arg0 : i32
    %mul3A_1 = arith.constant 1600 : i32
    %mul3A_2 = arith.muli %add3A, %mul3A_1 : i32
    "tpu.region"() ({
      %run_scoped3A = tpu.sem_alloc : memref<!tpu.dma_semaphore, #tpu.memory_space<semaphore_mem>>
      %dma_start3A_97 = tpu.memref_slice %arg2[%mul3A_2] : memref<51200xi32, #tpu.memory_space<hbm>> -> memref<1600xi32, #tpu.memory_space<hbm>>
      %dma_start3A_98 = tpu.memref_slice %arg2[%mul3A_2] : memref<51200xi32, #tpu.memory_space<hbm>> -> memref<1600xi32, #tpu.memory_space<hbm>>
      tpu.enqueue_dma source(%dma_start3A_98 : memref<1600xi32, #tpu.memory_space<hbm>>) target(%arg5 : memref<1600xi32, #tpu.memory_space<vmem>>) target_semaphore(%run_scoped3A : memref<!tpu.dma_semaphore, #tpu.memory_space<semaphore_mem>>)
      %dma_wait3A_99 = tpu.memref_slice %arg2[%mul3A_2] : memref<51200xi32, #tpu.memory_space<hbm>> -> memref<1600xi32, #tpu.memory_space<hbm>>
      %dma_wait3A_100 = tpu.memref_slice %arg2[%mul3A_2] : memref<51200xi32, #tpu.memory_space<hbm>> -> memref<1600xi32, #tpu.memory_space<hbm>>
      tpu.wait_dma2 semaphore(%run_scoped3A : memref<!tpu.dma_semaphore, #tpu.memory_space<semaphore_mem>>) src(%dma_wait3A_100 : memref<1600xi32, #tpu.memory_space<hbm>>) dst(%arg5 : memref<1600xi32, #tpu.memory_space<vmem>>)
      tpu.yield
    }) : () -> ()
    %dma_start3A = arith.constant 0 : i32
    %dma_start3A_3 = tpu.memref_slice %arg5[%dma_start3A] : memref<1600xi32, #tpu.memory_space<vmem>> -> memref<200xi32, #tpu.memory_space<vmem>>
    %dma_start3A_4 = arith.constant 0 : i32
    %dma_start3A_5 = arith.constant 0 : i32
    %dma_start3A_6 = tpu.memref_slice %arg3[%dma_start3A_4, %dma_start3A_5] : memref<3072x128xf32, #tpu.memory_space<hbm>> -> memref<3072x128xf32, #tpu.memory_space<hbm>>
    tpu.enqueue_indirect_dma source(%dma_start3A_6 : memref<3072x128xf32, #tpu.memory_space<hbm>>) target(%arg6 : memref<200x128xf32, #tpu.memory_space<vmem>>) offsets(%dma_start3A_3 : memref<200xi32, #tpu.memory_space<vmem>>) semaphore(%arg7 : memref<!tpu.dma_semaphore, #tpu.memory_space<semaphore_mem>>)
    %dma_wait3A = arith.constant 0 : i32
    %dma_wait3A_7 = tpu.memref_slice %arg5[%dma_wait3A] : memref<1600xi32, #tpu.memory_space<vmem>> -> memref<200xi32, #tpu.memory_space<vmem>>
    %dma_wait3A_8 = arith.constant 0 : i32
    %dma_wait3A_9 = arith.constant 0 : i32
    %dma_wait3A_10 = tpu.memref_slice %arg3[%dma_wait3A_8, %dma_wait3A_9] : memref<3072x128xf32, #tpu.memory_space<hbm>> -> memref<3072x128xf32, #tpu.memory_space<hbm>>
    tpu.wait_indirect_dma semaphore(%arg7 : memref<!tpu.dma_semaphore, #tpu.memory_space<semaphore_mem>>) src(%dma_wait3A_10 : memref<3072x128xf32, #tpu.memory_space<hbm>>) dst(%arg6 : memref<200x128xf32, #tpu.memory_space<vmem>>)
    %add3A_11 = arith.constant 0 : i32
    %add3A_12 = arith.addi %mul3A_2, %add3A_11 : i32
    "tpu.region"() ({
      %run_scoped3A = tpu.sem_alloc : memref<!tpu.dma_semaphore, #tpu.memory_space<semaphore_mem>>
      %dma_start3A_97 = arith.constant 0 : i32
      %dma_start3A_98 = tpu.memref_slice %arg4[%add3A_12, %dma_start3A_97] : memref<51200x128xf32, #tpu.memory_space<hbm>> -> memref<200x128xf32, #tpu.memory_space<hbm>>
      %dma_start3A_99 = arith.constant 0 : i32
      %dma_start3A_100 = tpu.memref_slice %arg4[%add3A_12, %dma_start3A_99] : memref<51200x128xf32, #tpu.memory_space<hbm>> -> memref<200x128xf32, #tpu.memory_space<hbm>>
      tpu.enqueue_dma source(%arg6 : memref<200x128xf32, #tpu.memory_space<vmem>>) target(%dma_start3A_100 : memref<200x128xf32, #tpu.memory_space<hbm>>) target_semaphore(%run_scoped3A : memref<!tpu.dma_semaphore, #tpu.memory_space<semaphore_mem>>)
      %dma_wait3A_101 = arith.constant 0 : i32
      %dma_wait3A_102 = tpu.memref_slice %arg4[%add3A_12, %dma_wait3A_101] : memref<51200x128xf32, #tpu.memory_space<hbm>> -> memref<200x128xf32, #tpu.memory_space<hbm>>
      %dma_wait3A_103 = arith.constant 0 : i32
      %dma_wait3A_104 = tpu.memref_slice %arg4[%add3A_12, %dma_wait3A_103] : memref<51200x128xf32, #tpu.memory_space<hbm>> -> memref<200x128xf32, #tpu.memory_space<hbm>>
      tpu.wait_dma2 semaphore(%run_scoped3A : memref<!tpu.dma_semaphore, #tpu.memory_space<semaphore_mem>>) src(%arg6 : memref<200x128xf32, #tpu.memory_space<vmem>>) dst(%dma_wait3A_104 : memref<200x128xf32, #tpu.memory_space<hbm>>)
      tpu.yield
    }) : () -> ()
    %dma_start3A_13 = arith.constant 200 : i32
    %dma_start3A_14 = tpu.memref_slice %arg5[%dma_start3A_13] : memref<1600xi32, #tpu.memory_space<vmem>> -> memref<200xi32, #tpu.memory_space<vmem>>
    %dma_start3A_15 = arith.constant 0 : i32
    %dma_start3A_16 = arith.constant 0 : i32
    %dma_start3A_17 = tpu.memref_slice %arg3[%dma_start3A_15, %dma_start3A_16] : memref<3072x128xf32, #tpu.memory_space<hbm>> -> memref<3072x128xf32, #tpu.memory_space<hbm>>
    tpu.enqueue_indirect_dma source(%dma_start3A_17 : memref<3072x128xf32, #tpu.memory_space<hbm>>) target(%arg6 : memref<200x128xf32, #tpu.memory_space<vmem>>) offsets(%dma_start3A_14 : memref<200xi32, #tpu.memory_space<vmem>>) semaphore(%arg7 : memref<!tpu.dma_semaphore, #tpu.memory_space<semaphore_mem>>)
    %dma_wait3A_18 = arith.constant 200 : i32
    %dma_wait3A_19 = tpu.memref_slice %arg5[%dma_wait3A_18] : memref<1600xi32, #tpu.memory_space<vmem>> -> memref<200xi32, #tpu.memory_space<vmem>>
    %dma_wait3A_20 = arith.constant 0 : i32
    %dma_wait3A_21 = arith.constant 0 : i32
    %dma_wait3A_22 = tpu.memref_slice %arg3[%dma_wait3A_20, %dma_wait3A_21] : memref<3072x128xf32, #tpu.memory_space<hbm>> -> memref<3072x128xf32, #tpu.memory_space<hbm>>
    tpu.wait_indirect_dma semaphore(%arg7 : memref<!tpu.dma_semaphore, #tpu.memory_space<semaphore_mem>>) src(%dma_wait3A_22 : memref<3072x128xf32, #tpu.memory_space<hbm>>) dst(%arg6 : memref<200x128xf32, #tpu.memory_space<vmem>>)
    %add3A_23 = arith.constant 200 : i32
    %add3A_24 = arith.addi %mul3A_2, %add3A_23 : i32
    "tpu.region"() ({
      %run_scoped3A = tpu.sem_alloc : memref<!tpu.dma_semaphore, #tpu.memory_space<semaphore_mem>>
      %dma_start3A_97 = arith.constant 0 : i32
      %dma_start3A_98 = tpu.memref_slice %arg4[%add3A_24, %dma_start3A_97] : memref<51200x128xf32, #tpu.memory_space<hbm>> -> memref<200x128xf32, #tpu.memory_space<hbm>>
      %dma_start3A_99 = arith.constant 0 : i32
      %dma_start3A_100 = tpu.memref_slice %arg4[%add3A_24, %dma_start3A_99] : memref<51200x128xf32, #tpu.memory_space<hbm>> -> memref<200x128xf32, #tpu.memory_space<hbm>>
      tpu.enqueue_dma source(%arg6 : memref<200x128xf32, #tpu.memory_space<vmem>>) target(%dma_start3A_100 : memref<200x128xf32, #tpu.memory_space<hbm>>) target_semaphore(%run_scoped3A : memref<!tpu.dma_semaphore, #tpu.memory_space<semaphore_mem>>)
      %dma_wait3A_101 = arith.constant 0 : i32
      %dma_wait3A_102 = tpu.memref_slice %arg4[%add3A_24, %dma_wait3A_101] : memref<51200x128xf32, #tpu.memory_space<hbm>> -> memref<200x128xf32, #tpu.memory_space<hbm>>
      %dma_wait3A_103 = arith.constant 0 : i32
      %dma_wait3A_104 = tpu.memref_slice %arg4[%add3A_24, %dma_wait3A_103] : memref<51200x128xf32, #tpu.memory_space<hbm>> -> memref<200x128xf32, #tpu.memory_space<hbm>>
      tpu.wait_dma2 semaphore(%run_scoped3A : memref<!tpu.dma_semaphore, #tpu.memory_space<semaphore_mem>>) src(%arg6 : memref<200x128xf32, #tpu.memory_space<vmem>>) dst(%dma_wait3A_104 : memref<200x128xf32, #tpu.memory_space<hbm>>)
      tpu.yield
    }) : () -> ()
    %dma_start3A_25 = arith.constant 400 : i32
    %dma_start3A_26 = tpu.memref_slice %arg5[%dma_start3A_25] : memref<1600xi32, #tpu.memory_space<vmem>> -> memref<200xi32, #tpu.memory_space<vmem>>
    %dma_start3A_27 = arith.constant 0 : i32
    %dma_start3A_28 = arith.constant 0 : i32
    %dma_start3A_29 = tpu.memref_slice %arg3[%dma_start3A_27, %dma_start3A_28] : memref<3072x128xf32, #tpu.memory_space<hbm>> -> memref<3072x128xf32, #tpu.memory_space<hbm>>
    tpu.enqueue_indirect_dma source(%dma_start3A_29 : memref<3072x128xf32, #tpu.memory_space<hbm>>) target(%arg6 : memref<200x128xf32, #tpu.memory_space<vmem>>) offsets(%dma_start3A_26 : memref<200xi32, #tpu.memory_space<vmem>>) semaphore(%arg7 : memref<!tpu.dma_semaphore, #tpu.memory_space<semaphore_mem>>)
    %dma_wait3A_30 = arith.constant 400 : i32
    %dma_wait3A_31 = tpu.memref_slice %arg5[%dma_wait3A_30] : memref<1600xi32, #tpu.memory_space<vmem>> -> memref<200xi32, #tpu.memory_space<vmem>>
    %dma_wait3A_32 = arith.constant 0 : i32
    %dma_wait3A_33 = arith.constant 0 : i32
    %dma_wait3A_34 = tpu.memref_slice %arg3[%dma_wait3A_32, %dma_wait3A_33] : memref<3072x128xf32, #tpu.memory_space<hbm>> -> memref<3072x128xf32, #tpu.memory_space<hbm>>
    tpu.wait_indirect_dma semaphore(%arg7 : memref<!tpu.dma_semaphore, #tpu.memory_space<semaphore_mem>>) src(%dma_wait3A_34 : memref<3072x128xf32, #tpu.memory_space<hbm>>) dst(%arg6 : memref<200x128xf32, #tpu.memory_space<vmem>>)
    %add3A_35 = arith.constant 400 : i32
    %add3A_36 = arith.addi %mul3A_2, %add3A_35 : i32
    "tpu.region"() ({
      %run_scoped3A = tpu.sem_alloc : memref<!tpu.dma_semaphore, #tpu.memory_space<semaphore_mem>>
      %dma_start3A_97 = arith.constant 0 : i32
      %dma_start3A_98 = tpu.memref_slice %arg4[%add3A_36, %dma_start3A_97] : memref<51200x128xf32, #tpu.memory_space<hbm>> -> memref<200x128xf32, #tpu.memory_space<hbm>>
      %dma_start3A_99 = arith.constant 0 : i32
      %dma_start3A_100 = tpu.memref_slice %arg4[%add3A_36, %dma_start3A_99] : memref<51200x128xf32, #tpu.memory_space<hbm>> -> memref<200x128xf32, #tpu.memory_space<hbm>>
      tpu.enqueue_dma source(%arg6 : memref<200x128xf32, #tpu.memory_space<vmem>>) target(%dma_start3A_100 : memref<200x128xf32, #tpu.memory_space<hbm>>) target_semaphore(%run_scoped3A : memref<!tpu.dma_semaphore, #tpu.memory_space<semaphore_mem>>)
      %dma_wait3A_101 = arith.constant 0 : i32
      %dma_wait3A_102 = tpu.memref_slice %arg4[%add3A_36, %dma_wait3A_101] : memref<51200x128xf32, #tpu.memory_space<hbm>> -> memref<200x128xf32, #tpu.memory_space<hbm>>
      %dma_wait3A_103 = arith.constant 0 : i32
      %dma_wait3A_104 = tpu.memref_slice %arg4[%add3A_36, %dma_wait3A_103] : memref<51200x128xf32, #tpu.memory_space<hbm>> -> memref<200x128xf32, #tpu.memory_space<hbm>>
      tpu.wait_dma2 semaphore(%run_scoped3A : memref<!tpu.dma_semaphore, #tpu.memory_space<semaphore_mem>>) src(%arg6 : memref<200x128xf32, #tpu.memory_space<vmem>>) dst(%dma_wait3A_104 : memref<200x128xf32, #tpu.memory_space<hbm>>)
      tpu.yield
    }) : () -> ()
    %dma_start3A_37 = arith.constant 600 : i32
    %dma_start3A_38 = tpu.memref_slice %arg5[%dma_start3A_37] : memref<1600xi32, #tpu.memory_space<vmem>> -> memref<200xi32, #tpu.memory_space<vmem>>
    %dma_start3A_39 = arith.constant 0 : i32
    %dma_start3A_40 = arith.constant 0 : i32
    %dma_start3A_41 = tpu.memref_slice %arg3[%dma_start3A_39, %dma_start3A_40] : memref<3072x128xf32, #tpu.memory_space<hbm>> -> memref<3072x128xf32, #tpu.memory_space<hbm>>
    tpu.enqueue_indirect_dma source(%dma_start3A_41 : memref<3072x128xf32, #tpu.memory_space<hbm>>) target(%arg6 : memref<200x128xf32, #tpu.memory_space<vmem>>) offsets(%dma_start3A_38 : memref<200xi32, #tpu.memory_space<vmem>>) semaphore(%arg7 : memref<!tpu.dma_semaphore, #tpu.memory_space<semaphore_mem>>)
    %dma_wait3A_42 = arith.constant 600 : i32
    %dma_wait3A_43 = tpu.memref_slice %arg5[%dma_wait3A_42] : memref<1600xi32, #tpu.memory_space<vmem>> -> memref<200xi32, #tpu.memory_space<vmem>>
    %dma_wait3A_44 = arith.constant 0 : i32
    %dma_wait3A_45 = arith.constant 0 : i32
    %dma_wait3A_46 = tpu.memref_slice %arg3[%dma_wait3A_44, %dma_wait3A_45] : memref<3072x128xf32, #tpu.memory_space<hbm>> -> memref<3072x128xf32, #tpu.memory_space<hbm>>
    tpu.wait_indirect_dma semaphore(%arg7 : memref<!tpu.dma_semaphore, #tpu.memory_space<semaphore_mem>>) src(%dma_wait3A_46 : memref<3072x128xf32, #tpu.memory_space<hbm>>) dst(%arg6 : memref<200x128xf32, #tpu.memory_space<vmem>>)
    %add3A_47 = arith.constant 600 : i32
    %add3A_48 = arith.addi %mul3A_2, %add3A_47 : i32
    "tpu.region"() ({
      %run_scoped3A = tpu.sem_alloc : memref<!tpu.dma_semaphore, #tpu.memory_space<semaphore_mem>>
      %dma_start3A_97 = arith.constant 0 : i32
      %dma_start3A_98 = tpu.memref_slice %arg4[%add3A_48, %dma_start3A_97] : memref<51200x128xf32, #tpu.memory_space<hbm>> -> memref<200x128xf32, #tpu.memory_space<hbm>>
      %dma_start3A_99 = arith.constant 0 : i32
      %dma_start3A_100 = tpu.memref_slice %arg4[%add3A_48, %dma_start3A_99] : memref<51200x128xf32, #tpu.memory_space<hbm>> -> memref<200x128xf32, #tpu.memory_space<hbm>>
      tpu.enqueue_dma source(%arg6 : memref<200x128xf32, #tpu.memory_space<vmem>>) target(%dma_start3A_100 : memref<200x128xf32, #tpu.memory_space<hbm>>) target_semaphore(%run_scoped3A : memref<!tpu.dma_semaphore, #tpu.memory_space<semaphore_mem>>)
      %dma_wait3A_101 = arith.constant 0 : i32
      %dma_wait3A_102 = tpu.memref_slice %arg4[%add3A_48, %dma_wait3A_101] : memref<51200x128xf32, #tpu.memory_space<hbm>> -> memref<200x128xf32, #tpu.memory_space<hbm>>
      %dma_wait3A_103 = arith.constant 0 : i32
      %dma_wait3A_104 = tpu.memref_slice %arg4[%add3A_48, %dma_wait3A_103] : memref<51200x128xf32, #tpu.memory_space<hbm>> -> memref<200x128xf32, #tpu.memory_space<hbm>>
      tpu.wait_dma2 semaphore(%run_scoped3A : memref<!tpu.dma_semaphore, #tpu.memory_space<semaphore_mem>>) src(%arg6 : memref<200x128xf32, #tpu.memory_space<vmem>>) dst(%dma_wait3A_104 : memref<200x128xf32, #tpu.memory_space<hbm>>)
      tpu.yield
    }) : () -> ()
    %dma_start3A_49 = arith.constant 800 : i32
    %dma_start3A_50 = tpu.memref_slice %arg5[%dma_start3A_49] : memref<1600xi32, #tpu.memory_space<vmem>> -> memref<200xi32, #tpu.memory_space<vmem>>
    %dma_start3A_51 = arith.constant 0 : i32
    %dma_start3A_52 = arith.constant 0 : i32
    %dma_start3A_53 = tpu.memref_slice %arg3[%dma_start3A_51, %dma_start3A_52] : memref<3072x128xf32, #tpu.memory_space<hbm>> -> memref<3072x128xf32, #tpu.memory_space<hbm>>
    tpu.enqueue_indirect_dma source(%dma_start3A_53 : memref<3072x128xf32, #tpu.memory_space<hbm>>) target(%arg6 : memref<200x128xf32, #tpu.memory_space<vmem>>) offsets(%dma_start3A_50 : memref<200xi32, #tpu.memory_space<vmem>>) semaphore(%arg7 : memref<!tpu.dma_semaphore, #tpu.memory_space<semaphore_mem>>)
    %dma_wait3A_54 = arith.constant 800 : i32
    %dma_wait3A_55 = tpu.memref_slice %arg5[%dma_wait3A_54] : memref<1600xi32, #tpu.memory_space<vmem>> -> memref<200xi32, #tpu.memory_space<vmem>>
    %dma_wait3A_56 = arith.constant 0 : i32
    %dma_wait3A_57 = arith.constant 0 : i32
    %dma_wait3A_58 = tpu.memref_slice %arg3[%dma_wait3A_56, %dma_wait3A_57] : memref<3072x128xf32, #tpu.memory_space<hbm>> -> memref<3072x128xf32, #tpu.memory_space<hbm>>
    tpu.wait_indirect_dma semaphore(%arg7 : memref<!tpu.dma_semaphore, #tpu.memory_space<semaphore_mem>>) src(%dma_wait3A_58 : memref<3072x128xf32, #tpu.memory_space<hbm>>) dst(%arg6 : memref<200x128xf32, #tpu.memory_space<vmem>>)
    %add3A_59 = arith.constant 800 : i32
    %add3A_60 = arith.addi %mul3A_2, %add3A_59 : i32
    "tpu.region"() ({
      %run_scoped3A = tpu.sem_alloc : memref<!tpu.dma_semaphore, #tpu.memory_space<semaphore_mem>>
      %dma_start3A_97 = arith.constant 0 : i32
      %dma_start3A_98 = tpu.memref_slice %arg4[%add3A_60, %dma_start3A_97] : memref<51200x128xf32, #tpu.memory_space<hbm>> -> memref<200x128xf32, #tpu.memory_space<hbm>>
      %dma_start3A_99 = arith.constant 0 : i32
      %dma_start3A_100 = tpu.memref_slice %arg4[%add3A_60, %dma_start3A_99] : memref<51200x128xf32, #tpu.memory_space<hbm>> -> memref<200x128xf32, #tpu.memory_space<hbm>>
      tpu.enqueue_dma source(%arg6 : memref<200x128xf32, #tpu.memory_space<vmem>>) target(%dma_start3A_100 : memref<200x128xf32, #tpu.memory_space<hbm>>) target_semaphore(%run_scoped3A : memref<!tpu.dma_semaphore, #tpu.memory_space<semaphore_mem>>)
      %dma_wait3A_101 = arith.constant 0 : i32
      %dma_wait3A_102 = tpu.memref_slice %arg4[%add3A_60, %dma_wait3A_101] : memref<51200x128xf32, #tpu.memory_space<hbm>> -> memref<200x128xf32, #tpu.memory_space<hbm>>
      %dma_wait3A_103 = arith.constant 0 : i32
      %dma_wait3A_104 = tpu.memref_slice %arg4[%add3A_60, %dma_wait3A_103] : memref<51200x128xf32, #tpu.memory_space<hbm>> -> memref<200x128xf32, #tpu.memory_space<hbm>>
      tpu.wait_dma2 semaphore(%run_scoped3A : memref<!tpu.dma_semaphore, #tpu.memory_space<semaphore_mem>>) src(%arg6 : memref<200x128xf32, #tpu.memory_space<vmem>>) dst(%dma_wait3A_104 : memref<200x128xf32, #tpu.memory_space<hbm>>)
      tpu.yield
    }) : () -> ()
    %dma_start3A_61 = arith.constant 1000 : i32
    %dma_start3A_62 = tpu.memref_slice %arg5[%dma_start3A_61] : memref<1600xi32, #tpu.memory_space<vmem>> -> memref<200xi32, #tpu.memory_space<vmem>>
    %dma_start3A_63 = arith.constant 0 : i32
    %dma_start3A_64 = arith.constant 0 : i32
    %dma_start3A_65 = tpu.memref_slice %arg3[%dma_start3A_63, %dma_start3A_64] : memref<3072x128xf32, #tpu.memory_space<hbm>> -> memref<3072x128xf32, #tpu.memory_space<hbm>>
    tpu.enqueue_indirect_dma source(%dma_start3A_65 : memref<3072x128xf32, #tpu.memory_space<hbm>>) target(%arg6 : memref<200x128xf32, #tpu.memory_space<vmem>>) offsets(%dma_start3A_62 : memref<200xi32, #tpu.memory_space<vmem>>) semaphore(%arg7 : memref<!tpu.dma_semaphore, #tpu.memory_space<semaphore_mem>>)
    %dma_wait3A_66 = arith.constant 1000 : i32
    %dma_wait3A_67 = tpu.memref_slice %arg5[%dma_wait3A_66] : memref<1600xi32, #tpu.memory_space<vmem>> -> memref<200xi32, #tpu.memory_space<vmem>>
    %dma_wait3A_68 = arith.constant 0 : i32
    %dma_wait3A_69 = arith.constant 0 : i32
    %dma_wait3A_70 = tpu.memref_slice %arg3[%dma_wait3A_68, %dma_wait3A_69] : memref<3072x128xf32, #tpu.memory_space<hbm>> -> memref<3072x128xf32, #tpu.memory_space<hbm>>
    tpu.wait_indirect_dma semaphore(%arg7 : memref<!tpu.dma_semaphore, #tpu.memory_space<semaphore_mem>>) src(%dma_wait3A_70 : memref<3072x128xf32, #tpu.memory_space<hbm>>) dst(%arg6 : memref<200x128xf32, #tpu.memory_space<vmem>>)
    %add3A_71 = arith.constant 1000 : i32
    %add3A_72 = arith.addi %mul3A_2, %add3A_71 : i32
    "tpu.region"() ({
      %run_scoped3A = tpu.sem_alloc : memref<!tpu.dma_semaphore, #tpu.memory_space<semaphore_mem>>
      %dma_start3A_97 = arith.constant 0 : i32
      %dma_start3A_98 = tpu.memref_slice %arg4[%add3A_72, %dma_start3A_97] : memref<51200x128xf32, #tpu.memory_space<hbm>> -> memref<200x128xf32, #tpu.memory_space<hbm>>
      %dma_start3A_99 = arith.constant 0 : i32
      %dma_start3A_100 = tpu.memref_slice %arg4[%add3A_72, %dma_start3A_99] : memref<51200x128xf32, #tpu.memory_space<hbm>> -> memref<200x128xf32, #tpu.memory_space<hbm>>
      tpu.enqueue_dma source(%arg6 : memref<200x128xf32, #tpu.memory_space<vmem>>) target(%dma_start3A_100 : memref<200x128xf32, #tpu.memory_space<hbm>>) target_semaphore(%run_scoped3A : memref<!tpu.dma_semaphore, #tpu.memory_space<semaphore_mem>>)
      %dma_wait3A_101 = arith.constant 0 : i32
      %dma_wait3A_102 = tpu.memref_slice %arg4[%add3A_72, %dma_wait3A_101] : memref<51200x128xf32, #tpu.memory_space<hbm>> -> memref<200x128xf32, #tpu.memory_space<hbm>>
      %dma_wait3A_103 = arith.constant 0 : i32
      %dma_wait3A_104 = tpu.memref_slice %arg4[%add3A_72, %dma_wait3A_103] : memref<51200x128xf32, #tpu.memory_space<hbm>> -> memref<200x128xf32, #tpu.memory_space<hbm>>
      tpu.wait_dma2 semaphore(%run_scoped3A : memref<!tpu.dma_semaphore, #tpu.memory_space<semaphore_mem>>) src(%arg6 : memref<200x128xf32, #tpu.memory_space<vmem>>) dst(%dma_wait3A_104 : memref<200x128xf32, #tpu.memory_space<hbm>>)
      tpu.yield
    }) : () -> ()
    %dma_start3A_73 = arith.constant 1200 : i32
    %dma_start3A_74 = tpu.memref_slice %arg5[%dma_start3A_73] : memref<1600xi32, #tpu.memory_space<vmem>> -> memref<200xi32, #tpu.memory_space<vmem>>
    %dma_start3A_75 = arith.constant 0 : i32
    %dma_start3A_76 = arith.constant 0 : i32
    %dma_start3A_77 = tpu.memref_slice %arg3[%dma_start3A_75, %dma_start3A_76] : memref<3072x128xf32, #tpu.memory_space<hbm>> -> memref<3072x128xf32, #tpu.memory_space<hbm>>
    tpu.enqueue_indirect_dma source(%dma_start3A_77 : memref<3072x128xf32, #tpu.memory_space<hbm>>) target(%arg6 : memref<200x128xf32, #tpu.memory_space<vmem>>) offsets(%dma_start3A_74 : memref<200xi32, #tpu.memory_space<vmem>>) semaphore(%arg7 : memref<!tpu.dma_semaphore, #tpu.memory_space<semaphore_mem>>)
    %dma_wait3A_78 = arith.constant 1200 : i32
    %dma_wait3A_79 = tpu.memref_slice %arg5[%dma_wait3A_78] : memref<1600xi32, #tpu.memory_space<vmem>> -> memref<200xi32, #tpu.memory_space<vmem>>
    %dma_wait3A_80 = arith.constant 0 : i32
    %dma_wait3A_81 = arith.constant 0 : i32
    %dma_wait3A_82 = tpu.memref_slice %arg3[%dma_wait3A_80, %dma_wait3A_81] : memref<3072x128xf32, #tpu.memory_space<hbm>> -> memref<3072x128xf32, #tpu.memory_space<hbm>>
    tpu.wait_indirect_dma semaphore(%arg7 : memref<!tpu.dma_semaphore, #tpu.memory_space<semaphore_mem>>) src(%dma_wait3A_82 : memref<3072x128xf32, #tpu.memory_space<hbm>>) dst(%arg6 : memref<200x128xf32, #tpu.memory_space<vmem>>)
    %add3A_83 = arith.constant 1200 : i32
    %add3A_84 = arith.addi %mul3A_2, %add3A_83 : i32
    "tpu.region"() ({
      %run_scoped3A = tpu.sem_alloc : memref<!tpu.dma_semaphore, #tpu.memory_space<semaphore_mem>>
      %dma_start3A_97 = arith.constant 0 : i32
      %dma_start3A_98 = tpu.memref_slice %arg4[%add3A_84, %dma_start3A_97] : memref<51200x128xf32, #tpu.memory_space<hbm>> -> memref<200x128xf32, #tpu.memory_space<hbm>>
      %dma_start3A_99 = arith.constant 0 : i32
      %dma_start3A_100 = tpu.memref_slice %arg4[%add3A_84, %dma_start3A_99] : memref<51200x128xf32, #tpu.memory_space<hbm>> -> memref<200x128xf32, #tpu.memory_space<hbm>>
      tpu.enqueue_dma source(%arg6 : memref<200x128xf32, #tpu.memory_space<vmem>>) target(%dma_start3A_100 : memref<200x128xf32, #tpu.memory_space<hbm>>) target_semaphore(%run_scoped3A : memref<!tpu.dma_semaphore, #tpu.memory_space<semaphore_mem>>)
      %dma_wait3A_101 = arith.constant 0 : i32
      %dma_wait3A_102 = tpu.memref_slice %arg4[%add3A_84, %dma_wait3A_101] : memref<51200x128xf32, #tpu.memory_space<hbm>> -> memref<200x128xf32, #tpu.memory_space<hbm>>
      %dma_wait3A_103 = arith.constant 0 : i32
      %dma_wait3A_104 = tpu.memref_slice %arg4[%add3A_84, %dma_wait3A_103] : memref<51200x128xf32, #tpu.memory_space<hbm>> -> memref<200x128xf32, #tpu.memory_space<hbm>>
      tpu.wait_dma2 semaphore(%run_scoped3A : memref<!tpu.dma_semaphore, #tpu.memory_space<semaphore_mem>>) src(%arg6 : memref<200x128xf32, #tpu.memory_space<vmem>>) dst(%dma_wait3A_104 : memref<200x128xf32, #tpu.memory_space<hbm>>)
      tpu.yield
    }) : () -> ()
    %dma_start3A_85 = arith.constant 1400 : i32
    %dma_start3A_86 = tpu.memref_slice %arg5[%dma_start3A_85] : memref<1600xi32, #tpu.memory_space<vmem>> -> memref<200xi32, #tpu.memory_space<vmem>>
    %dma_start3A_87 = arith.constant 0 : i32
    %dma_start3A_88 = arith.constant 0 : i32
    %dma_start3A_89 = tpu.memref_slice %arg3[%dma_start3A_87, %dma_start3A_88] : memref<3072x128xf32, #tpu.memory_space<hbm>> -> memref<3072x128xf32, #tpu.memory_space<hbm>>
    tpu.enqueue_indirect_dma source(%dma_start3A_89 : memref<3072x128xf32, #tpu.memory_space<hbm>>) target(%arg6 : memref<200x128xf32, #tpu.memory_space<vmem>>) offsets(%dma_start3A_86 : memref<200xi32, #tpu.memory_space<vmem>>) semaphore(%arg7 : memref<!tpu.dma_semaphore, #tpu.memory_space<semaphore_mem>>)
    %dma_wait3A_90 = arith.constant 1400 : i32
    %dma_wait3A_91 = tpu.memref_slice %arg5[%dma_wait3A_90] : memref<1600xi32, #tpu.memory_space<vmem>> -> memref<200xi32, #tpu.memory_space<vmem>>
    %dma_wait3A_92 = arith.constant 0 : i32
    %dma_wait3A_93 = arith.constant 0 : i32
    %dma_wait3A_94 = tpu.memref_slice %arg3[%dma_wait3A_92, %dma_wait3A_93] : memref<3072x128xf32, #tpu.memory_space<hbm>> -> memref<3072x128xf32, #tpu.memory_space<hbm>>
    tpu.wait_indirect_dma semaphore(%arg7 : memref<!tpu.dma_semaphore, #tpu.memory_space<semaphore_mem>>) src(%dma_wait3A_94 : memref<3072x128xf32, #tpu.memory_space<hbm>>) dst(%arg6 : memref<200x128xf32, #tpu.memory_space<vmem>>)
    %add3A_95 = arith.constant 1400 : i32
    %add3A_96 = arith.addi %mul3A_2, %add3A_95 : i32
    "tpu.region"() ({
      %run_scoped3A = tpu.sem_alloc : memref<!tpu.dma_semaphore, #tpu.memory_space<semaphore_mem>>
      %dma_start3A_97 = arith.constant 0 : i32
      %dma_start3A_98 = tpu.memref_slice %arg4[%add3A_96, %dma_start3A_97] : memref<51200x128xf32, #tpu.memory_space<hbm>> -> memref<200x128xf32, #tpu.memory_space<hbm>>
      %dma_start3A_99 = arith.constant 0 : i32
      %dma_start3A_100 = tpu.memref_slice %arg4[%add3A_96, %dma_start3A_99] : memref<51200x128xf32, #tpu.memory_space<hbm>> -> memref<200x128xf32, #tpu.memory_space<hbm>>
      tpu.enqueue_dma source(%arg6 : memref<200x128xf32, #tpu.memory_space<vmem>>) target(%dma_start3A_100 : memref<200x128xf32, #tpu.memory_space<hbm>>) target_semaphore(%run_scoped3A : memref<!tpu.dma_semaphore, #tpu.memory_space<semaphore_mem>>)
      %dma_wait3A_101 = arith.constant 0 : i32
      %dma_wait3A_102 = tpu.memref_slice %arg4[%add3A_96, %dma_wait3A_101] : memref<51200x128xf32, #tpu.memory_space<hbm>> -> memref<200x128xf32, #tpu.memory_space<hbm>>
      %dma_wait3A_103 = arith.constant 0 : i32
      %dma_wait3A_104 = tpu.memref_slice %arg4[%add3A_96, %dma_wait3A_103] : memref<51200x128xf32, #tpu.memory_space<hbm>> -> memref<200x128xf32, #tpu.memory_space<hbm>>
      tpu.wait_dma2 semaphore(%run_scoped3A : memref<!tpu.dma_semaphore, #tpu.memory_space<semaphore_mem>>) src(%arg6 : memref<200x128xf32, #tpu.memory_space<vmem>>) dst(%dma_wait3A_104 : memref<200x128xf32, #tpu.memory_space<hbm>>)
      tpu.yield
    }) : () -> ()
    return
  }
}

module attributes {stable_mosaic.version = 14 : i64} {
  func.func @_tc1_body(%arg0: i32, %arg1: memref<1x1024x1024xf32, #tpu.memory_space<vmem>>, %arg2: memref<1024x64xf32, #tpu.memory_space<vmem>>, %arg3: memref<1x64xf32, #tpu.memory_space<vmem>>, %arg4: memref<1x1x64xf32, #tpu.memory_space<vmem>>, %arg5: memref<1x1024x64xf32, #tpu.memory_space<vmem>>) attributes {dimension_semantics = [#tpu.dimension_semantics<arbitrary>], iteration_bounds = array<i64: 50>, scalar_prefetch = 0 : i64, scratch_operands = 0 : i64, tpu.core_type = #tpu.core_type<tc>, window_params = [{transform_indices = @transform_0, window_bounds = array<i64: 1, 1024, 1024>}, {pipeline_mode = #tpu.pipeline_mode<synchronous>, transform_indices = @transform_1, window_bounds = array<i64: 1024, 64>}, {pipeline_mode = #tpu.pipeline_mode<synchronous>, transform_indices = @transform_2, window_bounds = array<i64: 1, 64>}, {transform_indices = @transform_3, window_bounds = array<i64: 1, 1, 64>}, {transform_indices = @transform_4, window_bounds = array<i64: 1, 1024, 64>}]} {
    %get3A = arith.constant 0 : index
    %get3A_0 = arith.constant 0 : index
    %get3A_1 = arith.constant 0 : index
    %get3A_2 = vector.load %arg1[%get3A, %get3A_0, %get3A_1] : memref<1x1024x1024xf32, #tpu.memory_space<vmem>>, vector<1x1024x1024xf32>
    %get3A_3 = vector.shape_cast %get3A_2 : vector<1x1024x1024xf32> to vector<1024x1024xf32>
    %get3A_4 = arith.constant 0 : index
    %get3A_5 = arith.constant 0 : index
    %get3A_6 = vector.load %arg2[%get3A_4, %get3A_5] : memref<1024x64xf32, #tpu.memory_space<vmem>>, vector<1024x64xf32>
    %dot_general3A = arith.constant dense<0.000000e+00> : vector<1024x64xf32>
    %dot_general3A_7 = tpu.matmul %get3A_3, %get3A_6, %dot_general3A {dimension_numbers = #tpu.dot_dimension_numbers<[1], [0], [0], [1], [0, 0, 1, 1], [], []>, transpose_lhs_hint = false} : vector<1024x1024xf32>, vector<1024x64xf32>, vector<1024x64xf32> -> vector<1024x64xf32>
    %get3A_8 = arith.constant 0 : index
    %get3A_9 = arith.constant 0 : index
    %get3A_10 = vector.load %arg3[%get3A_8, %get3A_9] : memref<1x64xf32, #tpu.memory_space<vmem>>, vector<1x64xf32>
    %add3A = vector.broadcast %get3A_10 : vector<1x64xf32> to vector<1024x64xf32>
    %add3A_11 = arith.addf %dot_general3A_7, %add3A : vector<1024x64xf32>
    %get3A_12 = arith.constant 0 : index
    %get3A_13 = arith.constant 0 : index
    %get3A_14 = arith.constant 0 : index
    %get3A_15 = vector.load %arg4[%get3A_12, %get3A_13, %get3A_14] : memref<1x1x64xf32, #tpu.memory_space<vmem>>, vector<1x1x64xf32>
    %get3A_16 = vector.shape_cast %get3A_15 : vector<1x1x64xf32> to vector<1x64xf32>
    %add3A_17 = vector.broadcast %get3A_16 : vector<1x64xf32> to vector<1024x64xf32>
    %add3A_18 = arith.addf %add3A_11, %add3A_17 : vector<1024x64xf32>
    %swap3A = arith.constant 0 : index
    %swap3A_19 = arith.constant 0 : index
    %swap3A_20 = arith.constant 0 : index
    %swap3A_21 = vector.load %arg5[%swap3A, %swap3A_19, %swap3A_20] : memref<1x1024x64xf32, #tpu.memory_space<vmem>>, vector<1x1024x64xf32>
    %swap3A_22 = vector.shape_cast %swap3A_21 : vector<1x1024x64xf32> to vector<1024x64xf32>
    %swap3A_23 = vector.shape_cast %add3A_18 : vector<1024x64xf32> to vector<1x1024x64xf32>
    tpu.vector_store %arg5[%swap3A, %swap3A_19, %swap3A_20], %swap3A_23 {strides = array<i32>} : memref<1x1024x64xf32, #tpu.memory_space<vmem>>, vector<1x1024x64xf32>,
    return
  }
  func.func @transform_0(%arg0: i32) -> (i32, i32, i32) {
    %c0_i32 = arith.constant 0 : i32
    %c0_i32_0 = arith.constant 0 : i32
    %c0_i32_1 = arith.constant 0 : i32
    return %arg0, %c0_i32, %c0_i32_0 : i32, i32, i32
  }
  func.func @transform_1(%arg0: i32) -> (i32, i32) {
    %c0_i32 = arith.constant 0 : i32
    %c0_i32_0 = arith.constant 0 : i32
    %c0_i32_1 = arith.constant 0 : i32
    return %c0_i32, %c0_i32_0 : i32, i32
  }
  func.func @transform_2(%arg0: i32) -> (i32, i32) {
    %c0_i32 = arith.constant 0 : i32
    %c0_i32_0 = arith.constant 0 : i32
    %c0_i32_1 = arith.constant 0 : i32
    return %c0_i32, %c0_i32_0 : i32, i32
  }
  func.func @transform_3(%arg0: i32) -> (i32, i32, i32) {
    %c0_i32 = arith.constant 0 : i32
    %c0_i32_0 = arith.constant 0 : i32
    %c0_i32_1 = arith.constant 0 : i32
    return %arg0, %c0_i32, %c0_i32_0 : i32, i32, i32
  }
  func.func @transform_4(%arg0: i32) -> (i32, i32, i32) {
    %c0_i32 = arith.constant 0 : i32
    %c0_i32_0 = arith.constant 0 : i32
    %c0_i32_1 = arith.constant 0 : i32
    return %arg0, %c0_i32, %c0_i32_0 : i32, i32, i32
  }
}

module attributes {stable_mosaic.version = 14 : i64} {
  func.func @_tc2_body(%arg0: i32, %arg1: memref<1x1024x64xf32, #tpu.memory_space<vmem>>, %arg2: memref<1x1024x64xf32, #tpu.memory_space<vmem>>, %arg3: memref<1x1024x128xf32, #tpu.memory_space<vmem>>, %arg4: memref<1x64xf32, #tpu.memory_space<vmem>>, %arg5: memref<1x64xf32, #tpu.memory_space<vmem>>, %arg6: memref<1x1024x64xf32, #tpu.memory_space<vmem>>) attributes {dimension_semantics = [#tpu.dimension_semantics<arbitrary>], iteration_bounds = array<i64: 50>, scalar_prefetch = 0 : i64, scratch_operands = 0 : i64, tpu.core_type = #tpu.core_type<tc>, window_params = [{transform_indices = @transform_0, window_bounds = array<i64: 1, 1024, 64>}, {transform_indices = @transform_1, window_bounds = array<i64: 1, 1024, 64>}, {transform_indices = @transform_2, window_bounds = array<i64: 1, 1024, 128>}, {pipeline_mode = #tpu.pipeline_mode<synchronous>, transform_indices = @transform_3, window_bounds = array<i64: 1, 64>}, {pipeline_mode = #tpu.pipeline_mode<synchronous>, transform_indices = @transform_4, window_bounds = array<i64: 1, 64>}, {transform_indices = @transform_5, window_bounds = array<i64: 1, 1024, 64>}]} {
    %get3A = arith.constant 0 : index
    %get3A_0 = arith.constant 0 : index
    %get3A_1 = arith.constant 0 : index
    %get3A_2 = vector.load %arg1[%get3A, %get3A_0, %get3A_1] : memref<1x1024x64xf32, #tpu.memory_space<vmem>>, vector<1x1024x64xf32>
    %get3A_3 = vector.shape_cast %get3A_2 : vector<1x1024x64xf32> to vector<1024x64xf32>
    %get3A_4 = arith.constant 0 : index
    %get3A_5 = arith.constant 0 : index
    %get3A_6 = arith.constant 0 : index
    %get3A_7 = vector.load %arg2[%get3A_4, %get3A_5, %get3A_6] : memref<1x1024x64xf32, #tpu.memory_space<vmem>>, vector<1x1024x64xf32>
    %get3A_8 = vector.shape_cast %get3A_7 : vector<1x1024x64xf32> to vector<1024x64xf32>
    %add3A = arith.addf %get3A_3, %get3A_8 : vector<1024x64xf32>
    %get3A_9 = arith.constant 0 : index
    %get3A_10 = arith.constant 0 : index
    %get3A_11 = arith.constant 0 : index
    %get3A_12 = vector.load %arg3[%get3A_9, %get3A_10, %get3A_11] : memref<1x1024x128xf32, #tpu.memory_space<vmem>>, vector<1x1024x128xf32>
    %get3A_13 = vector.shape_cast %get3A_12 : vector<1x1024x128xf32> to vector<1024x128xf32>
    %slice3A = vector.extract_strided_slice %get3A_13 {offsets = [0, 0], sizes = [1024, 64], strides = [1, 1]} : vector<1024x128xf32> to vector<1024x64xf32>
    %add3A_14 = arith.addf %add3A, %slice3A : vector<1024x64xf32>
    %reduce_sum3A = arith.constant dense<0.000000e+00> : vector<1024xf32>
    %reduce_sum3A_15 = vector.multi_reduction <add>, %add3A_14, %reduce_sum3A [1] : vector<1024x64xf32> to vector<1024xf32>
    %broadcast_in_dim3A = vector.shape_cast %reduce_sum3A_15 : vector<1024xf32> to vector<1024x1xf32>
    %div3A = arith.constant 6.400000e+01 : f32
    %div3A_16 = vector.broadcast %div3A : f32 to vector<1024x1xf32>
    %div3A_17 = arith.divf %broadcast_in_dim3A, %div3A_16 : vector<1024x1xf32>
    %sub3A = vector.broadcast %div3A_17 : vector<1024x1xf32> to vector<1024x64xf32>
    %sub3A_18 = arith.subf %add3A_14, %sub3A : vector<1024x64xf32>
    %mul3A = arith.mulf %sub3A_18, %sub3A_18 : vector<1024x64xf32>
    %reduce_sum3A_19 = arith.constant dense<0.000000e+00> : vector<1024xf32>
    %reduce_sum3A_20 = vector.multi_reduction <add>, %mul3A, %reduce_sum3A_19 [1] : vector<1024x64xf32> to vector<1024xf32>
    %broadcast_in_dim3A_21 = vector.shape_cast %reduce_sum3A_20 : vector<1024xf32> to vector<1024x1xf32>
    %div3A_22 = arith.constant 6.400000e+01 : f32
    %div3A_23 = vector.broadcast %div3A_22 : f32 to vector<1024x1xf32>
    %div3A_24 = arith.divf %broadcast_in_dim3A_21, %div3A_23 : vector<1024x1xf32>
    %add3A_25 = arith.constant 9.99999997E-7 : f32
    %add3A_26 = vector.broadcast %add3A_25 : f32 to vector<1024x1xf32>
    %add3A_27 = arith.addf %div3A_24, %add3A_26 : vector<1024x1xf32>
    %rsqrt3A = math.rsqrt %add3A_27 : vector<1024x1xf32>
    %mul3A_28 = vector.broadcast %rsqrt3A : vector<1024x1xf32> to vector<1024x64xf32>
    %mul3A_29 = arith.mulf %sub3A_18, %mul3A_28 : vector<1024x64xf32>
    %get3A_30 = arith.constant 0 : index
    %get3A_31 = arith.constant 0 : index
    %get3A_32 = vector.load %arg4[%get3A_30, %get3A_31] : memref<1x64xf32, #tpu.memory_space<vmem>>, vector<1x64xf32>
    %mul3A_33 = vector.broadcast %get3A_32 : vector<1x64xf32> to vector<1024x64xf32>
    %mul3A_34 = arith.mulf %mul3A_29, %mul3A_33 : vector<1024x64xf32>
    %get3A_35 = arith.constant 0 : index
    %get3A_36 = arith.constant 0 : index
    %get3A_37 = vector.load %arg5[%get3A_35, %get3A_36] : memref<1x64xf32, #tpu.memory_space<vmem>>, vector<1x64xf32>
    %add3A_38 = vector.broadcast %get3A_37 : vector<1x64xf32> to vector<1024x64xf32>
    %add3A_39 = arith.addf %mul3A_34, %add3A_38 : vector<1024x64xf32>
    %swap3A = arith.constant 0 : index
    %swap3A_40 = arith.constant 0 : index
    %swap3A_41 = arith.constant 0 : index
    %swap3A_42 = vector.load %arg6[%swap3A, %swap3A_40, %swap3A_41] : memref<1x1024x64xf32, #tpu.memory_space<vmem>>, vector<1x1024x64xf32>
    %swap3A_43 = vector.shape_cast %swap3A_42 : vector<1x1024x64xf32> to vector<1024x64xf32>
    %swap3A_44 = vector.shape_cast %add3A_39 : vector<1024x64xf32> to vector<1x1024x64xf32>
    tpu.vector_store %arg6[%swap3A, %swap3A_40, %swap3A_41], %swap3A_44 {strides = array<i32>} : memref<1x1024x64xf32, #tpu.memory_space<vmem>>, vector<1x1024x64xf32>,
    return
  }
  func.func @transform_0(%arg0: i32) -> (i32, i32, i32) {
    %c0_i32 = arith.constant 0 : i32
    %c0_i32_0 = arith.constant 0 : i32
    %c0_i32_1 = arith.constant 0 : i32
    return %arg0, %c0_i32, %c0_i32_0 : i32, i32, i32
  }
  func.func @transform_1(%arg0: i32) -> (i32, i32, i32) {
    %c0_i32 = arith.constant 0 : i32
    %c0_i32_0 = arith.constant 0 : i32
    %c0_i32_1 = arith.constant 0 : i32
    return %arg0, %c0_i32, %c0_i32_0 : i32, i32, i32
  }
  func.func @transform_2(%arg0: i32) -> (i32, i32, i32) {
    %c0_i32 = arith.constant 0 : i32
    %c0_i32_0 = arith.constant 0 : i32
    %c0_i32_1 = arith.constant 0 : i32
    return %arg0, %c0_i32, %c0_i32_0 : i32, i32, i32
  }
  func.func @transform_3(%arg0: i32) -> (i32, i32) {
    %c0_i32 = arith.constant 0 : i32
    %c0_i32_0 = arith.constant 0 : i32
    %c0_i32_1 = arith.constant 0 : i32
    return %c0_i32, %c0_i32_0 : i32, i32
  }
  func.func @transform_4(%arg0: i32) -> (i32, i32) {
    %c0_i32 = arith.constant 0 : i32
    %c0_i32_0 = arith.constant 0 : i32
    %c0_i32_1 = arith.constant 0 : i32
    return %c0_i32, %c0_i32_0 : i32, i32
  }
  func.func @transform_5(%arg0: i32) -> (i32, i32, i32) {
    %c0_i32 = arith.constant 0 : i32
    %c0_i32_0 = arith.constant 0 : i32
    %c0_i32_1 = arith.constant 0 : i32
    return %arg0, %c0_i32, %c0_i32_0 : i32, i32, i32
  }
}

</mosaic_0001>

<sc_bundles>
// kernel: kernel.6.cloned.1.call-start
scs
__scs_entry_jumppad:
0x0: {  	(pc) =	sbr.rel $0x88, $3  }
0x1: {  	(tag) =	ssettag $0x0;
	lr =	simm.s32 $0x1  }
0x2: {  	[smem:$0x3F97] =	sst lr;
	_ =	strace $0xD0000000  }
0x3: {  	_ = 	snop  }
0x4: {  	_ = 	snop  }
0x5: {  	_ = 	snop  }
0x6: {  	_ = 	snop  }
0x7: {  	_ = 	snop  }
__scs_overlays_trampoline_lowered:
0x8: {  	[smem:$0x3FA6] =	sst s0  }
0x9: {  	[smem:$0x3FA7] =	sst s1  }
0xa: {  	[smem:$0x3FA8] =	sst s2  }
0xb: {  	[smem:$0x3FA9] =	sst s3  }
0xc: {  	[smem:$0x3FAA] =	sst s4  }
0xd: {  	[smem:$0x3FAB] =	sst s5  }
0xe: {  	[smem:$0x3FAC] =	sst s6  }
0xf: {  	[smem:$0x3FAD] =	sst s7  }
0x10: {  	[smem:$0x3FAE] =	sst s8  }
0x11: {  	[smem:$0x3FAF] =	sst s9;
	s0 =	simm.s32 @!p0 $0x0  }
0x12: {  	s1 =	sld [smem:$0x3F95];
	s0 =	simm.s32 @p0 $0x1  }
0x13: {  	[smem:$0x3FB0] =	sst s0;
	s0 =	simm.s32 @!p1 $0x0  }
0x14: {  	s2 =	sld [smem:$0x3F94];
	s0 =	simm.s32 @p1 $0x1  }
0x15: {  	[smem:$0x3FB1] =	sst s0;
	s0 =	simm.s32 @!p2 $0x0  }
0x16: {  	s3 =	sld [smem:$0x3FDB];
	s0 =	simm.s32 @p2 $0x1  }
0x17: {  	s4 =	simm.s32 $0x1BF5;
	[smem:$0x3FB3] =	sst s0  }
0x18: {  	s0 =	sld [smem:$0x3F96];
	_ =	swait.ge [sflag:s4], $0x0  }
0x19: {  	s7 =	sld [smem:$0x3F97]  }
0x1a: {  	s8 =	sadd.s32 $0xFFFFE003, lr  }
0x1b: {  	s9 =	sadd.s32 $0xFFFFFEF7, lr;
	s5 =	simm.s32 $0xFFFFFFFF;
	p2 =	slt.u32 s8, $0xFFFFF086  }
0x1c: {  	p1 =	slt.u32 s9, $0xF7A;
	s5 =	simm.s32 @!p2 $0x0  }
0x1d: {  	s5 =	simm.s32 @p1 $0x1;
	p0 =	seq.s32 s7, s2  }
0x1e: {  	s7 =	smul.u32 @!p0 $0xF7A, s2;
	p2 =	seq.s32 @!p0 s5, $0x0  }
0x1f: {  	s9 =	smul.u32 $0xF7A, s1;
	s8 =	simm.s32 @!p0 $0x1BF5;
	p2 =	por !p2, p0  }
0x20: {  	[sflag:s8] =	ssyncset.s32 @!p0 $0xFFFFF086;
	s6 =	sadd.s32 @!p0 s3, s7;
	s7 =	simm.s32 @!p0 $0x108  }
0x21: {  	s3 =	sadd.s32 s3, s9;
	s6 =	sadd.s32 @!p0 $0x88, s6;
	s7 =	simm.s32 @p2 $0x1082  }
0x22: {  	[simem:s7], [sflag:s8] =	dma.local @!p0 [hbm:s6], $0xF7A  }
0x23: {  	s9 =	sor.u32 $0xD0000000, s2;
	s6 =	simm.s32 $0x108;
	_ =	swait.ge @!p0 [sflag:s8], $0x0  }
0x24: {  	s3 =	sadd.s32 $0x88, s3;
	s6 =	simm.s32 @!p1 $0x1082;
	[sflag:s4] =	ssyncset.s32 $0xFFFFF086  }
0x25: {  	[simem:s6], [sflag:s4] =	dma.local [hbm:s3], $0xF7A  }
0x26: {  	[smem:$0x3F97] =	sst s1;
	(tag) =	ssettag s2;
	_ =	strace s9  }
0x27: {  	s1 =	sld [smem:$0x3FA7]  }
0x28: {  	s2 =	sld [smem:$0x3FA8]  }
0x29: {  	s4 =	sld [smem:$0x3FAA]  }
0x2a: {  	p0 =	seq.s32 s5, $0x0;
	s5 =	sld [smem:$0x3FAB]  }
0x2b: {  	s6 =	sld [smem:$0x3FAC]  }
0x2c: {  	s7 =	sld [smem:$0x3FAD]  }
0x2d: {  	s3 =	simm.s32 $0x108;
	s8 =	sld [smem:$0x3FAE]  }
0x2e: {  	s3 =	simm.s32 @!p0 $0x1082;
	s9 =	sld [smem:$0x3FAF]  }
0x2f: {  	lr =	sadd.s32 s0, s3;
	s0 =	sld [smem:$0x3FA6]  }
0x30: {  	s3 =	sld [smem:$0x3FA9]  }
0x31: {  	[smem:$0x3FB2] =	sst s10  }
0x32: {  	s10 =	sld [smem:$0x3FB0];
	_ =	sdelay $0x3  }
0x33: {  	p0 =	seq.s32 s10, $0x1;
	s10 =	sld [smem:$0x3FB2];
	_ =	sdelay $0x3  }
0x34: {  	[smem:$0x3FB2] =	sst s10  }
0x35: {  	s10 =	sld [smem:$0x3FB1];
	_ =	sdelay $0x3  }
0x36: {  	p1 =	seq.s32 s10, $0x1;
	s10 =	sld [smem:$0x3FB2];
	_ =	sdelay $0x3  }
0x37: {  	[smem:$0x3FB2] =	sst s10  }
0x38: {  	s10 =	sld [smem:$0x3FB3]  }
0x39: {  	_ = 	snop;
	(pc) =	sbr.ind lr, $3  }
0x3a: {  	_ = 	snop  }
0x3b: {  	_ = 	snop  }
0x3c: {  	p2 =	seq.s32 s10, $0x1;
	s10 =	sld [smem:$0x3FB2]  }
0x3d: {  	_ =	shalt  }
0x3e: {  	_ =	shalt  }
0x3f: {  	_ =	shalt  }
0x40: {  	_ =	shalt  }
0x41: {  	_ =	shalt  }
0x42: {  	_ =	shalt  }
0x43: {  	_ =	shalt  }
0x44: {  	_ =	shalt  }
0x45: {  	_ =	shalt  }
0x46: {  	_ =	shalt  }
0x47: {  	_ =	shalt  }
0x48: {  	_ =	shalt  }
0x49: {  	_ =	shalt  }
0x4a: {  	_ =	shalt  }
0x4b: {  	_ =	shalt  }
0x4c: {  	_ =	shalt  }
0x4d: {  	_ =	shalt  }
0x4e: {  	_ =	shalt  }
0x4f: {  	_ =	shalt  }
0x50: {  	_ =	shalt  }
0x51: {  	_ =	shalt  }
0x52: {  	_ =	shalt  }
0x53: {  	_ =	shalt  }
0x54: {  	_ =	shalt  }
0x55: {  	_ =	shalt  }
0x56: {  	_ =	shalt  }
0x57: {  	_ =	shalt  }
0x58: {  	_ =	shalt  }
0x59: {  	_ =	shalt  }
0x5a: {  	_ =	shalt  }
0x5b: {  	_ =	shalt  }
0x5c: {  	_ =	shalt  }
0x5d: {  	_ =	shalt  }
0x5e: {  	_ =	shalt  }
0x5f: {  	_ =	shalt  }
0x60: {  	_ =	shalt  }
0x61: {  	_ =	shalt  }
0x62: {  	_ =	shalt  }
0x63: {  	_ =	shalt  }
0x64: {  	_ =	shalt  }
0x65: {  	_ =	shalt  }
0x66: {  	_ =	shalt  }
0x67: {  	_ =	shalt  }
0x68: {  	_ =	shalt  }
0x69: {  	_ =	shalt  }
0x6a: {  	_ =	shalt  }
0x6b: {  	_ =	shalt  }
0x6c: {  	_ =	shalt  }
0x6d: {  	_ =	shalt  }
0x6e: {  	_ =	shalt  }
0x6f: {  	_ =	shalt  }
0x70: {  	_ =	shalt  }
0x71: {  	_ =	shalt  }
0x72: {  	_ =	shalt  }
0x73: {  	_ =	shalt  }
0x74: {  	_ =	shalt  }
0x75: {  	_ =	shalt  }
0x76: {  	_ =	shalt  }
0x77: {  	_ =	shalt  }
0x78: {  	_ =	shalt  }
0x79: {  	_ =	shalt  }
0x7a: {  	_ =	shalt  }
0x7b: {  	_ =	shalt  }
0x7c: {  	_ =	shalt  }
0x7d: {  	_ =	shalt  }
0x7e: {  	_ =	shalt  }
0x7f: {  	_ =	shalt  }
0x80: {  	_ =	shalt  }
0x81: {  	_ =	shalt  }
0x82: {  	_ =	shalt  }
0x83: {  	_ =	shalt  }
0x84: {  	_ =	shalt  }
0x85: {  	_ =	shalt  }
0x86: {  	_ =	shalt  }
0x87: {  	_ =	shalt  }
.Lfunc_end0:
.L_simem_size_0:
called_computation_lowered:
.L_overlay_start_0:
0x88: {  	s2 =	sld [smem:$0x3FD9]  }
0x89: {  	s3 =	sld [smem:$0x3FFE];
	_ =	sdelay $0x1  }
0x8a: {  	s1 =	srdreg.scid  }
0x8b: {  	s0 =	sand.u32 $0x1, s1  }
0x8c: {  	s17 =	sshll.u32 s0, $0xA;
	s2 =	sadd.s32 s3, s2  }
0x8d: {  	s2 =	sadd.s32 s2, s17  }
0x8e: {  	[smem:$0x3FBE] =	sst s2  }
0x8f: {  	_ = 	snop  }
0x90: {  	s18 =	sld [smem:$0x3FD0];
	(tm) =	ssettm $0x1  }
0x91: {  	s19 =	sld [smem:$0x3FFB];
	_ =	sdelay $0x3  }
0x92: {  	_ =	strace s19  }
0x93: {  	s2 =	sld [smem:$0x3FFC];
	_ =	sdelay $0x3  }
0x94: {  	_ =	strace s2  }
0x95: {  	s2 =	sld [smem:$0x3FFD];
	_ =	sdelay $0x3  }
0x96: {  	_ =	strace s2  }
0x97: {  	_ =	strace $0x8FFFFFFF  }
0x98: {  	s20 =	sld [smem:$0x3FDB];
	_ =	sdelay $0x1  }
0x99: {  	s4 =	simm.s32 $_scs_section_size  }
0x9a: {  	s5 =	simm.s32 $_size__tile_overlayer_lowered;
	s6 =	simm.s32 $_tile_overlayer_lowered  }
0x9b: {  	s7 =	simm.s32 $0x1BFF;
	s21 =	sshll.u32 s6, $0x1;
	s4 =	sadd.s32 s4, s20  }
0x9c: {  	s22 =	simm.s32 $0x0;
	s5 =	sshll.u32 s5, $0x1;
	s6 =	sadd.s32 s21, s4  }
0x9d: {  	[timem:s22], [sflag:s7] =	dma.local [hbm:s6], s5  }
0x9e: {  	_ =	swait.ge [sflag:s7], s5  }
0x9f: {  	s5 =	ssub.s32 $0x0, s5;
	[sflag:s7] =	ssyncset.done $0x0  }
0xa0: {  	[sflag:s7] =	ssyncadd.s32 s5;
	_ =	sdelay $0x1  }
0xa1: {  	s23 =	simm.s32 $0x1B8B  }
0xa2: {  	_ =	swait.ge [sflag:s23], $0x1  }
0xa3: {  	[sflag:s23] =	ssyncset.done $0x0  }
0xa4: {  	[sflag:s23] =	ssyncadd.s32 $0xFFFFFFFF  }
0xa5: {  	s5 =	sld [smem:$0x0]  }
0xa6: {  	s6 =	sand.u32 $0xFFFFFFFE, s1  }
0xa7: {  	p0 =	sne.s32 s1, s6  }
0xa8: {  	s6 =	sshll.u32 @p0 s6, $0xE  }
0xa9: {  	s6 =	sadd.s32 @p0 $0x11B8D, s6;
	s7 =	sshll.u32 @p0 s5, $0x11  }
0xaa: {  	s6 =	sor.u32 @p0 s7, s6  }
0xab: {  	[sflag:s6] =	ssyncadd.remote.s32 @p0 $0x1;
	_ =	sdelay $0x1  }
0xac: {  	s6 =	simm.s32 @p0 $0x1B8D  }
0xad: {  	_ =	swait.eq @p0 [sflag:s6], $0x1  }
0xae: {  	[sflag:s6] =	ssyncadd.s32 @p0 $0xFFFFFFFF  }
0xaf: {  	s7 =	sshll.u32 @!p0 s1, $0xE  }
0xb0: {  	s7 =	sor.u32 @!p0 $0x4000, s7;
	s6 =	simm.s32 @!p0 $0x1B8D  }
0xb1: {  	s5 =	sshll.u32 @!p0 s5, $0x11;
	s7 =	sadd.s32 @!p0 $0x11B8D, s7;
	_ =	swait.eq @!p0 [sflag:s6], $0x1  }
0xb2: {  	s5 =	sor.u32 @!p0 s5, s7;
	[sflag:s6] =	ssyncadd.s32 @!p0 $0xFFFFFFFF  }
0xb3: {  	s25 =	simm.s32 $0x1B8E;
	s24 =	sld [smem:$0x3FFE];
	[sflag:s5] =	ssyncadd.remote.s32 @!p0 $0x1  }
0xb4: {  	s26 =	simm.s32 $execute0_lowered;
	[smem:$0x3FD2] =	sst s25  }
0xb5: {  	s6 =	sshll.u32 s26, $0x1;
	_ =	strace $0x80000049;
	[dreg:$0x1] =	wrdreg $0xFFFFFFFF  }
0xb6: {  	s28 =	simm.s32 $_size_execute0_lowered;
	s4 =	sadd.s32 s4, s6;
	[dreg:$0x0] =	wrdreg $0x0  }
0xb7: {  	s6 =	sshll.u32 s28, $0x1;
	[dreg:$0x2] =	wrdreg s4  }
0xb8: {  	[dreg:$0x3] =	wrdreg s6  }
0xb9: {  	[dreg:$0x4] =	wrdreg $0xC0  }
0xba: {  	_ =	task [dreg:s22], $0x5FFFF  }
0xbb: {  	[dreg:$0x1] =	wrdreg $0xFFFFFFFF  }
0xbc: {  	[dreg:$0x0] =	wrdreg $0x60  }
0xbd: {  	[dreg:$0x2] =	wrdreg s24  }
0xbe: {  	[dreg:$0x3] =	wrdreg s18  }
0xbf: {  	[dreg:$0x4] =	wrdreg $0x9  }
0xc0: {  	_ =	task.clear_ibuf [dreg:s22], $0x5FFFF;
	_ =	strace $0x90000049  }
0xc1: {  	s29 =	simm.s32 $0x9;
	_ =	strace $0x8000004B  }
0xc2: {  	_ =	swait.ge [sflag:s29], $0x1  }
0xc3: {  	[sflag:s29] =	ssyncadd.s32 $0xFFFFFFFF  }
0xc4: {  	_ =	strace $0x9000004B  }
0xc5: {  	_ =	sfence  }
0xc6: {  	s30 =	sld [smem:$0x0];
	_ =	sdelay $0x2  }
0xc7: {  	s31 =	sshll.u32 s1, $0xD;
	s1 =	sshrl.u32 s1, $0x2  }
0xc8: {  	s4 =	sand.u32 $0x4000, s31;
	s1 =	sadd.s32 s1, s30  }
0xc9: {  	s0 =	sor.u32 s4, s0;
	s1 =	sshll.u32 s1, $0x11  }
0xca: {  	s0 =	sor.u32 s1, s0  }
0xcb: {  	s0 =	sadd.s32 $0x8F2B, s0  }
0xcc: {  	[sflag:s0] =	ssyncadd.remote.s32 $0x1  }
0xcd: {  	_ =	sfence.sel $0xFFFF  }
0xce: {  	[dreg:$0x0] =	wrdreg $0xFFFFFFFF;
	(pc) =	sbr.abs _section_cstart, $3  }
0xcf: {  	[dreg:$0x1] =	wrdreg $0xFFFFFFFF  }
0xd0: {  	_ =	task.clear_ibuf [dreg:s22], $0x2FFFF;
	_ =	strace $0x9FFFFFFF  }
0xd1: {  	(tm) =	ssettm $0x7FFFFFFF  }
tec
execute0_lowered:
.L_overlay_start_1:
0x0: {  	(tag) =	ssettag $0x1  }
0x1: {  	s1 =	srdreg.scid;
	s0 =	stileid.u32  }
0x2: {  	s21 =	sand.u32 $0x1, s1;
	s31 =	sshll.u32 s0, $0x1  }
0x3: {  	s9 =	rddreg [dreg:$0x0];
	s10 =	sor.u32 s21, s31  }
0x4: {  	s2 =	rddreg [dreg:$0x1];
	s4 =	smul.u32 $0xC8, s10  }
0x5: {  	s3 =	simm.s32 $0x0;
	s1 =	rddreg [dreg:$0x2]  }
0x6: {  	[smem:$0x7FF] =	sst s3;
	s4 =	sadd.s32 s4, s9  }
0x7: {  	_ =	strace $0x8000004A;
	s5 =	sadd.s32 $0x10D4E00, s4;
	s4 =	simm.s32 $0x2  }
0x8: {  	[tilespmem:s3], [sflag:$0x2] =	stream.linear.gather [hbm4b:s5+s3], $0x640, $0x38;
	[tilespmem:$0x6A80] =	vst v63  }
0x9: {  	_ =	swait.ge [sflag:s4], $0x640  }
0xa: {  	s6 =	simm.s32 $0xC8;
	[sflag:s4] =	ssyncset.done $0x0  }
0xb: {  	s7 =	simm.s32 $0x680;
	s8 =	simm.s32 $0x1;
	[sflag:s4] =	ssyncadd.s32 $0xFFFFF9C0  }
0xc: {  	[tilespmem:s7], [sflag:$0x1] =	stream.indirect.gather [hbm4b:s2+s6], $0x80, s3, s6, $0xb8;
	[tilespmem:$0x6A80] =	vst v63  }
0xd: {  	s11 =	smul.u32 $0x6400, s10;
	_ =	swait.ge [sflag:s8], $0x6400  }
0xe: {  	s12 =	sadd.s32 $0x10D6800, s9;
	[sflag:s8] =	ssyncset.done $0x0  }
0xf: {  	s9 =	sadd.s32 s12, s11;
	[sflag:s8] =	ssyncadd.s32 $0xFFFF9C00  }
0x10: {  	[hbm4b:s9+s3] =	stream.linear.scatter [tilespmem:s7], [sflag:$0x2], $0x6400, $0x38;
	[tilespmem:$0x6A80] =	vst v63  }
0x11: {  	_ =	swait.ge [sflag:s4], $0x6400  }
0x12: {  	[sflag:s4] =	ssyncset.done $0x0  }
0x13: {  	s10 =	smul.u32 $0x32000, s10;
	[sflag:s4] =	ssyncadd.s32 $0xFFFF9C00  }
0x14: {  	[tilespmem:s7], [sflag:$0x1] =	stream.indirect.gather [hbm4b:s2+s6], $0x80, s6, s6, $0xb8;
	[tilespmem:$0x6A80] =	vst v63  }
0x15: {  	s10 =	sshrl.u32 s10, $0x3;
	_ =	swait.ge [sflag:s8], $0x6400  }
0x16: {  	s22 =	sadd.s32 s12, s10;
	[sflag:s8] =	ssyncset.done $0x0  }
0x17: {  	s10 =	sadd.s32 $0xC80, s22;
	[sflag:s8] =	ssyncadd.s32 $0xFFFF9C00  }
0x18: {  	[hbm4b:s10+s3] =	stream.linear.scatter [tilespmem:s7], [sflag:$0x2], $0x6400, $0x38;
	[tilespmem:$0x6A80] =	vst v63  }
0x19: {  	_ =	swait.ge [sflag:s4], $0x6400  }
0x1a: {  	[sflag:s4] =	ssyncset.done $0x0  }
0x1b: {  	s11 =	simm.s32 $0x190;
	[sflag:s4] =	ssyncadd.s32 $0xFFFF9C00  }
0x1c: {  	[tilespmem:s7], [sflag:$0x1] =	stream.indirect.gather [hbm4b:s2+s6], $0x80, s11, s6, $0xb8;
	[tilespmem:$0x6A80] =	vst v63  }
0x1d: {  	_ =	swait.ge [sflag:s8], $0x6400  }
0x1e: {  	[sflag:s8] =	ssyncset.done $0x0  }
0x1f: {  	s12 =	sadd.s32 $0x1900, s22;
	[sflag:s8] =	ssyncadd.s32 $0xFFFF9C00  }
0x20: {  	[hbm4b:s12+s3] =	stream.linear.scatter [tilespmem:s7], [sflag:$0x2], $0x6400, $0x38;
	[tilespmem:$0x6A80] =	vst v63  }
0x21: {  	_ =	swait.ge [sflag:s4], $0x6400  }
0x22: {  	[sflag:s4] =	ssyncset.done $0x0  }
0x23: {  	s13 =	simm.s32 $0x258;
	[sflag:s4] =	ssyncadd.s32 $0xFFFF9C00  }
0x24: {  	[tilespmem:s7], [sflag:$0x1] =	stream.indirect.gather [hbm4b:s2+s6], $0x80, s13, s6, $0xb8;
	[tilespmem:$0x6A80] =	vst v63  }
0x25: {  	_ =	swait.ge [sflag:s8], $0x6400  }
0x26: {  	[sflag:s8] =	ssyncset.done $0x0  }
0x27: {  	s14 =	sadd.s32 $0x2580, s22;
	[sflag:s8] =	ssyncadd.s32 $0xFFFF9C00  }
0x28: {  	[hbm4b:s14+s3] =	stream.linear.scatter [tilespmem:s7], [sflag:$0x2], $0x6400, $0x38;
	[tilespmem:$0x6A80] =	vst v63  }
0x29: {  	_ =	swait.ge [sflag:s4], $0x6400  }
0x2a: {  	[sflag:s4] =	ssyncset.done $0x0  }
0x2b: {  	s15 =	simm.s32 $0x320;
	[sflag:s4] =	ssyncadd.s32 $0xFFFF9C00  }
0x2c: {  	[tilespmem:s7], [sflag:$0x1] =	stream.indirect.gather [hbm4b:s2+s6], $0x80, s15, s6, $0xb8;
	[tilespmem:$0x6A80] =	vst v63  }
0x2d: {  	_ =	swait.ge [sflag:s8], $0x6400  }
0x2e: {  	[sflag:s8] =	ssyncset.done $0x0  }
0x2f: {  	s16 =	sadd.s32 $0x3200, s22;
	[sflag:s8] =	ssyncadd.s32 $0xFFFF9C00  }
0x30: {  	[hbm4b:s16+s3] =	stream.linear.scatter [tilespmem:s7], [sflag:$0x2], $0x6400, $0x38;
	[tilespmem:$0x6A80] =	vst v63  }
0x31: {  	_ =	swait.ge [sflag:s4], $0x6400  }
0x32: {  	[sflag:s4] =	ssyncset.done $0x0  }
0x33: {  	s17 =	simm.s32 $0x3E8;
	[sflag:s4] =	ssyncadd.s32 $0xFFFF9C00  }
0x34: {  	[tilespmem:s7], [sflag:$0x1] =	stream.indirect.gather [hbm4b:s2+s6], $0x80, s17, s6, $0xb8;
	[tilespmem:$0x6A80] =	vst v63  }
0x35: {  	_ =	swait.ge [sflag:s8], $0x6400  }
0x36: {  	[sflag:s8] =	ssyncset.done $0x0  }
0x37: {  	s18 =	sadd.s32 $0x3E80, s22;
	[sflag:s8] =	ssyncadd.s32 $0xFFFF9C00  }
0x38: {  	[hbm4b:s18+s3] =	stream.linear.scatter [tilespmem:s7], [sflag:$0x2], $0x6400, $0x38;
	[tilespmem:$0x6A80] =	vst v63  }
0x39: {  	_ =	swait.ge [sflag:s4], $0x6400  }
0x3a: {  	[sflag:s4] =	ssyncset.done $0x0  }
0x3b: {  	s19 =	simm.s32 $0x4B0;
	[sflag:s4] =	ssyncadd.s32 $0xFFFF9C00  }
0x3c: {  	[tilespmem:s7], [sflag:$0x1] =	stream.indirect.gather [hbm4b:s2+s6], $0x80, s19, s6, $0xb8;
	[tilespmem:$0x6A80] =	vst v63  }
0x3d: {  	_ =	swait.ge [sflag:s8], $0x6400  }
0x3e: {  	[sflag:s8] =	ssyncset.done $0x0  }
0x3f: {  	s23 =	ssub.s32 $0x2, s21;
	s20 =	sadd.s32 $0x4B00, s22;
	[sflag:s8] =	ssyncadd.s32 $0xFFFF9C00  }
0x40: {  	[hbm4b:s20+s3] =	stream.linear.scatter [tilespmem:s7], [sflag:$0x2], $0x6400, $0x38;
	[tilespmem:$0x6A80] =	vst v63  }
0x41: {  	s24 =	sshrl.u32 s23, $0x1;
	_ =	swait.ge [sflag:s4], $0x6400  }
0x42: {  	s23 =	ssub.s32 s23, s24;
	[sflag:s4] =	ssyncset.done $0x0  }
0x43: {  	s21 =	simm.s32 $0x578;
	s23 =	smax.u32 s23, $0x1;
	[sflag:s4] =	ssyncadd.s32 $0xFFFF9C00  }
0x44: {  	[tilespmem:s7], [sflag:$0x1] =	stream.indirect.gather [hbm4b:s2+s6], $0x80, s21, s6, $0xb8;
	[tilespmem:$0x6A80] =	vst v63  }
0x45: {  	p0 =	sne.s32 s23, $0x1;
	_ =	swait.ge [sflag:s8], $0x6400  }
.Ltmp0:
0x46: {  	[sflag:s8] =	ssyncset.done $0x0;
	(pc) =	sbr.rel @!p0 .LBB2_2-.Ltmp0, $4  }
0x47: {  	s22 =	sadd.s32 $0x5780, s22;
	[sflag:s8] =	ssyncadd.s32 $0xFFFF9C00  }
0x48: {  	[hbm4b:s22+s3] =	stream.linear.scatter [tilespmem:s7], [sflag:$0x2], $0x6400, $0x38;
	[tilespmem:$0x6A80] =	vst v63  }
0x49: {  	_ =	swait.ge [sflag:s4], $0x6400  }
0x4a: {  	s23 =	sadd.s32 $0xFFFFFFFF, s23;
	[sflag:s4] =	ssyncset.done $0x0  }
.LBB2_1:
0x4b: {  	p0 =	sne.s32 s23, $0x1;
	s23 =	sadd.s32 $0xFFFFFFFF, s23;
	[sflag:s4] =	ssyncadd.s32 $0xFFFF9C00  }
0x4c: {  	[tilespmem:s3], [sflag:$0x2] =	stream.linear.gather [hbm4b:s5+s3], $0x640, $0x38;
	[tilespmem:$0x6A80] =	vst v63  }
0x4d: {  	_ =	swait.ge [sflag:s4], $0x640  }
0x4e: {  	[sflag:s4] =	ssyncset.done $0x0  }
0x4f: {  	[sflag:s4] =	ssyncadd.s32 $0xFFFFF9C0  }
0x50: {  	[tilespmem:s7], [sflag:$0x1] =	stream.indirect.gather [hbm4b:s2+s6], $0x80, s3, s6, $0xb8;
	[tilespmem:$0x6A80] =	vst v63  }
0x51: {  	_ =	swait.ge [sflag:s8], $0x6400  }
0x52: {  	[sflag:s8] =	ssyncset.done $0x0  }
0x53: {  	[sflag:s8] =	ssyncadd.s32 $0xFFFF9C00  }
0x54: {  	[hbm4b:s9+s3] =	stream.linear.scatter [tilespmem:s7], [sflag:$0x2], $0x6400, $0x38;
	[tilespmem:$0x6A80] =	vst v63  }
0x55: {  	_ =	swait.ge [sflag:s4], $0x6400  }
0x56: {  	[sflag:s4] =	ssyncset.done $0x0  }
0x57: {  	[sflag:s4] =	ssyncadd.s32 $0xFFFF9C00  }
0x58: {  	[tilespmem:s7], [sflag:$0x1] =	stream.indirect.gather [hbm4b:s2+s6], $0x80, s6, s6, $0xb8;
	[tilespmem:$0x6A80] =	vst v63  }
0x59: {  	_ =	swait.ge [sflag:s8], $0x6400  }
0x5a: {  	[sflag:s8] =	ssyncset.done $0x0  }
0x5b: {  	[sflag:s8] =	ssyncadd.s32 $0xFFFF9C00  }
0x5c: {  	[hbm4b:s10+s3] =	stream.linear.scatter [tilespmem:s7], [sflag:$0x2], $0x6400, $0x38;
	[tilespmem:$0x6A80] =	vst v63  }
0x5d: {  	_ =	swait.ge [sflag:s4], $0x6400  }
0x5e: {  	[sflag:s4] =	ssyncset.done $0x0  }
0x5f: {  	[sflag:s4] =	ssyncadd.s32 $0xFFFF9C00  }
0x60: {  	[tilespmem:s7], [sflag:$0x1] =	stream.indirect.gather [hbm4b:s2+s6], $0x80, s11, s6, $0xb8;
	[tilespmem:$0x6A80] =	vst v63  }
0x61: {  	_ =	swait.ge [sflag:s8], $0x6400  }
0x62: {  	[sflag:s8] =	ssyncset.done $0x0  }
0x63: {  	[sflag:s8] =	ssyncadd.s32 $0xFFFF9C00  }
0x64: {  	[hbm4b:s12+s3] =	stream.linear.scatter [tilespmem:s7], [sflag:$0x2], $0x6400, $0x38;
	[tilespmem:$0x6A80] =	vst v63  }
0x65: {  	_ =	swait.ge [sflag:s4], $0x6400  }
0x66: {  	[sflag:s4] =	ssyncset.done $0x0  }
0x67: {  	[sflag:s4] =	ssyncadd.s32 $0xFFFF9C00  }
0x68: {  	[tilespmem:s7], [sflag:$0x1] =	stream.indirect.gather [hbm4b:s2+s6], $0x80, s13, s6, $0xb8;
	[tilespmem:$0x6A80] =	vst v63  }
0x69: {  	_ =	swait.ge [sflag:s8], $0x6400  }
0x6a: {  	[sflag:s8] =	ssyncset.done $0x0  }
0x6b: {  	[sflag:s8] =	ssyncadd.s32 $0xFFFF9C00  }
0x6c: {  	[hbm4b:s14+s3] =	stream.linear.scatter [tilespmem:s7], [sflag:$0x2], $0x6400, $0x38;
	[tilespmem:$0x6A80] =	vst v63  }
0x6d: {  	_ =	swait.ge [sflag:s4], $0x6400  }
0x6e: {  	[sflag:s4] =	ssyncset.done $0x0  }
0x6f: {  	[sflag:s4] =	ssyncadd.s32 $0xFFFF9C00  }
0x70: {  	[tilespmem:s7], [sflag:$0x1] =	stream.indirect.gather [hbm4b:s2+s6], $0x80, s15, s6, $0xb8;
	[tilespmem:$0x6A80] =	vst v63  }
0x71: {  	_ =	swait.ge [sflag:s8], $0x6400  }
0x72: {  	[sflag:s8] =	ssyncset.done $0x0  }
0x73: {  	[sflag:s8] =	ssyncadd.s32 $0xFFFF9C00  }
0x74: {  	[hbm4b:s16+s3] =	stream.linear.scatter [tilespmem:s7], [sflag:$0x2], $0x6400, $0x38;
	[tilespmem:$0x6A80] =	vst v63  }
0x75: {  	_ =	swait.ge [sflag:s4], $0x6400  }
0x76: {  	[sflag:s4] =	ssyncset.done $0x0  }
0x77: {  	[sflag:s4] =	ssyncadd.s32 $0xFFFF9C00  }
0x78: {  	[tilespmem:s7], [sflag:$0x1] =	stream.indirect.gather [hbm4b:s2+s6], $0x80, s17, s6, $0xb8;
	[tilespmem:$0x6A80] =	vst v63  }
0x79: {  	_ =	swait.ge [sflag:s8], $0x6400  }
0x7a: {  	[sflag:s8] =	ssyncset.done $0x0  }
0x7b: {  	[sflag:s8] =	ssyncadd.s32 $0xFFFF9C00  }
0x7c: {  	[hbm4b:s18+s3] =	stream.linear.scatter [tilespmem:s7], [sflag:$0x2], $0x6400, $0x38;
	[tilespmem:$0x6A80] =	vst v63  }
0x7d: {  	_ =	swait.ge [sflag:s4], $0x6400  }
0x7e: {  	[sflag:s4] =	ssyncset.done $0x0  }
0x7f: {  	[sflag:s4] =	ssyncadd.s32 $0xFFFF9C00  }
0x80: {  	[tilespmem:s7], [sflag:$0x1] =	stream.indirect.gather [hbm4b:s2+s6], $0x80, s19, s6, $0xb8;
	[tilespmem:$0x6A80] =	vst v63  }
0x81: {  	_ =	swait.ge [sflag:s8], $0x6400  }
0x82: {  	[sflag:s8] =	ssyncset.done $0x0  }
0x83: {  	[sflag:s8] =	ssyncadd.s32 $0xFFFF9C00  }
0x84: {  	[hbm4b:s20+s3] =	stream.linear.scatter [tilespmem:s7], [sflag:$0x2], $0x6400, $0x38;
	[tilespmem:$0x6A80] =	vst v63  }
0x85: {  	_ =	swait.ge [sflag:s4], $0x6400  }
0x86: {  	[sflag:s4] =	ssyncset.done $0x0  }
0x87: {  	[sflag:s4] =	ssyncadd.s32 $0xFFFF9C00  }
0x88: {  	[tilespmem:s7], [sflag:$0x1] =	stream.indirect.gather [hbm4b:s2+s6], $0x80, s21, s6, $0xb8;
	[tilespmem:$0x6A80] =	vst v63  }
0x89: {  	_ =	swait.ge [sflag:s8], $0x6400  }
.Ltmp1:
0x8a: {  	[sflag:s8] =	ssyncset.done $0x0;
	(pc) =	sbr.rel @p0 .LBB2_1-.Ltmp1, $4  }
0x8b: {  	[sflag:s8] =	ssyncadd.s32 $0xFFFF9C00  }
0x8c: {  	[hbm4b:s22+s3] =	stream.linear.scatter [tilespmem:s7], [sflag:$0x2], $0x6400, $0x38;
	[tilespmem:$0x6A80] =	vst v63  }
0x8d: {  	_ =	swait.ge [sflag:s4], $0x6400  }
0x8e: {  	[sflag:s4] =	ssyncset.done $0x0  }
.LBB2_2:
0x8f: {  	[sflag:s4] =	ssyncadd.s32 $0xFFFF9C00  }
0x90: {  	_ =	sfence.sel $0x180000  }
0x91: {  	[bflag:$0x0] =	sbarrier.arrive $0xFFFF  }
0x92: {  	p0 =	sne.s32 s0, $0x0;
	_ =	strace $0x9000004A  }
0x93: {  	s0 =	sadd.s32 @!p0 $0x100000, s1;
	[bflag:$0x2] =	sbarrier.arrive $0xFFFF  }
0x94: {  	[sflag:s0] =	ssyncadd.tile.s32 @!p0 $0x1;
	_ =	shalt  }
.Lfunc_end2:
_tile_overlayer_lowered:
.L_overlay_start_2:
0x95: {  	(tag) =	ssettag $0x2  }
0x96: {  	s0 =	rddreg [dreg:$0x0];
	s2 =	stileid.u32  }
0x97: {  	s1 =	rddreg [dreg:$0x1];
	p0 =	sne.s32 s2, $0x0  }
0x98: {  	s3 =	rddreg [dreg:$0x2];
	[bflag:$0x3] =	sbarrier.arrive $0xFFFF;
	s2 =	simm.s32 @!p0 $0x1C02  }
0x99: {  	[timem:s3], [sflag:s2] =	dma.local @!p0 [hbm:s0], s1  }
0x9a: {  	s0 =	simm.s32 @!p0 $0x2  }
0x9b: {  	_ =	swait.ge @!p0 [sflag:s0], s1  }
0x9c: {  	s1 =	ssub.s32 @!p0 $0x0, s1;
	[sflag:s0] =	ssyncset.done @!p0 $0x0  }
0x9d: {  	[sflag:s0] =	ssyncadd.s32 @!p0 s1  }
0x9e: {  	[bflag:$0x3] =	sbarrier.arrive $0xFFFF  }
0x9f: {  	_ =	shalt  }

// kernel: kernel.9.cloned.1.call-start
scs
__scs_entry_jumppad:
0x0: {  	(pc) =	sbr.rel $0x88, $3  }
0x1: {  	(tag) =	ssettag $0x0;
	lr =	simm.s32 $0x1  }
0x2: {  	[smem:$0x3F97] =	sst lr;
	_ =	strace $0xD0000000  }
0x3: {  	_ = 	snop  }
0x4: {  	_ = 	snop  }
0x5: {  	_ = 	snop  }
0x6: {  	_ = 	snop  }
0x7: {  	_ = 	snop  }
__scs_overlays_trampoline_lowered:
0x8: {  	[smem:$0x3FA6] =	sst s0  }
0x9: {  	[smem:$0x3FA7] =	sst s1  }
0xa: {  	[smem:$0x3FA8] =	sst s2  }
0xb: {  	[smem:$0x3FA9] =	sst s3  }
0xc: {  	[smem:$0x3FAA] =	sst s4  }
0xd: {  	[smem:$0x3FAB] =	sst s5  }
0xe: {  	[smem:$0x3FAC] =	sst s6  }
0xf: {  	[smem:$0x3FAD] =	sst s7  }
0x10: {  	[smem:$0x3FAE] =	sst s8  }
0x11: {  	[smem:$0x3FAF] =	sst s9;
	s0 =	simm.s32 @!p0 $0x0  }
0x12: {  	s1 =	sld [smem:$0x3F95];
	s0 =	simm.s32 @p0 $0x1  }
0x13: {  	[smem:$0x3FB0] =	sst s0;
	s0 =	simm.s32 @!p1 $0x0  }
0x14: {  	s2 =	sld [smem:$0x3F94];
	s0 =	simm.s32 @p1 $0x1  }
0x15: {  	[smem:$0x3FB1] =	sst s0;
	s0 =	simm.s32 @!p2 $0x0  }
0x16: {  	s3 =	sld [smem:$0x3FDB];
	s0 =	simm.s32 @p2 $0x1  }
0x17: {  	s4 =	simm.s32 $0x1BF5;
	[smem:$0x3FB3] =	sst s0  }
0x18: {  	s0 =	sld [smem:$0x3F96];
	_ =	swait.ge [sflag:s4], $0x0  }
0x19: {  	s7 =	sld [smem:$0x3F97]  }
0x1a: {  	s8 =	sadd.s32 $0xFFFFE003, lr  }
0x1b: {  	s9 =	sadd.s32 $0xFFFFFEF7, lr;
	s5 =	simm.s32 $0xFFFFFFFF;
	p2 =	slt.u32 s8, $0xFFFFF086  }
0x1c: {  	p1 =	slt.u32 s9, $0xF7A;
	s5 =	simm.s32 @!p2 $0x0  }
0x1d: {  	s5 =	simm.s32 @p1 $0x1;
	p0 =	seq.s32 s7, s2  }
0x1e: {  	s7 =	smul.u32 @!p0 $0xF7A, s2;
	p2 =	seq.s32 @!p0 s5, $0x0  }
0x1f: {  	s9 =	smul.u32 $0xF7A, s1;
	s8 =	simm.s32 @!p0 $0x1BF5;
	p2 =	por !p2, p0  }
0x20: {  	[sflag:s8] =	ssyncset.s32 @!p0 $0xFFFFF086;
	s6 =	sadd.s32 @!p0 s3, s7;
	s7 =	simm.s32 @!p0 $0x108  }
0x21: {  	s3 =	sadd.s32 s3, s9;
	s6 =	sadd.s32 @!p0 $0x88, s6;
	s7 =	simm.s32 @p2 $0x1082  }
0x22: {  	[simem:s7], [sflag:s8] =	dma.local @!p0 [hbm:s6], $0xF7A  }
0x23: {  	s9 =	sor.u32 $0xD0000000, s2;
	s6 =	simm.s32 $0x108;
	_ =	swait.ge @!p0 [sflag:s8], $0x0  }
0x24: {  	s3 =	sadd.s32 $0x88, s3;
	s6 =	simm.s32 @!p1 $0x1082;
	[sflag:s4] =	ssyncset.s32 $0xFFFFF086  }
0x25: {  	[simem:s6], [sflag:s4] =	dma.local [hbm:s3], $0xF7A  }
0x26: {  	[smem:$0x3F97] =	sst s1;
	(tag) =	ssettag s2;
	_ =	strace s9  }
0x27: {  	s1 =	sld [smem:$0x3FA7]  }
0x28: {  	s2 =	sld [smem:$0x3FA8]  }
0x29: {  	s4 =	sld [smem:$0x3FAA]  }
0x2a: {  	p0 =	seq.s32 s5, $0x0;
	s5 =	sld [smem:$0x3FAB]  }
0x2b: {  	s6 =	sld [smem:$0x3FAC]  }
0x2c: {  	s7 =	sld [smem:$0x3FAD]  }
0x2d: {  	s3 =	simm.s32 $0x108;
	s8 =	sld [smem:$0x3FAE]  }
0x2e: {  	s3 =	simm.s32 @!p0 $0x1082;
	s9 =	sld [smem:$0x3FAF]  }
0x2f: {  	lr =	sadd.s32 s0, s3;
	s0 =	sld [smem:$0x3FA6]  }
0x30: {  	s3 =	sld [smem:$0x3FA9]  }
0x31: {  	[smem:$0x3FB2] =	sst s10  }
0x32: {  	s10 =	sld [smem:$0x3FB0];
	_ =	sdelay $0x3  }
0x33: {  	p0 =	seq.s32 s10, $0x1;
	s10 =	sld [smem:$0x3FB2];
	_ =	sdelay $0x3  }
0x34: {  	[smem:$0x3FB2] =	sst s10  }
0x35: {  	s10 =	sld [smem:$0x3FB1];
	_ =	sdelay $0x3  }
0x36: {  	p1 =	seq.s32 s10, $0x1;
	s10 =	sld [smem:$0x3FB2];
	_ =	sdelay $0x3  }
0x37: {  	[smem:$0x3FB2] =	sst s10  }
0x38: {  	s10 =	sld [smem:$0x3FB3]  }
0x39: {  	_ = 	snop;
	(pc) =	sbr.ind lr, $3  }
0x3a: {  	_ = 	snop  }
0x3b: {  	_ = 	snop  }
0x3c: {  	p2 =	seq.s32 s10, $0x1;
	s10 =	sld [smem:$0x3FB2]  }
0x3d: {  	_ =	shalt  }
0x3e: {  	_ =	shalt  }
0x3f: {  	_ =	shalt  }
0x40: {  	_ =	shalt  }
0x41: {  	_ =	shalt  }
0x42: {  	_ =	shalt  }
0x43: {  	_ =	shalt  }
0x44: {  	_ =	shalt  }
0x45: {  	_ =	shalt  }
0x46: {  	_ =	shalt  }
0x47: {  	_ =	shalt  }
0x48: {  	_ =	shalt  }
0x49: {  	_ =	shalt  }
0x4a: {  	_ =	shalt  }
0x4b: {  	_ =	shalt  }
0x4c: {  	_ =	shalt  }
0x4d: {  	_ =	shalt  }
0x4e: {  	_ =	shalt  }
0x4f: {  	_ =	shalt  }
0x50: {  	_ =	shalt  }
0x51: {  	_ =	shalt  }
0x52: {  	_ =	shalt  }
0x53: {  	_ =	shalt  }
0x54: {  	_ =	shalt  }
0x55: {  	_ =	shalt  }
0x56: {  	_ =	shalt  }
0x57: {  	_ =	shalt  }
0x58: {  	_ =	shalt  }
0x59: {  	_ =	shalt  }
0x5a: {  	_ =	shalt  }
0x5b: {  	_ =	shalt  }
0x5c: {  	_ =	shalt  }
0x5d: {  	_ =	shalt  }
0x5e: {  	_ =	shalt  }
0x5f: {  	_ =	shalt  }
0x60: {  	_ =	shalt  }
0x61: {  	_ =	shalt  }
0x62: {  	_ =	shalt  }
0x63: {  	_ =	shalt  }
0x64: {  	_ =	shalt  }
0x65: {  	_ =	shalt  }
0x66: {  	_ =	shalt  }
0x67: {  	_ =	shalt  }
0x68: {  	_ =	shalt  }
0x69: {  	_ =	shalt  }
0x6a: {  	_ =	shalt  }
0x6b: {  	_ =	shalt  }
0x6c: {  	_ =	shalt  }
0x6d: {  	_ =	shalt  }
0x6e: {  	_ =	shalt  }
0x6f: {  	_ =	shalt  }
0x70: {  	_ =	shalt  }
0x71: {  	_ =	shalt  }
0x72: {  	_ =	shalt  }
0x73: {  	_ =	shalt  }
0x74: {  	_ =	shalt  }
0x75: {  	_ =	shalt  }
0x76: {  	_ =	shalt  }
0x77: {  	_ =	shalt  }
0x78: {  	_ =	shalt  }
0x79: {  	_ =	shalt  }
0x7a: {  	_ =	shalt  }
0x7b: {  	_ =	shalt  }
0x7c: {  	_ =	shalt  }
0x7d: {  	_ =	shalt  }
0x7e: {  	_ =	shalt  }
0x7f: {  	_ =	shalt  }
0x80: {  	_ =	shalt  }
0x81: {  	_ =	shalt  }
0x82: {  	_ =	shalt  }
0x83: {  	_ =	shalt  }
0x84: {  	_ =	shalt  }
0x85: {  	_ =	shalt  }
0x86: {  	_ =	shalt  }
0x87: {  	_ =	shalt  }
.Lfunc_end0:
.L_simem_size_0:
called_computation.1_lowered:
.L_overlay_start_0:
0x88: {  	s2 =	sld [smem:$0x3FD9]  }
0x89: {  	s3 =	sld [smem:$0x3FFE];
	_ =	sdelay $0x1  }
0x8a: {  	s1 =	srdreg.scid  }
0x8b: {  	s0 =	sand.u32 $0x1, s1  }
0x8c: {  	s16 =	sshll.u32 s0, $0xA;
	s2 =	sadd.s32 s3, s2  }
0x8d: {  	s2 =	sadd.s32 s2, s16  }
0x8e: {  	[smem:$0x3FBE] =	sst s2  }
0x8f: {  	_ = 	snop  }
0x90: {  	(tm) =	ssettm $0x1  }
0x91: {  	s17 =	sld [smem:$0x3FFB];
	_ =	sdelay $0x3  }
0x92: {  	_ =	strace s17  }
0x93: {  	s2 =	sld [smem:$0x3FFC];
	_ =	sdelay $0x3  }
0x94: {  	_ =	strace s2  }
0x95: {  	s2 =	sld [smem:$0x3FFD];
	_ =	sdelay $0x3  }
0x96: {  	_ =	strace s2  }
0x97: {  	_ =	strace $0x8FFFFFFF  }
0x98: {  	s18 =	sld [smem:$0x3FDB];
	_ =	sdelay $0x1  }
0x99: {  	s19 =	simm.s32 $_scs_section_size  }
0x9a: {  	s4 =	simm.s32 $_size__tile_overlayer_lowered;
	s5 =	simm.s32 $_tile_overlayer_lowered  }
0x9b: {  	s22 =	simm.s32 $0x1BFF;
	s21 =	sshll.u32 s5, $0x1;
	s2 =	sadd.s32 s19, s18  }
0x9c: {  	s6 =	simm.s32 $0x0;
	s20 =	sshll.u32 s4, $0x1;
	s4 =	sadd.s32 s21, s2  }
0x9d: {  	[timem:s6], [sflag:s22] =	dma.local [hbm:s4], s20  }
0x9e: {  	_ =	swait.ge [sflag:s22], s20  }
0x9f: {  	s3 =	ssub.s32 $0x0, s20;
	[sflag:s22] =	ssyncset.done $0x0  }
0xa0: {  	[sflag:s22] =	ssyncadd.s32 s3;
	_ =	sdelay $0x1  }
0xa1: {  	s23 =	simm.s32 $0x1B8B  }
0xa2: {  	_ =	swait.ge [sflag:s23], $0x1  }
0xa3: {  	[sflag:s23] =	ssyncset.done $0x0  }
0xa4: {  	s25 =	simm.s32 $0x1B8E;
	s24 =	sld [smem:$0x3FFE];
	[sflag:s23] =	ssyncadd.s32 $0xFFFFFFFF  }
0xa5: {  	s26 =	simm.s32 $execute0_lowered;
	[smem:$0x3FD2] =	sst s25  }
0xa6: {  	s4 =	sshll.u32 s26, $0x1;
	_ =	strace $0x80000046;
	[dreg:$0x1] =	wrdreg $0xFFFFFFFF  }
0xa7: {  	s28 =	simm.s32 $_size_execute0_lowered;
	s2 =	sadd.s32 s2, s4;
	[dreg:$0x0] =	wrdreg $0x0  }
0xa8: {  	s4 =	sshll.u32 s28, $0x1;
	[dreg:$0x2] =	wrdreg s2  }
0xa9: {  	[dreg:$0x3] =	wrdreg s4  }
0xaa: {  	[dreg:$0x4] =	wrdreg $0xC0  }
0xab: {  	_ =	task [dreg:s6], $0x5FFFF  }
0xac: {  	[dreg:$0x1] =	wrdreg $0xFFFFFFFF  }
0xad: {  	[dreg:$0x0] =	wrdreg $0x60  }
0xae: {  	[dreg:$0x2] =	wrdreg s24  }
0xaf: {  	[dreg:$0x3] =	wrdreg $0xA  }
0xb0: {  	_ =	task.clear_ibuf [dreg:s6], $0x4FFFF;
	_ =	strace $0x90000046  }
0xb1: {  	s29 =	simm.s32 $0xA;
	_ =	strace $0x80000048  }
0xb2: {  	_ =	swait.ge [sflag:s29], $0x1  }
0xb3: {  	[sflag:s29] =	ssyncadd.s32 $0xFFFFFFFF  }
0xb4: {  	_ =	strace $0x90000048  }
0xb5: {  	_ =	sfence  }
0xb6: {  	s30 =	sld [smem:$0x0];
	_ =	sdelay $0x2  }
0xb7: {  	s31 =	sshll.u32 s1, $0xD;
	s1 =	sshrl.u32 s1, $0x2  }
0xb8: {  	s3 =	sand.u32 $0x4000, s31;
	s1 =	sadd.s32 s1, s30  }
0xb9: {  	s0 =	sor.u32 s3, s0;
	s1 =	sshll.u32 s1, $0x11  }
0xba: {  	s0 =	sor.u32 s1, s0  }
0xbb: {  	s0 =	sadd.s32 $0x8F2B, s0  }
0xbc: {  	[sflag:s0] =	ssyncadd.remote.s32 $0x1  }
0xbd: {  	_ =	sfence.sel $0xFFFF  }
0xbe: {  	[dreg:$0x0] =	wrdreg $0xFFFFFFFF;
	(pc) =	sbr.abs _section_cstart, $3  }
0xbf: {  	[dreg:$0x1] =	wrdreg $0xFFFFFFFF  }
0xc0: {  	_ =	task.clear_ibuf [dreg:s6], $0x2FFFF;
	_ =	strace $0x9FFFFFFF  }
0xc1: {  	(tm) =	ssettm $0x7FFFFFFF  }
tec
execute0_lowered:
.L_overlay_start_1:
0x0: {  	(tag) =	ssettag $0x1  }
0x1: {  	s1 =	srdreg.scid;
	s0 =	stileid.u32  }
0x2: {  	s4 =	rddreg [dreg:$0x0];
	s3 =	sand.u32 $0x1, s1;
	s5 =	sshll.u32 s0, $0x1  }
0x3: {  	s2 =	simm.s32 $0x0;
	s1 =	rddreg [dreg:$0x1];
	s5 =	sor.u32 s3, s5  }
0x4: {  	s11 =	simm.s32 $0x0;
	[smem:$0x7FF] =	sst s2;
	s6 =	smul.u32 $0xC8, s5  }
0x5: {  	s10 =	sadd.s32 $0x100CE00, s4;
	s7 =	ssub.s32 $0x2, s3;
	s8 =	smul.u32 $0x32000, s5  }
0x6: {  	_ =	strace $0x80000047;
	s9 =	sshrl.u32 s7, $0x1;
	s5 =	smul.u32 $0x6400, s5  }
0x7: {  	s3 =	sadd.s32 $0xCAA00, s4;
	s7 =	ssub.s32 s7, s9;
	s9 =	simm.s32 $0x1  }
0x8: {  	s6 =	sadd.s32 s6, s4;
	s8 =	sshrl.u32 s8, $0x3;
	s5 =	sadd.s32 s10, s5  }
0x9: {  	s7 =	smax.u32 s7, $0x1;
	s4 =	sadd.s32 $0xC9000, s6;
	s31 =	sadd.s32 s10, s8  }
0xa: {  	s8 =	simm.s32 $0x2;
	s10 =	simm.s32 $0x680;
	s6 =	sadd.s32 $0x3200, s31  }
.LBB2_1:
0xb: {  	[tilespmem:s2], [sflag:$0x2] =	stream.linear.gather [hbm4b:s4+s2], $0x640, $0x38;
	[tilespmem:$0x19680] =	vst v63  }
0xc: {  	_ =	swait.ge [sflag:s8], $0x640  }
0xd: {  	s12 =	simm.s32 $0x0;
	[sflag:s8] =	ssyncset.done $0x0  }
0xe: {  	s13 =	simm.s32 $0x0;
	s14 =	simm.s32 $0x0;
	[sflag:s8] =	ssyncadd.s32 $0xFFFFF9C0  }
.LBB2_2:
0xf: {  	v0 =	vld [tilespmem:s12+$0x0];
	_ =	sdelay $0x4  }
0x10: {  	(v2sf) =	vpush v0, $0x0;
	_ =	sdelay $0x7  }
0x11: {  	(v2sf) =	vpush v0, $0x1;
	_ =	sdelay $0x6  }
0x12: {  	s15 =	spop (v2sf)  }
0x13: {  	s16 =	smulhi.u32 $0x431BDE83, s15;
	s17 =	sshra.s32 s15, $0x1F  }
0x14: {  	s17 =	smul.u32 $0x431BDE83, s17;
	_ =	sdelay $0x1  }
0x15: {  	s16 =	sadd.s32 s17, s16  }
0x16: {  	s17 =	sshrl.u32 s16, $0x1F;
	s16 =	sshra.s32 s16, $0x11  }
0x17: {  	s16 =	sadd.s32 s17, s16  }
0x18: {  	s17 =	smul.u32 $0xFFF85EE0, s16  }
0x19: {  	s18 =	ssub.s32 $0x0, s15;
	p0 =	slt.s32 s15, $0x1;
	s22 =	spop (v2sf)  }
0x1a: {  	s23 =	smulhi.u32 $0x431BDE83, s22;
	s19 =	sshra.s32 s22, $0x1F;
	p1 =	sne.s32 s17, s18  }
0x1b: {  	s19 =	smul.u32 $0x431BDE83, s19;
	p0 =	por !p0, !p1  }
0x1c: {  	s20 =	simm.s32 $0x1;
	(v2sf) =	vpush v0, $0x2;
	p0 =	por !p0, !p0  }
0x1d: {  	s18 =	sadd.s32 s19, s23;
	s20 =	simm.s32 @!p0 $0x0  }
0x1e: {  	s25 =	sshrl.u32 s18, $0x1F;
	s18 =	sshra.s32 s18, $0x11;
	s16 =	ssub.s32 s16, s20  }
0x1f: {  	s18 =	sadd.s32 s25, s18;
	s24 =	smul.u32 $0x1F85EE0, s16  }
0x20: {  	s21 =	ssub.s32 $0x0, s22;
	s20 =	smul.u32 $0xFFF85EE0, s18  }
0x21: {  	p1 =	slt.s32 s22, $0x1;
	s16 =	smul.u32 $0x3D09000, s16;
	s19 =	sadd.s32 s15, s24  }
0x22: {  	p2 =	sne.s32 s20, s21;
	s15 =	sshll.u32 s15, $0x7;
	s19 =	sshll.u32 s19, $0x7  }
0x23: {  	p0 =	por !p1, !p2;
	s15 =	sand.u32 $0x380, s15;
	s19 =	sand.u32 $0xFFFFFC00, s19  }
0x24: {  	p0 =	por !p0, !p0;
	s16 =	sadd.s32 s16, s19;
	s19 =	simm.s32 $0x1  }
0x25: {  	(v2sf) =	vpush v0, $0x3;
	s16 =	sor.u32 s15, s16;
	s19 =	simm.s32 @!p0 $0x0  }
0x26: {  	s15 =	sshra.s32 s13, $0x2;
	s16 =	sshrl.u32 s16, $0x3;
	s18 =	ssub.s32 s18, s19  }
0x27: {  	s26 =	sadd.s32 $0x680, s15;
	s16 =	sadd.s32 s3, s16;
	s28 =	smul.u32 $0x1F85EE0, s18  }
0x28: {  	[tilespmem:s26], [sflag:$0x1] =	stream.linear.gather [hbm4b:s16+s2], $0x80, $0x38;
	[tilespmem:$0x19680] =	vst v63  }
0x29: {  	s29 =	sadd.s32 s22, s28  }
0x2a: {  	s17 =	sshll.u32 s22, $0x7;
	s18 =	smul.u32 $0x3D09000, s18;
	s16 =	sshll.u32 s29, $0x7  }
0x2b: {  	s17 =	sand.u32 $0x380, s17;
	s30 =	spop (v2sf);
	s16 =	sand.u32 $0xFFFFFC00, s16  }
0x2c: {  	s31 =	smulhi.u32 $0x431BDE83, s30;
	s20 =	sshra.s32 s30, $0x1F;
	s16 =	sadd.s32 s18, s16  }
0x2d: {  	s19 =	smul.u32 $0x431BDE83, s20;
	s16 =	sor.u32 s17, s16  }
0x2e: {  	s16 =	sshrl.u32 s16, $0x3  }
0x2f: {  	s21 =	sadd.s32 $0x700, s15;
	s22 =	sadd.s32 s19, s31;
	s16 =	sadd.s32 s3, s16  }
0x30: {  	[tilespmem:s21], [sflag:$0x1] =	stream.linear.gather [hbm4b:s16+s2], $0x80, $0x38;
	[tilespmem:$0x19680] =	vst v63  }
0x31: {  	s18 =	sshrl.u32 s22, $0x1F;
	s16 =	sshra.s32 s22, $0x11  }
0x32: {  	s16 =	sadd.s32 s18, s16  }
0x33: {  	s18 =	smul.u32 $0xFFF85EE0, s16  }
0x34: {  	s23 =	ssub.s32 $0x0, s30;
	p3 =	slt.s32 s30, $0x1;
	s24 =	spop (v2sf)  }
0x35: {  	s25 =	smulhi.u32 $0x431BDE83, s24;
	s26 =	sshra.s32 s24, $0x1F;
	p4 =	sne.s32 s18, s23  }
0x36: {  	s20 =	smul.u32 $0x431BDE83, s26;
	p0 =	por !p3, !p4  }
0x37: {  	s21 =	simm.s32 $0x1;
	p0 =	por !p0, !p0  }
0x38: {  	s19 =	sadd.s32 s20, s25;
	s21 =	simm.s32 @!p0 $0x0  }
0x39: {  	(v2sf) =	vpush v0, $0x4;
	s29 =	sshrl.u32 s19, $0x1F;
	s19 =	sshra.s32 s19, $0x11;
	s16 =	ssub.s32 s16, s21  }
0x3a: {  	s19 =	sadd.s32 s29, s19;
	s28 =	smul.u32 $0x1F85EE0, s16  }
0x3b: {  	p5 =	slt.s32 s24, $0x1;
	s21 =	smul.u32 $0xFFF85EE0, s19  }
0x3c: {  	s17 =	sshll.u32 s30, $0x7;
	s22 =	ssub.s32 $0x0, s24;
	s20 =	sadd.s32 s30, s28  }
0x3d: {  	s16 =	smul.u32 $0x3D09000, s16;
	p6 =	sne.s32 s21, s22;
	s20 =	sshll.u32 s20, $0x7  }
0x3e: {  	s17 =	sand.u32 $0x380, s17;
	p0 =	por !p5, !p6;
	s20 =	sand.u32 $0xFFFFFC00, s20  }
0x3f: {  	p0 =	por !p0, !p0;
	s16 =	sadd.s32 s16, s20;
	s20 =	simm.s32 $0x1  }
0x40: {  	s16 =	sor.u32 s17, s16;
	s20 =	simm.s32 @!p0 $0x0  }
0x41: {  	(v2sf) =	vpush v0, $0x5;
	s16 =	sshrl.u32 s16, $0x3;
	s30 =	ssub.s32 s19, s20  }
0x42: {  	s31 =	sadd.s32 $0x780, s15;
	s16 =	sadd.s32 s3, s16;
	s20 =	smul.u32 $0x1F85EE0, s30  }
0x43: {  	[tilespmem:s31], [sflag:$0x1] =	stream.linear.gather [hbm4b:s16+s2], $0x80, $0x38;
	[tilespmem:$0x19680] =	vst v63  }
0x44: {  	s20 =	sadd.s32 s24, s20  }
0x45: {  	s17 =	smul.u32 $0x3D09000, s30;
	s16 =	sshll.u32 s20, $0x7  }
0x46: {  	s18 =	sshll.u32 s24, $0x7;
	s16 =	sand.u32 $0xFFFFFC00, s16  }
0x47: {  	s21 =	sand.u32 $0x380, s18;
	s16 =	sadd.s32 s17, s16  }
0x48: {  	s17 =	spop (v2sf);
	s16 =	sor.u32 s21, s16  }
0x49: {  	s22 =	smulhi.u32 $0x431BDE83, s17;
	s23 =	sshra.s32 s17, $0x1F;
	s16 =	sshrl.u32 s16, $0x3  }
0x4a: {  	s24 =	sadd.s32 $0x800, s15;
	s19 =	smul.u32 $0x431BDE83, s23;
	s16 =	sadd.s32 s3, s16  }
0x4b: {  	[tilespmem:s24], [sflag:$0x1] =	stream.linear.gather [hbm4b:s16+s2], $0x80, $0x38;
	[tilespmem:$0x19680] =	vst v63  }
0x4c: {  	s25 =	sadd.s32 s19, s22  }
0x4d: {  	s18 =	sshrl.u32 s25, $0x1F;
	s16 =	sshra.s32 s25, $0x11  }
0x4e: {  	s16 =	sadd.s32 s18, s16  }
0x4f: {  	s18 =	smul.u32 $0xFFF85EE0, s16  }
0x50: {  	s26 =	ssub.s32 $0x0, s17;
	p1 =	slt.s32 s17, $0x1;
	s28 =	spop (v2sf)  }
0x51: {  	s29 =	smulhi.u32 $0x431BDE83, s28;
	s30 =	sshra.s32 s28, $0x1F;
	p2 =	sne.s32 s18, s26  }
0x52: {  	s20 =	smul.u32 $0x431BDE83, s30;
	p0 =	por !p1, !p2  }
0x53: {  	s21 =	simm.s32 $0x1;
	p0 =	por !p0, !p0  }
0x54: {  	s19 =	sadd.s32 s20, s29;
	s21 =	simm.s32 @!p0 $0x0  }
0x55: {  	(v2sf) =	vpush v0, $0x6;
	s22 =	sshrl.u32 s19, $0x1F;
	s19 =	sshra.s32 s19, $0x11;
	s16 =	ssub.s32 s16, s21  }
0x56: {  	s19 =	sadd.s32 s22, s19;
	s31 =	smul.u32 $0x1F85EE0, s16  }
0x57: {  	s23 =	ssub.s32 $0x0, s28;
	s21 =	smul.u32 $0xFFF85EE0, s19  }
0x58: {  	p3 =	slt.s32 s28, $0x1;
	s16 =	smul.u32 $0x3D09000, s16;
	s20 =	sadd.s32 s17, s31  }
0x59: {  	p4 =	sne.s32 s21, s23;
	s17 =	sshll.u32 s17, $0x7;
	s20 =	sshll.u32 s20, $0x7  }
0x5a: {  	p0 =	por !p3, !p4;
	s17 =	sand.u32 $0x380, s17;
	s20 =	sand.u32 $0xFFFFFC00, s20  }
0x5b: {  	p0 =	por !p0, !p0;
	s16 =	sadd.s32 s16, s20;
	s20 =	simm.s32 $0x1  }
0x5c: {  	s16 =	sor.u32 s17, s16;
	s20 =	simm.s32 @!p0 $0x0  }
0x5d: {  	(v2sf) =	vpush v0, $0x7;
	s16 =	sshrl.u32 s16, $0x3;
	s24 =	ssub.s32 s19, s20  }
0x5e: {  	s25 =	sadd.s32 $0x880, s15;
	s16 =	sadd.s32 s3, s16;
	s20 =	smul.u32 $0x1F85EE0, s24  }
0x5f: {  	[tilespmem:s25], [sflag:$0x1] =	stream.linear.gather [hbm4b:s16+s2], $0x80, $0x38;
	[tilespmem:$0x19680] =	vst v63  }
0x60: {  	s26 =	sadd.s32 s28, s20  }
0x61: {  	s17 =	smul.u32 $0x3D09000, s24;
	s16 =	sshll.u32 s26, $0x7  }
0x62: {  	s18 =	sshll.u32 s28, $0x7;
	s16 =	sand.u32 $0xFFFFFC00, s16  }
0x63: {  	s28 =	sand.u32 $0x380, s18;
	s16 =	sadd.s32 s17, s16  }
0x64: {  	s17 =	spop (v2sf);
	s16 =	sor.u32 s28, s16  }
0x65: {  	s29 =	smulhi.u32 $0x431BDE83, s17;
	s30 =	sshra.s32 s17, $0x1F;
	s16 =	sshrl.u32 s16, $0x3  }
0x66: {  	s31 =	sadd.s32 $0x900, s15;
	s19 =	smul.u32 $0x431BDE83, s30;
	s16 =	sadd.s32 s3, s16  }
0x67: {  	[tilespmem:s31], [sflag:$0x1] =	stream.linear.gather [hbm4b:s16+s2], $0x80, $0x38;
	[tilespmem:$0x19680] =	vst v63  }
0x68: {  	s21 =	sadd.s32 s19, s29  }
0x69: {  	s18 =	sshrl.u32 s21, $0x1F;
	s16 =	sshra.s32 s21, $0x11  }
0x6a: {  	s16 =	sadd.s32 s18, s16  }
0x6b: {  	s18 =	smul.u32 $0xFFF85EE0, s16  }
0x6c: {  	s22 =	ssub.s32 $0x0, s17;
	p5 =	slt.s32 s17, $0x1;
	s23 =	spop (v2sf)  }
0x6d: {  	s24 =	smulhi.u32 $0x431BDE83, s23;
	s25 =	sshra.s32 s23, $0x1F;
	p6 =	sne.s32 s18, s22  }
0x6e: {  	s20 =	smul.u32 $0x431BDE83, s25;
	p0 =	por !p5, !p6  }
0x6f: {  	s21 =	simm.s32 $0x1;
	p0 =	por !p0, !p0  }
0x70: {  	s19 =	sadd.s32 s20, s24;
	s21 =	simm.s32 @!p0 $0x0  }
0x71: {  	(v2sf) =	vpush v0, $0x8;
	s28 =	sshrl.u32 s19, $0x1F;
	s19 =	sshra.s32 s19, $0x11;
	s16 =	ssub.s32 s16, s21  }
0x72: {  	s19 =	sadd.s32 s28, s19;
	s26 =	smul.u32 $0x1F85EE0, s16  }
0x73: {  	p1 =	slt.s32 s23, $0x1;
	s21 =	smul.u32 $0xFFF85EE0, s19  }
0x74: {  	s29 =	ssub.s32 $0x0, s23;
	s16 =	smul.u32 $0x3D09000, s16;
	s20 =	sadd.s32 s17, s26  }
0x75: {  	p2 =	sne.s32 s21, s29;
	s17 =	sshll.u32 s17, $0x7;
	s20 =	sshll.u32 s20, $0x7  }
0x76: {  	p0 =	por !p1, !p2;
	s17 =	sand.u32 $0x380, s17;
	s20 =	sand.u32 $0xFFFFFC00, s20  }
0x77: {  	p0 =	por !p0, !p0;
	s16 =	sadd.s32 s16, s20;
	s20 =	simm.s32 $0x1  }
0x78: {  	s16 =	sor.u32 s17, s16;
	s20 =	simm.s32 @!p0 $0x0  }
0x79: {  	(v2sf) =	vpush v0, $0x9;
	s16 =	sshrl.u32 s16, $0x3;
	s30 =	ssub.s32 s19, s20  }
0x7a: {  	s31 =	sadd.s32 $0x980, s15;
	s16 =	sadd.s32 s3, s16;
	s20 =	smul.u32 $0x1F85EE0, s30  }
0x7b: {  	[tilespmem:s31], [sflag:$0x1] =	stream.linear.gather [hbm4b:s16+s2], $0x80, $0x38;
	[tilespmem:$0x19680] =	vst v63  }
0x7c: {  	s20 =	sadd.s32 s23, s20  }
0x7d: {  	s17 =	smul.u32 $0x3D09000, s30;
	s16 =	sshll.u32 s20, $0x7  }
0x7e: {  	s18 =	sshll.u32 s23, $0x7;
	s16 =	sand.u32 $0xFFFFFC00, s16  }
0x7f: {  	s21 =	sand.u32 $0x380, s18;
	s16 =	sadd.s32 s17, s16  }
0x80: {  	s17 =	spop (v2sf);
	s16 =	sor.u32 s21, s16  }
0x81: {  	s22 =	smulhi.u32 $0x431BDE83, s17;
	s23 =	sshra.s32 s17, $0x1F;
	s16 =	sshrl.u32 s16, $0x3  }
0x82: {  	s24 =	sadd.s32 $0xA00, s15;
	s19 =	smul.u32 $0x431BDE83, s23;
	s16 =	sadd.s32 s3, s16  }
0x83: {  	[tilespmem:s24], [sflag:$0x1] =	stream.linear.gather [hbm4b:s16+s2], $0x80, $0x38;
	[tilespmem:$0x19680] =	vst v63  }
0x84: {  	s25 =	sadd.s32 s19, s22  }
0x85: {  	s18 =	sshrl.u32 s25, $0x1F;
	s16 =	sshra.s32 s25, $0x11  }
0x86: {  	s16 =	sadd.s32 s18, s16  }
0x87: {  	s18 =	smul.u32 $0xFFF85EE0, s16  }
0x88: {  	s26 =	ssub.s32 $0x0, s17;
	p3 =	slt.s32 s17, $0x1;
	s28 =	spop (v2sf)  }
0x89: {  	s29 =	smulhi.u32 $0x431BDE83, s28;
	s30 =	sshra.s32 s28, $0x1F;
	p4 =	sne.s32 s18, s26  }
0x8a: {  	s20 =	smul.u32 $0x431BDE83, s30;
	p0 =	por !p3, !p4  }
0x8b: {  	s21 =	simm.s32 $0x1;
	p0 =	por !p0, !p0  }
0x8c: {  	s19 =	sadd.s32 s20, s29;
	s21 =	simm.s32 @!p0 $0x0  }
0x8d: {  	(v2sf) =	vpush v0, $0xA;
	s22 =	sshrl.u32 s19, $0x1F;
	s19 =	sshra.s32 s19, $0x11;
	s16 =	ssub.s32 s16, s21  }
0x8e: {  	s19 =	sadd.s32 s22, s19;
	s31 =	smul.u32 $0x1F85EE0, s16  }
0x8f: {  	s23 =	ssub.s32 $0x0, s28;
	s21 =	smul.u32 $0xFFF85EE0, s19  }
0x90: {  	p5 =	slt.s32 s28, $0x1;
	s16 =	smul.u32 $0x3D09000, s16;
	s20 =	sadd.s32 s17, s31  }
0x91: {  	p6 =	sne.s32 s21, s23;
	s17 =	sshll.u32 s17, $0x7;
	s20 =	sshll.u32 s20, $0x7  }
0x92: {  	p0 =	por !p5, !p6;
	s17 =	sand.u32 $0x380, s17;
	s20 =	sand.u32 $0xFFFFFC00, s20  }
0x93: {  	p0 =	por !p0, !p0;
	s16 =	sadd.s32 s16, s20;
	s20 =	simm.s32 $0x1  }
0x94: {  	s16 =	sor.u32 s17, s16;
	s20 =	simm.s32 @!p0 $0x0  }
0x95: {  	(v2sf) =	vpush v0, $0xB;
	s16 =	sshrl.u32 s16, $0x3;
	s24 =	ssub.s32 s19, s20  }
0x96: {  	s25 =	sadd.s32 $0xA80, s15;
	s16 =	sadd.s32 s3, s16;
	s20 =	smul.u32 $0x1F85EE0, s24  }
0x97: {  	[tilespmem:s25], [sflag:$0x1] =	stream.linear.gather [hbm4b:s16+s2], $0x80, $0x38;
	[tilespmem:$0x19680] =	vst v63  }
0x98: {  	s26 =	sadd.s32 s28, s20  }
0x99: {  	s17 =	smul.u32 $0x3D09000, s24;
	s16 =	sshll.u32 s26, $0x7  }
0x9a: {  	s18 =	sshll.u32 s28, $0x7;
	s16 =	sand.u32 $0xFFFFFC00, s16  }
0x9b: {  	s28 =	sand.u32 $0x380, s18;
	s16 =	sadd.s32 s17, s16  }
0x9c: {  	s17 =	spop (v2sf);
	s16 =	sor.u32 s28, s16  }
0x9d: {  	s29 =	smulhi.u32 $0x431BDE83, s17;
	s30 =	sshra.s32 s17, $0x1F;
	s16 =	sshrl.u32 s16, $0x3  }
0x9e: {  	s31 =	sadd.s32 $0xB00, s15;
	s19 =	smul.u32 $0x431BDE83, s30;
	s16 =	sadd.s32 s3, s16  }
0x9f: {  	[tilespmem:s31], [sflag:$0x1] =	stream.linear.gather [hbm4b:s16+s2], $0x80, $0x38;
	[tilespmem:$0x19680] =	vst v63  }
0xa0: {  	s21 =	sadd.s32 s19, s29  }
0xa1: {  	s18 =	sshrl.u32 s21, $0x1F;
	s16 =	sshra.s32 s21, $0x11  }
0xa2: {  	s16 =	sadd.s32 s18, s16  }
0xa3: {  	s18 =	smul.u32 $0xFFF85EE0, s16  }
0xa4: {  	s22 =	ssub.s32 $0x0, s17;
	p1 =	slt.s32 s17, $0x1;
	s23 =	spop (v2sf)  }
0xa5: {  	s24 =	smulhi.u32 $0x431BDE83, s23;
	s25 =	sshra.s32 s23, $0x1F;
	p2 =	sne.s32 s18, s22  }
0xa6: {  	s20 =	smul.u32 $0x431BDE83, s25;
	p0 =	por !p1, !p2  }
0xa7: {  	s21 =	simm.s32 $0x1;
	p0 =	por !p0, !p0  }
0xa8: {  	s19 =	sadd.s32 s20, s24;
	s21 =	simm.s32 @!p0 $0x0  }
0xa9: {  	(v2sf) =	vpush v0, $0xC;
	s28 =	sshrl.u32 s19, $0x1F;
	s19 =	sshra.s32 s19, $0x11;
	s16 =	ssub.s32 s16, s21  }
0xaa: {  	s19 =	sadd.s32 s28, s19;
	s26 =	smul.u32 $0x1F85EE0, s16  }
0xab: {  	p3 =	slt.s32 s23, $0x1;
	s21 =	smul.u32 $0xFFF85EE0, s19  }
0xac: {  	s29 =	ssub.s32 $0x0, s23;
	s16 =	smul.u32 $0x3D09000, s16;
	s20 =	sadd.s32 s17, s26  }
0xad: {  	p4 =	sne.s32 s21, s29;
	s17 =	sshll.u32 s17, $0x7;
	s20 =	sshll.u32 s20, $0x7  }
0xae: {  	p0 =	por !p3, !p4;
	s17 =	sand.u32 $0x380, s17;
	s20 =	sand.u32 $0xFFFFFC00, s20  }
0xaf: {  	p0 =	por !p0, !p0;
	s16 =	sadd.s32 s16, s20;
	s20 =	simm.s32 $0x1  }
0xb0: {  	s16 =	sor.u32 s17, s16;
	s20 =	simm.s32 @!p0 $0x0  }
0xb1: {  	(v2sf) =	vpush v0, $0xD;
	s16 =	sshrl.u32 s16, $0x3;
	s30 =	ssub.s32 s19, s20  }
0xb2: {  	s31 =	sadd.s32 $0xB80, s15;
	s16 =	sadd.s32 s3, s16;
	s20 =	smul.u32 $0x1F85EE0, s30  }
0xb3: {  	[tilespmem:s31], [sflag:$0x1] =	stream.linear.gather [hbm4b:s16+s2], $0x80, $0x38;
	[tilespmem:$0x19680] =	vst v63  }
0xb4: {  	s20 =	sadd.s32 s23, s20  }
0xb5: {  	s17 =	smul.u32 $0x3D09000, s30;
	s16 =	sshll.u32 s20, $0x7  }
0xb6: {  	s18 =	sshll.u32 s23, $0x7;
	s16 =	sand.u32 $0xFFFFFC00, s16  }
0xb7: {  	s21 =	sand.u32 $0x380, s18;
	s16 =	sadd.s32 s17, s16  }
0xb8: {  	s17 =	spop (v2sf);
	s16 =	sor.u32 s21, s16  }
0xb9: {  	s22 =	smulhi.u32 $0x431BDE83, s17;
	s23 =	sshra.s32 s17, $0x1F;
	s16 =	sshrl.u32 s16, $0x3  }
0xba: {  	s24 =	sadd.s32 $0xC00, s15;
	s19 =	smul.u32 $0x431BDE83, s23;
	s16 =	sadd.s32 s3, s16  }
0xbb: {  	[tilespmem:s24], [sflag:$0x1] =	stream.linear.gather [hbm4b:s16+s2], $0x80, $0x38;
	[tilespmem:$0x19680] =	vst v63  }
0xbc: {  	s25 =	sadd.s32 s19, s22  }
0xbd: {  	s18 =	sshrl.u32 s25, $0x1F;
	s16 =	sshra.s32 s25, $0x11  }
0xbe: {  	s16 =	sadd.s32 s18, s16  }
0xbf: {  	s18 =	smul.u32 $0xFFF85EE0, s16  }
0xc0: {  	s26 =	ssub.s32 $0x0, s17;
	p5 =	slt.s32 s17, $0x1;
	s28 =	spop (v2sf)  }
0xc1: {  	s29 =	smulhi.u32 $0x431BDE83, s28;
	s30 =	sshra.s32 s28, $0x1F;
	p6 =	sne.s32 s18, s26  }
0xc2: {  	s20 =	smul.u32 $0x431BDE83, s30;
	p0 =	por !p5, !p6  }
0xc3: {  	(v2sf) =	vpush v0, $0xE;
	s21 =	simm.s32 $0x1;
	p0 =	por !p0, !p0  }
0xc4: {  	s19 =	sadd.s32 s20, s29;
	s21 =	simm.s32 @!p0 $0x0  }
0xc5: {  	s22 =	sshrl.u32 s19, $0x1F;
	s19 =	sshra.s32 s19, $0x11;
	s16 =	ssub.s32 s16, s21  }
0xc6: {  	s19 =	sadd.s32 s22, s19;
	s31 =	smul.u32 $0x1F85EE0, s16  }
0xc7: {  	s23 =	ssub.s32 $0x0, s28;
	s21 =	smul.u32 $0xFFF85EE0, s19  }
0xc8: {  	p1 =	slt.s32 s28, $0x1;
	s16 =	smul.u32 $0x3D09000, s16;
	s20 =	sadd.s32 s17, s31  }
0xc9: {  	p2 =	sne.s32 s21, s23;
	s17 =	sshll.u32 s17, $0x7;
	s20 =	sshll.u32 s20, $0x7  }
0xca: {  	p0 =	por !p1, !p2;
	s17 =	sand.u32 $0x380, s17;
	s20 =	sand.u32 $0xFFFFFC00, s20  }
0xcb: {  	p0 =	por !p0, !p0;
	s16 =	sadd.s32 s16, s20;
	s20 =	simm.s32 $0x1  }
0xcc: {  	s16 =	sor.u32 s17, s16;
	s20 =	simm.s32 @!p0 $0x0  }
0xcd: {  	(v2sf) =	vpush v0, $0xF;
	s16 =	sshrl.u32 s16, $0x3;
	s24 =	ssub.s32 s19, s20  }
0xce: {  	s25 =	sadd.s32 $0xC80, s15;
	s16 =	sadd.s32 s3, s16;
	s20 =	smul.u32 $0x1F85EE0, s24  }
0xcf: {  	[tilespmem:s25], [sflag:$0x1] =	stream.linear.gather [hbm4b:s16+s2], $0x80, $0x38;
	[tilespmem:$0x19680] =	vst v63  }
0xd0: {  	s26 =	sadd.s32 s28, s20  }
0xd1: {  	s18 =	sshll.u32 s28, $0x7;
	s17 =	smul.u32 $0x3D09000, s24;
	s16 =	sshll.u32 s26, $0x7  }
0xd2: {  	s28 =	sand.u32 $0x380, s18;
	s18 =	spop (v2sf);
	s16 =	sand.u32 $0xFFFFFC00, s16  }
0xd3: {  	s29 =	smulhi.u32 $0x431BDE83, s18;
	s30 =	sshra.s32 s18, $0x1F;
	s16 =	sadd.s32 s17, s16  }
0xd4: {  	s19 =	smul.u32 $0x431BDE83, s30;
	s16 =	sor.u32 s28, s16  }
0xd5: {  	s16 =	sshrl.u32 s16, $0x3  }
0xd6: {  	s31 =	sadd.s32 $0xD00, s15;
	s21 =	sadd.s32 s19, s29;
	s16 =	sadd.s32 s3, s16  }
0xd7: {  	[tilespmem:s31], [sflag:$0x1] =	stream.linear.gather [hbm4b:s16+s2], $0x80, $0x38;
	[tilespmem:$0x19680] =	vst v63  }
0xd8: {  	s17 =	sshrl.u32 s21, $0x1F;
	s16 =	sshra.s32 s21, $0x11  }
0xd9: {  	s16 =	sadd.s32 s17, s16  }
0xda: {  	s17 =	smul.u32 $0xFFF85EE0, s16  }
0xdb: {  	s22 =	ssub.s32 $0x0, s18  }
0xdc: {  	p4 =	sne.s32 s17, s22;
	s17 =	spop (v2sf)  }
0xdd: {  	p3 =	slt.s32 s18, $0x1;
	s23 =	smulhi.u32 $0x431BDE83, s17;
	s24 =	sshra.s32 s17, $0x1F  }
0xde: {  	p0 =	por !p3, !p4;
	s20 =	smul.u32 $0x431BDE83, s24  }
0xdf: {  	s21 =	simm.s32 $0x1;
	p0 =	por !p0, !p0  }
0xe0: {  	s21 =	simm.s32 @!p0 $0x0;
	s19 =	sadd.s32 s20, s23  }
0xe1: {  	s16 =	ssub.s32 s16, s21;
	s26 =	sshrl.u32 s19, $0x1F;
	s19 =	sshra.s32 s19, $0x11  }
0xe2: {  	s25 =	smul.u32 $0x1F85EE0, s16;
	s19 =	sadd.s32 s26, s19  }
0xe3: {  	s28 =	ssub.s32 $0x0, s17;
	s21 =	smul.u32 $0xFFF85EE0, s19  }
0xe4: {  	p6 =	slt.s32 s17, $0x1;
	s16 =	smul.u32 $0x3D09000, s16;
	s20 =	sadd.s32 s18, s25  }
0xe5: {  	s18 =	sshll.u32 s18, $0x7;
	s20 =	sshll.u32 s20, $0x7;
	p5 =	sne.s32 s21, s28  }
0xe6: {  	s18 =	sand.u32 $0x380, s18;
	s20 =	sand.u32 $0xFFFFFC00, s20;
	p0 =	por !p6, !p5  }
0xe7: {  	s16 =	sadd.s32 s16, s20;
	s20 =	simm.s32 $0x1;
	p0 =	por !p0, !p0  }
0xe8: {  	s16 =	sor.u32 s18, s16;
	s20 =	simm.s32 @!p0 $0x0  }
0xe9: {  	s16 =	sshrl.u32 s16, $0x3;
	s29 =	ssub.s32 s19, s20  }
0xea: {  	s30 =	sadd.s32 $0xD80, s15;
	s16 =	sadd.s32 s3, s16;
	s20 =	smul.u32 $0x1F85EE0, s29  }
0xeb: {  	[tilespmem:s30], [sflag:$0x1] =	stream.linear.gather [hbm4b:s16+s2], $0x80, $0x38;
	[tilespmem:$0x19680] =	vst v63  }
0xec: {  	s31 =	sadd.s32 s17, s20  }
0xed: {  	s18 =	smul.u32 $0x3D09000, s29;
	s16 =	sshll.u32 s31, $0x7  }
0xee: {  	s17 =	sshll.u32 s17, $0x7;
	s16 =	sand.u32 $0xFFFFFC00, s16  }
0xef: {  	s17 =	sand.u32 $0x380, s17;
	s16 =	sadd.s32 s18, s16  }
0xf0: {  	s16 =	sor.u32 s17, s16  }
0xf1: {  	s13 =	sadd.s32 $0x2000, s13;
	s16 =	sshrl.u32 s16, $0x3  }
0xf2: {  	p1 =	sne.s32 s13, $0x64000;
	s15 =	sadd.s32 $0xE00, s15;
	s16 =	sadd.s32 s3, s16  }
0xf3: {  	[tilespmem:s15], [sflag:$0x1] =	stream.linear.gather [hbm4b:s16+s2], $0x80, $0x38;
	[tilespmem:$0x19680] =	vst v63  }
.Ltmp0:
0xf4: {  	p0 =	slt.u32 s14, $0x3;
	(pc) =	sbr.rel @p1 .LBB2_2-.Ltmp0, $4  }
0xf5: {  	s15 =	simm.s32 @!p0 $0x1  }
0xf6: {  	_ =	swait.ge @!p0 [sflag:s15], $0x800  }
0xf7: {  	[sflag:s15] =	ssyncset.done @!p0 $0x0  }
0xf8: {  	s12 =	sadd.s32 $0x10, s12;
	s14 =	sadd.s32 $0x1, s14;
	[sflag:s15] =	ssyncadd.s32 @!p0 $0xFFFFF800  }
0xf9: {  	_ =	swait.ge [sflag:s9], $0x800  }
0xfa: {  	[sflag:s9] =	ssyncset.done $0x0  }
0xfb: {  	[sflag:s9] =	ssyncadd.s32 $0xFFFFF800  }
0xfc: {  	_ =	swait.ge [sflag:s9], $0x800  }
0xfd: {  	[sflag:s9] =	ssyncset.done $0x0  }
0xfe: {  	[sflag:s9] =	ssyncadd.s32 $0xFFFFF800  }
0xff: {  	_ =	swait.ge [sflag:s9], $0x800  }
0x100: {  	[sflag:s9] =	ssyncset.done $0x0  }
0x101: {  	s12 =	simm.s32 $0x0;
	[sflag:s9] =	ssyncadd.s32 $0xFFFFF800  }
0x102: {  	[hbm4b:s5+s12] =	stream.linear.scatter [tilespmem:s10], [sflag:$0x2], $0x19000, $0x38;
	[tilespmem:$0x19680] =	vst v63  }
0x103: {  	_ =	swait.ge [sflag:s8], $0x19000  }
0x104: {  	[sflag:s8] =	ssyncset.done $0x0  }
0x105: {  	s13 =	simm.s32 $0x320;
	s14 =	simm.s32 $0x0;
	[sflag:s8] =	ssyncadd.s32 $0xFFFE7000  }
.LBB2_4:
0x106: {  	v0 =	vld [tilespmem:s13+$0x0];
	_ =	sdelay $0x4  }
0x107: {  	(v2sf) =	vpush v0, $0x0;
	_ =	sdelay $0x7  }
0x108: {  	(v2sf) =	vpush v0, $0x1;
	_ =	sdelay $0x6  }
0x109: {  	s15 =	spop (v2sf)  }
0x10a: {  	s16 =	smulhi.u32 $0x431BDE83, s15;
	s17 =	sshra.s32 s15, $0x1F  }
0x10b: {  	s17 =	smul.u32 $0x431BDE83, s17;
	_ =	sdelay $0x1  }
0x10c: {  	s16 =	sadd.s32 s17, s16  }
0x10d: {  	s17 =	sshrl.u32 s16, $0x1F;
	s16 =	sshra.s32 s16, $0x11  }
0x10e: {  	s16 =	sadd.s32 s17, s16  }
0x10f: {  	s17 =	smul.u32 $0xFFF85EE0, s16  }
0x110: {  	s18 =	ssub.s32 $0x0, s15;
	p0 =	slt.s32 s15, $0x1;
	s22 =	spop (v2sf)  }
0x111: {  	s23 =	smulhi.u32 $0x431BDE83, s22;
	s19 =	sshra.s32 s22, $0x1F;
	p1 =	sne.s32 s17, s18  }
0x112: {  	s19 =	smul.u32 $0x431BDE83, s19;
	p0 =	por !p0, !p1  }
0x113: {  	s20 =	simm.s32 $0x1;
	(v2sf) =	vpush v0, $0x2;
	p0 =	por !p0, !p0  }
0x114: {  	s18 =	sadd.s32 s19, s23;
	s20 =	simm.s32 @!p0 $0x0  }
0x115: {  	s25 =	sshrl.u32 s18, $0x1F;
	s18 =	sshra.s32 s18, $0x11;
	s16 =	ssub.s32 s16, s20  }
0x116: {  	s18 =	sadd.s32 s25, s18;
	s24 =	smul.u32 $0x1F85EE0, s16  }
0x117: {  	s21 =	ssub.s32 $0x0, s22;
	s20 =	smul.u32 $0xFFF85EE0, s18  }
0x118: {  	p1 =	slt.s32 s22, $0x1;
	s16 =	smul.u32 $0x3D09000, s16;
	s19 =	sadd.s32 s15, s24  }
0x119: {  	p2 =	sne.s32 s20, s21;
	s15 =	sshll.u32 s15, $0x7;
	s19 =	sshll.u32 s19, $0x7  }
0x11a: {  	p0 =	por !p1, !p2;
	s15 =	sand.u32 $0x380, s15;
	s19 =	sand.u32 $0xFFFFFC00, s19  }
0x11b: {  	p0 =	por !p0, !p0;
	s16 =	sadd.s32 s16, s19;
	s19 =	simm.s32 $0x1  }
0x11c: {  	(v2sf) =	vpush v0, $0x3;
	s16 =	sor.u32 s15, s16;
	s19 =	simm.s32 @!p0 $0x0  }
0x11d: {  	s15 =	sshra.s32 s12, $0x2;
	s16 =	sshrl.u32 s16, $0x3;
	s18 =	ssub.s32 s18, s19  }
0x11e: {  	s26 =	sadd.s32 $0x680, s15;
	s16 =	sadd.s32 s3, s16;
	s28 =	smul.u32 $0x1F85EE0, s18  }
0x11f: {  	[tilespmem:s26], [sflag:$0x1] =	stream.linear.gather [hbm4b:s16+s2], $0x80, $0x38;
	[tilespmem:$0x19680] =	vst v63  }
0x120: {  	s29 =	sadd.s32 s22, s28  }
0x121: {  	s17 =	sshll.u32 s22, $0x7;
	s18 =	smul.u32 $0x3D09000, s18;
	s16 =	sshll.u32 s29, $0x7  }
0x122: {  	s17 =	sand.u32 $0x380, s17;
	s30 =	spop (v2sf);
	s16 =	sand.u32 $0xFFFFFC00, s16  }
0x123: {  	s31 =	smulhi.u32 $0x431BDE83, s30;
	s20 =	sshra.s32 s30, $0x1F;
	s16 =	sadd.s32 s18, s16  }
0x124: {  	s19 =	smul.u32 $0x431BDE83, s20;
	s16 =	sor.u32 s17, s16  }
0x125: {  	s16 =	sshrl.u32 s16, $0x3  }
0x126: {  	s21 =	sadd.s32 $0x700, s15;
	s22 =	sadd.s32 s19, s31;
	s16 =	sadd.s32 s3, s16  }
0x127: {  	[tilespmem:s21], [sflag:$0x1] =	stream.linear.gather [hbm4b:s16+s2], $0x80, $0x38;
	[tilespmem:$0x19680] =	vst v63  }
0x128: {  	s18 =	sshrl.u32 s22, $0x1F;
	s16 =	sshra.s32 s22, $0x11  }
0x129: {  	s16 =	sadd.s32 s18, s16  }
0x12a: {  	s18 =	smul.u32 $0xFFF85EE0, s16  }
0x12b: {  	s23 =	ssub.s32 $0x0, s30;
	p3 =	slt.s32 s30, $0x1;
	s24 =	spop (v2sf)  }
0x12c: {  	s25 =	smulhi.u32 $0x431BDE83, s24;
	s26 =	sshra.s32 s24, $0x1F;
	p4 =	sne.s32 s18, s23  }
0x12d: {  	s20 =	smul.u32 $0x431BDE83, s26;
	p0 =	por !p3, !p4  }
0x12e: {  	s21 =	simm.s32 $0x1;
	p0 =	por !p0, !p0  }
0x12f: {  	s19 =	sadd.s32 s20, s25;
	s21 =	simm.s32 @!p0 $0x0  }
0x130: {  	(v2sf) =	vpush v0, $0x4;
	s29 =	sshrl.u32 s19, $0x1F;
	s19 =	sshra.s32 s19, $0x11;
	s16 =	ssub.s32 s16, s21  }
0x131: {  	s19 =	sadd.s32 s29, s19;
	s28 =	smul.u32 $0x1F85EE0, s16  }
0x132: {  	p5 =	slt.s32 s24, $0x1;
	s21 =	smul.u32 $0xFFF85EE0, s19  }
0x133: {  	s17 =	sshll.u32 s30, $0x7;
	s22 =	ssub.s32 $0x0, s24;
	s20 =	sadd.s32 s30, s28  }
0x134: {  	s16 =	smul.u32 $0x3D09000, s16;
	p6 =	sne.s32 s21, s22;
	s20 =	sshll.u32 s20, $0x7  }
0x135: {  	s17 =	sand.u32 $0x380, s17;
	p0 =	por !p5, !p6;
	s20 =	sand.u32 $0xFFFFFC00, s20  }
0x136: {  	p0 =	por !p0, !p0;
	s16 =	sadd.s32 s16, s20;
	s20 =	simm.s32 $0x1  }
0x137: {  	s16 =	sor.u32 s17, s16;
	s20 =	simm.s32 @!p0 $0x0  }
0x138: {  	(v2sf) =	vpush v0, $0x5;
	s16 =	sshrl.u32 s16, $0x3;
	s30 =	ssub.s32 s19, s20  }
0x139: {  	s31 =	sadd.s32 $0x780, s15;
	s16 =	sadd.s32 s3, s16;
	s20 =	smul.u32 $0x1F85EE0, s30  }
0x13a: {  	[tilespmem:s31], [sflag:$0x1] =	stream.linear.gather [hbm4b:s16+s2], $0x80, $0x38;
	[tilespmem:$0x19680] =	vst v63  }
0x13b: {  	s20 =	sadd.s32 s24, s20  }
0x13c: {  	s17 =	smul.u32 $0x3D09000, s30;
	s16 =	sshll.u32 s20, $0x7  }
0x13d: {  	s18 =	sshll.u32 s24, $0x7;
	s16 =	sand.u32 $0xFFFFFC00, s16  }
0x13e: {  	s21 =	sand.u32 $0x380, s18;
	s16 =	sadd.s32 s17, s16  }
0x13f: {  	s17 =	spop (v2sf);
	s16 =	sor.u32 s21, s16  }
0x140: {  	s22 =	smulhi.u32 $0x431BDE83, s17;
	s23 =	sshra.s32 s17, $0x1F;
	s16 =	sshrl.u32 s16, $0x3  }
0x141: {  	s24 =	sadd.s32 $0x800, s15;
	s19 =	smul.u32 $0x431BDE83, s23;
	s16 =	sadd.s32 s3, s16  }
0x142: {  	[tilespmem:s24], [sflag:$0x1] =	stream.linear.gather [hbm4b:s16+s2], $0x80, $0x38;
	[tilespmem:$0x19680] =	vst v63  }
0x143: {  	s25 =	sadd.s32 s19, s22  }
0x144: {  	s18 =	sshrl.u32 s25, $0x1F;
	s16 =	sshra.s32 s25, $0x11  }
0x145: {  	s16 =	sadd.s32 s18, s16  }
0x146: {  	s18 =	smul.u32 $0xFFF85EE0, s16  }
0x147: {  	s26 =	ssub.s32 $0x0, s17;
	p1 =	slt.s32 s17, $0x1;
	s28 =	spop (v2sf)  }
0x148: {  	s29 =	smulhi.u32 $0x431BDE83, s28;
	s30 =	sshra.s32 s28, $0x1F;
	p2 =	sne.s32 s18, s26  }
0x149: {  	s20 =	smul.u32 $0x431BDE83, s30;
	p0 =	por !p1, !p2  }
0x14a: {  	s21 =	simm.s32 $0x1;
	p0 =	por !p0, !p0  }
0x14b: {  	s19 =	sadd.s32 s20, s29;
	s21 =	simm.s32 @!p0 $0x0  }
0x14c: {  	(v2sf) =	vpush v0, $0x6;
	s22 =	sshrl.u32 s19, $0x1F;
	s19 =	sshra.s32 s19, $0x11;
	s16 =	ssub.s32 s16, s21  }
0x14d: {  	s19 =	sadd.s32 s22, s19;
	s31 =	smul.u32 $0x1F85EE0, s16  }
0x14e: {  	s23 =	ssub.s32 $0x0, s28;
	s21 =	smul.u32 $0xFFF85EE0, s19  }
0x14f: {  	p3 =	slt.s32 s28, $0x1;
	s16 =	smul.u32 $0x3D09000, s16;
	s20 =	sadd.s32 s17, s31  }
0x150: {  	p4 =	sne.s32 s21, s23;
	s17 =	sshll.u32 s17, $0x7;
	s20 =	sshll.u32 s20, $0x7  }
0x151: {  	p0 =	por !p3, !p4;
	s17 =	sand.u32 $0x380, s17;
	s20 =	sand.u32 $0xFFFFFC00, s20  }
0x152: {  	p0 =	por !p0, !p0;
	s16 =	sadd.s32 s16, s20;
	s20 =	simm.s32 $0x1  }
0x153: {  	s16 =	sor.u32 s17, s16;
	s20 =	simm.s32 @!p0 $0x0  }
0x154: {  	(v2sf) =	vpush v0, $0x7;
	s16 =	sshrl.u32 s16, $0x3;
	s24 =	ssub.s32 s19, s20  }
0x155: {  	s25 =	sadd.s32 $0x880, s15;
	s16 =	sadd.s32 s3, s16;
	s20 =	smul.u32 $0x1F85EE0, s24  }
0x156: {  	[tilespmem:s25], [sflag:$0x1] =	stream.linear.gather [hbm4b:s16+s2], $0x80, $0x38;
	[tilespmem:$0x19680] =	vst v63  }
0x157: {  	s26 =	sadd.s32 s28, s20  }
0x158: {  	s17 =	smul.u32 $0x3D09000, s24;
	s16 =	sshll.u32 s26, $0x7  }
0x159: {  	s18 =	sshll.u32 s28, $0x7;
	s16 =	sand.u32 $0xFFFFFC00, s16  }
0x15a: {  	s28 =	sand.u32 $0x380, s18;
	s16 =	sadd.s32 s17, s16  }
0x15b: {  	s17 =	spop (v2sf);
	s16 =	sor.u32 s28, s16  }
0x15c: {  	s29 =	smulhi.u32 $0x431BDE83, s17;
	s30 =	sshra.s32 s17, $0x1F;
	s16 =	sshrl.u32 s16, $0x3  }
0x15d: {  	s31 =	sadd.s32 $0x900, s15;
	s19 =	smul.u32 $0x431BDE83, s30;
	s16 =	sadd.s32 s3, s16  }
0x15e: {  	[tilespmem:s31], [sflag:$0x1] =	stream.linear.gather [hbm4b:s16+s2], $0x80, $0x38;
	[tilespmem:$0x19680] =	vst v63  }
0x15f: {  	s21 =	sadd.s32 s19, s29  }
0x160: {  	s18 =	sshrl.u32 s21, $0x1F;
	s16 =	sshra.s32 s21, $0x11  }
0x161: {  	s16 =	sadd.s32 s18, s16  }
0x162: {  	s18 =	smul.u32 $0xFFF85EE0, s16  }
0x163: {  	s22 =	ssub.s32 $0x0, s17;
	p5 =	slt.s32 s17, $0x1;
	s23 =	spop (v2sf)  }
0x164: {  	s24 =	smulhi.u32 $0x431BDE83, s23;
	s25 =	sshra.s32 s23, $0x1F;
	p6 =	sne.s32 s18, s22  }
0x165: {  	s20 =	smul.u32 $0x431BDE83, s25;
	p0 =	por !p5, !p6  }
0x166: {  	s21 =	simm.s32 $0x1;
	p0 =	por !p0, !p0  }
0x167: {  	s19 =	sadd.s32 s20, s24;
	s21 =	simm.s32 @!p0 $0x0  }
0x168: {  	(v2sf) =	vpush v0, $0x8;
	s28 =	sshrl.u32 s19, $0x1F;
	s19 =	sshra.s32 s19, $0x11;
	s16 =	ssub.s32 s16, s21  }
0x169: {  	s19 =	sadd.s32 s28, s19;
	s26 =	smul.u32 $0x1F85EE0, s16  }
0x16a: {  	p1 =	slt.s32 s23, $0x1;
	s21 =	smul.u32 $0xFFF85EE0, s19  }
0x16b: {  	s29 =	ssub.s32 $0x0, s23;
	s16 =	smul.u32 $0x3D09000, s16;
	s20 =	sadd.s32 s17, s26  }
0x16c: {  	p2 =	sne.s32 s21, s29;
	s17 =	sshll.u32 s17, $0x7;
	s20 =	sshll.u32 s20, $0x7  }
0x16d: {  	p0 =	por !p1, !p2;
	s17 =	sand.u32 $0x380, s17;
	s20 =	sand.u32 $0xFFFFFC00, s20  }
0x16e: {  	p0 =	por !p0, !p0;
	s16 =	sadd.s32 s16, s20;
	s20 =	simm.s32 $0x1  }
0x16f: {  	s16 =	sor.u32 s17, s16;
	s20 =	simm.s32 @!p0 $0x0  }
0x170: {  	(v2sf) =	vpush v0, $0x9;
	s16 =	sshrl.u32 s16, $0x3;
	s30 =	ssub.s32 s19, s20  }
0x171: {  	s31 =	sadd.s32 $0x980, s15;
	s16 =	sadd.s32 s3, s16;
	s20 =	smul.u32 $0x1F85EE0, s30  }
0x172: {  	[tilespmem:s31], [sflag:$0x1] =	stream.linear.gather [hbm4b:s16+s2], $0x80, $0x38;
	[tilespmem:$0x19680] =	vst v63  }
0x173: {  	s20 =	sadd.s32 s23, s20  }
0x174: {  	s17 =	smul.u32 $0x3D09000, s30;
	s16 =	sshll.u32 s20, $0x7  }
0x175: {  	s18 =	sshll.u32 s23, $0x7;
	s16 =	sand.u32 $0xFFFFFC00, s16  }
0x176: {  	s21 =	sand.u32 $0x380, s18;
	s16 =	sadd.s32 s17, s16  }
0x177: {  	s17 =	spop (v2sf);
	s16 =	sor.u32 s21, s16  }
0x178: {  	s22 =	smulhi.u32 $0x431BDE83, s17;
	s23 =	sshra.s32 s17, $0x1F;
	s16 =	sshrl.u32 s16, $0x3  }
0x179: {  	s24 =	sadd.s32 $0xA00, s15;
	s19 =	smul.u32 $0x431BDE83, s23;
	s16 =	sadd.s32 s3, s16  }
0x17a: {  	[tilespmem:s24], [sflag:$0x1] =	stream.linear.gather [hbm4b:s16+s2], $0x80, $0x38;
	[tilespmem:$0x19680] =	vst v63  }
0x17b: {  	s25 =	sadd.s32 s19, s22  }
0x17c: {  	s18 =	sshrl.u32 s25, $0x1F;
	s16 =	sshra.s32 s25, $0x11  }
0x17d: {  	s16 =	sadd.s32 s18, s16  }
0x17e: {  	s18 =	smul.u32 $0xFFF85EE0, s16  }
0x17f: {  	s26 =	ssub.s32 $0x0, s17;
	p3 =	slt.s32 s17, $0x1;
	s28 =	spop (v2sf)  }
0x180: {  	s29 =	smulhi.u32 $0x431BDE83, s28;
	s30 =	sshra.s32 s28, $0x1F;
	p4 =	sne.s32 s18, s26  }
0x181: {  	s20 =	smul.u32 $0x431BDE83, s30;
	p0 =	por !p3, !p4  }
0x182: {  	s21 =	simm.s32 $0x1;
	p0 =	por !p0, !p0  }
0x183: {  	s19 =	sadd.s32 s20, s29;
	s21 =	simm.s32 @!p0 $0x0  }
0x184: {  	(v2sf) =	vpush v0, $0xA;
	s22 =	sshrl.u32 s19, $0x1F;
	s19 =	sshra.s32 s19, $0x11;
	s16 =	ssub.s32 s16, s21  }
0x185: {  	s19 =	sadd.s32 s22, s19;
	s31 =	smul.u32 $0x1F85EE0, s16  }
0x186: {  	s23 =	ssub.s32 $0x0, s28;
	s21 =	smul.u32 $0xFFF85EE0, s19  }
0x187: {  	p5 =	slt.s32 s28, $0x1;
	s16 =	smul.u32 $0x3D09000, s16;
	s20 =	sadd.s32 s17, s31  }
0x188: {  	p6 =	sne.s32 s21, s23;
	s17 =	sshll.u32 s17, $0x7;
	s20 =	sshll.u32 s20, $0x7  }
0x189: {  	p0 =	por !p5, !p6;
	s17 =	sand.u32 $0x380, s17;
	s20 =	sand.u32 $0xFFFFFC00, s20  }
0x18a: {  	p0 =	por !p0, !p0;
	s16 =	sadd.s32 s16, s20;
	s20 =	simm.s32 $0x1  }
0x18b: {  	s16 =	sor.u32 s17, s16;
	s20 =	simm.s32 @!p0 $0x0  }
0x18c: {  	(v2sf) =	vpush v0, $0xB;
	s16 =	sshrl.u32 s16, $0x3;
	s24 =	ssub.s32 s19, s20  }
0x18d: {  	s25 =	sadd.s32 $0xA80, s15;
	s16 =	sadd.s32 s3, s16;
	s20 =	smul.u32 $0x1F85EE0, s24  }
0x18e: {  	[tilespmem:s25], [sflag:$0x1] =	stream.linear.gather [hbm4b:s16+s2], $0x80, $0x38;
	[tilespmem:$0x19680] =	vst v63  }
0x18f: {  	s26 =	sadd.s32 s28, s20  }
0x190: {  	s17 =	smul.u32 $0x3D09000, s24;
	s16 =	sshll.u32 s26, $0x7  }
0x191: {  	s18 =	sshll.u32 s28, $0x7;
	s16 =	sand.u32 $0xFFFFFC00, s16  }
0x192: {  	s28 =	sand.u32 $0x380, s18;
	s16 =	sadd.s32 s17, s16  }
0x193: {  	s17 =	spop (v2sf);
	s16 =	sor.u32 s28, s16  }
0x194: {  	s29 =	smulhi.u32 $0x431BDE83, s17;
	s30 =	sshra.s32 s17, $0x1F;
	s16 =	sshrl.u32 s16, $0x3  }
0x195: {  	s31 =	sadd.s32 $0xB00, s15;
	s19 =	smul.u32 $0x431BDE83, s30;
	s16 =	sadd.s32 s3, s16  }
0x196: {  	[tilespmem:s31], [sflag:$0x1] =	stream.linear.gather [hbm4b:s16+s2], $0x80, $0x38;
	[tilespmem:$0x19680] =	vst v63  }
0x197: {  	s21 =	sadd.s32 s19, s29  }
0x198: {  	s18 =	sshrl.u32 s21, $0x1F;
	s16 =	sshra.s32 s21, $0x11  }
0x199: {  	s16 =	sadd.s32 s18, s16  }
0x19a: {  	s18 =	smul.u32 $0xFFF85EE0, s16  }
0x19b: {  	s22 =	ssub.s32 $0x0, s17;
	p1 =	slt.s32 s17, $0x1;
	s23 =	spop (v2sf)  }
0x19c: {  	s24 =	smulhi.u32 $0x431BDE83, s23;
	s25 =	sshra.s32 s23, $0x1F;
	p2 =	sne.s32 s18, s22  }
0x19d: {  	s20 =	smul.u32 $0x431BDE83, s25;
	p0 =	por !p1, !p2  }
0x19e: {  	s21 =	simm.s32 $0x1;
	p0 =	por !p0, !p0  }
0x19f: {  	s19 =	sadd.s32 s20, s24;
	s21 =	simm.s32 @!p0 $0x0  }
0x1a0: {  	(v2sf) =	vpush v0, $0xC;
	s28 =	sshrl.u32 s19, $0x1F;
	s19 =	sshra.s32 s19, $0x11;
	s16 =	ssub.s32 s16, s21  }
0x1a1: {  	s19 =	sadd.s32 s28, s19;
	s26 =	smul.u32 $0x1F85EE0, s16  }
0x1a2: {  	p3 =	slt.s32 s23, $0x1;
	s21 =	smul.u32 $0xFFF85EE0, s19  }
0x1a3: {  	s29 =	ssub.s32 $0x0, s23;
	s16 =	smul.u32 $0x3D09000, s16;
	s20 =	sadd.s32 s17, s26  }
0x1a4: {  	p4 =	sne.s32 s21, s29;
	s17 =	sshll.u32 s17, $0x7;
	s20 =	sshll.u32 s20, $0x7  }
0x1a5: {  	p0 =	por !p3, !p4;
	s17 =	sand.u32 $0x380, s17;
	s20 =	sand.u32 $0xFFFFFC00, s20  }
0x1a6: {  	p0 =	por !p0, !p0;
	s16 =	sadd.s32 s16, s20;
	s20 =	simm.s32 $0x1  }
0x1a7: {  	s16 =	sor.u32 s17, s16;
	s20 =	simm.s32 @!p0 $0x0  }
0x1a8: {  	(v2sf) =	vpush v0, $0xD;
	s16 =	sshrl.u32 s16, $0x3;
	s30 =	ssub.s32 s19, s20  }
0x1a9: {  	s31 =	sadd.s32 $0xB80, s15;
	s16 =	sadd.s32 s3, s16;
	s20 =	smul.u32 $0x1F85EE0, s30  }
0x1aa: {  	[tilespmem:s31], [sflag:$0x1] =	stream.linear.gather [hbm4b:s16+s2], $0x80, $0x38;
	[tilespmem:$0x19680] =	vst v63  }
0x1ab: {  	s20 =	sadd.s32 s23, s20  }
0x1ac: {  	s17 =	smul.u32 $0x3D09000, s30;
	s16 =	sshll.u32 s20, $0x7  }
0x1ad: {  	s18 =	sshll.u32 s23, $0x7;
	s16 =	sand.u32 $0xFFFFFC00, s16  }
0x1ae: {  	s21 =	sand.u32 $0x380, s18;
	s16 =	sadd.s32 s17, s16  }
0x1af: {  	s17 =	spop (v2sf);
	s16 =	sor.u32 s21, s16  }
0x1b0: {  	s22 =	smulhi.u32 $0x431BDE83, s17;
	s23 =	sshra.s32 s17, $0x1F;
	s16 =	sshrl.u32 s16, $0x3  }
0x1b1: {  	s24 =	sadd.s32 $0xC00, s15;
	s19 =	smul.u32 $0x431BDE83, s23;
	s16 =	sadd.s32 s3, s16  }
0x1b2: {  	[tilespmem:s24], [sflag:$0x1] =	stream.linear.gather [hbm4b:s16+s2], $0x80, $0x38;
	[tilespmem:$0x19680] =	vst v63  }
0x1b3: {  	s25 =	sadd.s32 s19, s22  }
0x1b4: {  	s18 =	sshrl.u32 s25, $0x1F;
	s16 =	sshra.s32 s25, $0x11  }
0x1b5: {  	s16 =	sadd.s32 s18, s16  }
0x1b6: {  	s18 =	smul.u32 $0xFFF85EE0, s16  }
0x1b7: {  	s26 =	ssub.s32 $0x0, s17;
	p5 =	slt.s32 s17, $0x1;
	s28 =	spop (v2sf)  }
0x1b8: {  	s29 =	smulhi.u32 $0x431BDE83, s28;
	s30 =	sshra.s32 s28, $0x1F;
	p6 =	sne.s32 s18, s26  }
0x1b9: {  	s20 =	smul.u32 $0x431BDE83, s30;
	p0 =	por !p5, !p6  }
0x1ba: {  	(v2sf) =	vpush v0, $0xE;
	s21 =	simm.s32 $0x1;
	p0 =	por !p0, !p0  }
0x1bb: {  	s19 =	sadd.s32 s20, s29;
	s21 =	simm.s32 @!p0 $0x0  }
0x1bc: {  	s22 =	sshrl.u32 s19, $0x1F;
	s19 =	sshra.s32 s19, $0x11;
	s16 =	ssub.s32 s16, s21  }
0x1bd: {  	s19 =	sadd.s32 s22, s19;
	s31 =	smul.u32 $0x1F85EE0, s16  }
0x1be: {  	s23 =	ssub.s32 $0x0, s28;
	s21 =	smul.u32 $0xFFF85EE0, s19  }
0x1bf: {  	p1 =	slt.s32 s28, $0x1;
	s16 =	smul.u32 $0x3D09000, s16;
	s20 =	sadd.s32 s17, s31  }
0x1c0: {  	p2 =	sne.s32 s21, s23;
	s17 =	sshll.u32 s17, $0x7;
	s20 =	sshll.u32 s20, $0x7  }
0x1c1: {  	p0 =	por !p1, !p2;
	s17 =	sand.u32 $0x380, s17;
	s20 =	sand.u32 $0xFFFFFC00, s20  }
0x1c2: {  	p0 =	por !p0, !p0;
	s16 =	sadd.s32 s16, s20;
	s20 =	simm.s32 $0x1  }
0x1c3: {  	s16 =	sor.u32 s17, s16;
	s20 =	simm.s32 @!p0 $0x0  }
0x1c4: {  	(v2sf) =	vpush v0, $0xF;
	s16 =	sshrl.u32 s16, $0x3;
	s24 =	ssub.s32 s19, s20  }
0x1c5: {  	s25 =	sadd.s32 $0xC80, s15;
	s16 =	sadd.s32 s3, s16;
	s20 =	smul.u32 $0x1F85EE0, s24  }
0x1c6: {  	[tilespmem:s25], [sflag:$0x1] =	stream.linear.gather [hbm4b:s16+s2], $0x80, $0x38;
	[tilespmem:$0x19680] =	vst v63  }
0x1c7: {  	s26 =	sadd.s32 s28, s20  }
0x1c8: {  	s18 =	sshll.u32 s28, $0x7;
	s17 =	smul.u32 $0x3D09000, s24;
	s16 =	sshll.u32 s26, $0x7  }
0x1c9: {  	s28 =	sand.u32 $0x380, s18;
	s18 =	spop (v2sf);
	s16 =	sand.u32 $0xFFFFFC00, s16  }
0x1ca: {  	s29 =	smulhi.u32 $0x431BDE83, s18;
	s30 =	sshra.s32 s18, $0x1F;
	s16 =	sadd.s32 s17, s16  }
0x1cb: {  	s19 =	smul.u32 $0x431BDE83, s30;
	s16 =	sor.u32 s28, s16  }
0x1cc: {  	s16 =	sshrl.u32 s16, $0x3  }
0x1cd: {  	s31 =	sadd.s32 $0xD00, s15;
	s21 =	sadd.s32 s19, s29;
	s16 =	sadd.s32 s3, s16  }
0x1ce: {  	[tilespmem:s31], [sflag:$0x1] =	stream.linear.gather [hbm4b:s16+s2], $0x80, $0x38;
	[tilespmem:$0x19680] =	vst v63  }
0x1cf: {  	s17 =	sshrl.u32 s21, $0x1F;
	s16 =	sshra.s32 s21, $0x11  }
0x1d0: {  	s16 =	sadd.s32 s17, s16  }
0x1d1: {  	s17 =	smul.u32 $0xFFF85EE0, s16  }
0x1d2: {  	s22 =	ssub.s32 $0x0, s18  }
0x1d3: {  	p4 =	sne.s32 s17, s22;
	s17 =	spop (v2sf)  }
0x1d4: {  	p3 =	slt.s32 s18, $0x1;
	s23 =	smulhi.u32 $0x431BDE83, s17;
	s24 =	sshra.s32 s17, $0x1F  }
0x1d5: {  	p0 =	por !p3, !p4;
	s20 =	smul.u32 $0x431BDE83, s24  }
0x1d6: {  	s21 =	simm.s32 $0x1;
	p0 =	por !p0, !p0  }
0x1d7: {  	s21 =	simm.s32 @!p0 $0x0;
	s19 =	sadd.s32 s20, s23  }
0x1d8: {  	s16 =	ssub.s32 s16, s21;
	s26 =	sshrl.u32 s19, $0x1F;
	s19 =	sshra.s32 s19, $0x11  }
0x1d9: {  	s25 =	smul.u32 $0x1F85EE0, s16;
	s19 =	sadd.s32 s26, s19  }
0x1da: {  	s28 =	ssub.s32 $0x0, s17;
	s21 =	smul.u32 $0xFFF85EE0, s19  }
0x1db: {  	p6 =	slt.s32 s17, $0x1;
	s16 =	smul.u32 $0x3D09000, s16;
	s20 =	sadd.s32 s18, s25  }
0x1dc: {  	s18 =	sshll.u32 s18, $0x7;
	s20 =	sshll.u32 s20, $0x7;
	p5 =	sne.s32 s21, s28  }
0x1dd: {  	s18 =	sand.u32 $0x380, s18;
	s20 =	sand.u32 $0xFFFFFC00, s20;
	p0 =	por !p6, !p5  }
0x1de: {  	s16 =	sadd.s32 s16, s20;
	s20 =	simm.s32 $0x1;
	p0 =	por !p0, !p0  }
0x1df: {  	s16 =	sor.u32 s18, s16;
	s20 =	simm.s32 @!p0 $0x0  }
0x1e0: {  	s16 =	sshrl.u32 s16, $0x3;
	s29 =	ssub.s32 s19, s20  }
0x1e1: {  	s30 =	sadd.s32 $0xD80, s15;
	s16 =	sadd.s32 s3, s16;
	s20 =	smul.u32 $0x1F85EE0, s29  }
0x1e2: {  	[tilespmem:s30], [sflag:$0x1] =	stream.linear.gather [hbm4b:s16+s2], $0x80, $0x38;
	[tilespmem:$0x19680] =	vst v63  }
0x1e3: {  	s31 =	sadd.s32 s17, s20  }
0x1e4: {  	s18 =	smul.u32 $0x3D09000, s29;
	s16 =	sshll.u32 s31, $0x7  }
0x1e5: {  	s17 =	sshll.u32 s17, $0x7;
	s16 =	sand.u32 $0xFFFFFC00, s16  }
0x1e6: {  	s17 =	sand.u32 $0x380, s17;
	s16 =	sadd.s32 s18, s16  }
0x1e7: {  	s16 =	sor.u32 s17, s16  }
0x1e8: {  	s12 =	sadd.s32 $0x2000, s12;
	s16 =	sshrl.u32 s16, $0x3  }
0x1e9: {  	p1 =	sne.s32 s12, $0x64000;
	s15 =	sadd.s32 $0xE00, s15;
	s16 =	sadd.s32 s3, s16  }
0x1ea: {  	[tilespmem:s15], [sflag:$0x1] =	stream.linear.gather [hbm4b:s16+s2], $0x80, $0x38;
	[tilespmem:$0x19680] =	vst v63  }
.Ltmp1:
0x1eb: {  	p0 =	slt.u32 s14, $0x3;
	(pc) =	sbr.rel @p1 .LBB2_4-.Ltmp1, $4  }
0x1ec: {  	s15 =	simm.s32 @!p0 $0x1  }
0x1ed: {  	_ =	swait.ge @!p0 [sflag:s15], $0x800  }
0x1ee: {  	[sflag:s15] =	ssyncset.done @!p0 $0x0  }
0x1ef: {  	s13 =	sadd.s32 $0x10, s13;
	s14 =	sadd.s32 $0x1, s14;
	[sflag:s15] =	ssyncadd.s32 @!p0 $0xFFFFF800  }
0x1f0: {  	_ =	swait.ge [sflag:s9], $0x800  }
0x1f1: {  	[sflag:s9] =	ssyncset.done $0x0  }
0x1f2: {  	[sflag:s9] =	ssyncadd.s32 $0xFFFFF800  }
0x1f3: {  	_ =	swait.ge [sflag:s9], $0x800  }
0x1f4: {  	[sflag:s9] =	ssyncset.done $0x0  }
0x1f5: {  	[sflag:s9] =	ssyncadd.s32 $0xFFFFF800  }
0x1f6: {  	s11 =	sadd.s32 $0x1, s11;
	_ =	swait.ge [sflag:s9], $0x800  }
0x1f7: {  	p0 =	sne.s32 s11, s7;
	[sflag:s9] =	ssyncset.done $0x0  }
.Ltmp2:
0x1f8: {  	[sflag:s9] =	ssyncadd.s32 $0xFFFFF800;
	(pc) =	sbr.rel @p0 .LBB2_1-.Ltmp2, $4  }
0x1f9: {  	[hbm4b:s6+s2] =	stream.linear.scatter [tilespmem:s10], [sflag:$0x2], $0x19000, $0x38;
	[tilespmem:$0x19680] =	vst v63  }
0x1fa: {  	_ =	swait.ge [sflag:s8], $0x19000  }
0x1fb: {  	[sflag:s8] =	ssyncset.done $0x0  }
0x1fc: {  	[sflag:s8] =	ssyncadd.s32 $0xFFFE7000  }
0x1fd: {  	_ =	sfence.sel $0x180000  }
0x1fe: {  	[bflag:$0x0] =	sbarrier.arrive $0xFFFF  }
0x1ff: {  	p0 =	sne.s32 s0, $0x0;
	_ =	strace $0x90000047  }
0x200: {  	s0 =	sadd.s32 @!p0 $0x100000, s1;
	[bflag:$0x2] =	sbarrier.arrive $0xFFFF  }
0x201: {  	[sflag:s0] =	ssyncadd.tile.s32 @!p0 $0x1;
	_ =	shalt  }
.Lfunc_end2:
_tile_overlayer_lowered:
.L_overlay_start_2:
0x202: {  	(tag) =	ssettag $0x2  }
0x203: {  	s0 =	rddreg [dreg:$0x0];
	s2 =	stileid.u32  }
0x204: {  	s1 =	rddreg [dreg:$0x1];
	p0 =	sne.s32 s2, $0x0  }
0x205: {  	s3 =	rddreg [dreg:$0x2];
	[bflag:$0x3] =	sbarrier.arrive $0xFFFF;
	s2 =	simm.s32 @!p0 $0x1C02  }
0x206: {  	[timem:s3], [sflag:s2] =	dma.local @!p0 [hbm:s0], s1  }
0x207: {  	s0 =	simm.s32 @!p0 $0x2  }
0x208: {  	_ =	swait.ge @!p0 [sflag:s0], s1  }
0x209: {  	s1 =	ssub.s32 @!p0 $0x0, s1;
	[sflag:s0] =	ssyncset.done @!p0 $0x0  }
0x20a: {  	[sflag:s0] =	ssyncadd.s32 @!p0 s1  }
0x20b: {  	[bflag:$0x3] =	sbarrier.arrive $0xFFFF  }
0x20c: {  	_ =	shalt  }

</sc_bundles>
